<compile_context>
chip_gen: v7x
topology: tpu7x:2x2x1
jax: 0.10.2.dev20260603
libtpu: 0.0.44.dev20260713+nightly
codegen_flags: <defaults>
</compile_context>

<pallas_src>
import functools

import jax
import jax.numpy as jnp
from jax import lax
from jax.experimental import pallas as pl
from jax.experimental.pallas import tpu as pltpu
from jax.experimental.pallas import tpu_sc as plsc

B = 16384
NUM_STAGES = 16
NUM_VIEWS = 8
NUM_COMBOS = NUM_STAGES * NUM_VIEWS
EMBED = 1024
HIDDEN = 4096
EXPERTS = 64


K_STEPS = 4
HBLK = HIDDEN // K_STEPS


def _table_body(st_ref, vt_ref, w1_ref, b1_ref, w2t_ref, b2_ref,
                probs_t_ref, sel_ref, ct_ref, h_ref):
    k = pl.program_id(0)

    @pl.when(k == 0)
    def _build_combos():
        sbc = jnp.broadcast_to(st_ref[...][:, None, :],
                               (NUM_STAGES, NUM_VIEWS, EMBED))
        vbc = jnp.broadcast_to(vt_ref[...][None, :, :],
                               (NUM_STAGES, NUM_VIEWS, EMBED))
        ct_ref[:, :EMBED] = sbc.reshape(NUM_COMBOS, EMBED)
        ct_ref[:, EMBED:] = vbc.reshape(NUM_COMBOS, EMBED)

    h = jnp.dot(ct_ref[...], w1_ref[...], preferred_element_type=jnp.float32)
    h_ref[:, pl.ds(k * HBLK, HBLK)] = jnp.maximum(h + b1_ref[...], 0.0)

    @pl.when(k == K_STEPS - 1)
    def _finish():
        logits = lax.dot_general(
            h_ref[...], w2t_ref[...], (((1,), (1,)), ((), ())),
            preferred_element_type=jnp.float32) + b2_ref[...]
        m = jnp.max(logits, axis=-1, keepdims=True)
        e = jnp.exp(logits - m)
        p = e / jnp.sum(e, axis=-1, keepdims=True)
        probs_t_ref[...] = jnp.transpose(p)
        pmax = jnp.max(p, axis=-1, keepdims=True)
        col = lax.broadcasted_iota(jnp.int32, (NUM_COMBOS, EXPERTS), 1)
        cand = jnp.where(p == pmax, col, EXPERTS)
        sel_ref[...] = jnp.min(cand, axis=-1)


_table_call = pl.pallas_call(
    _table_body,
    grid=(K_STEPS,),
    in_specs=[
        pl.BlockSpec((NUM_STAGES, EMBED), lambda k: (0, 0)),
        pl.BlockSpec((NUM_VIEWS, EMBED), lambda k: (0, 0)),
        pl.BlockSpec((2 * EMBED, HBLK), lambda k: (0, k)),
        pl.BlockSpec((1, HBLK), lambda k: (0, k)),
        pl.BlockSpec((EXPERTS, HIDDEN), lambda k: (0, 0)),
        pl.BlockSpec((1, EXPERTS), lambda k: (0, 0)),
    ],
    out_specs=[
        pl.BlockSpec((EXPERTS, NUM_COMBOS), lambda k: (0, 0)),
        pl.BlockSpec((NUM_COMBOS,), lambda k: (0,)),
    ],
    out_shape=[
        jax.ShapeDtypeStruct((EXPERTS, NUM_COMBOS), jnp.float32),
        jax.ShapeDtypeStruct((NUM_COMBOS,), jnp.int32),
    ],
    scratch_shapes=[
        pltpu.VMEM((NUM_COMBOS, 2 * EMBED), jnp.float32),
        pltpu.VMEM((NUM_COMBOS, HIDDEN), jnp.float32),
    ],
)


NC, NS, L = 2, 16, 16
NW = NC * NS
BPW = B // NW
GROUPS = BPW // L


@functools.partial(
    pl.kernel,
    out_type=(jax.ShapeDtypeStruct((EXPERTS, B), jnp.float32),
              jax.ShapeDtypeStruct((B,), jnp.int32)),
    mesh=plsc.VectorSubcoreMesh(core_axis_name="c", subcore_axis_name="s"),
    scratch_types=[
        pltpu.VMEM((BPW,), jnp.int32),
        pltpu.VMEM((BPW,), jnp.int32),
        pltpu.VMEM((BPW,), jnp.int32),
        pltpu.VMEM((NUM_COMBOS,), jnp.int32),
        pltpu.VMEM((BPW,), jnp.int32),
        pltpu.VMEM((EXPERTS, NUM_COMBOS), jnp.float32),
        pltpu.VMEM((EXPERTS, BPW), jnp.float32),
        pltpu.SemaphoreType.DMA,
        pltpu.SemaphoreType.DMA,
    ],
    compiler_params=pltpu.CompilerParams(needs_layout_passes=False,
                                         use_tc_tiling_on_sc=True),
)
def _lookup_call(ptabt_hbm, asel_hbm, sid_hbm, vid_hbm, probs_hbm, sel_hbm,
                 s_v, v_v, idx_v, asel_v, sel_v, tab_v, rows_v, sem, wsem):
    wid = lax.axis_index("s") * NC + lax.axis_index("c")
    base = wid * BPW
    in0 = pltpu.async_copy(sid_hbm.at[pl.ds(base, BPW)], s_v, sem)
    in1 = pltpu.async_copy(vid_hbm.at[pl.ds(base, BPW)], v_v, sem)
    in2 = pltpu.async_copy(asel_hbm, asel_v, sem)
    in3 = pltpu.async_copy(ptabt_hbm, tab_v, sem)
    in0.wait()
    in1.wait()
    in2.wait()
    in3.wait()
    @plsc.parallel_loop(0, GROUPS, unroll=8)
    def idx_body(g):
        s16 = s_v[pl.ds(g * L, L)]
        v16 = v_v[pl.ds(g * L, L)]
        idx16 = s16 * NUM_VIEWS + v16
        idx_v[pl.ds(g * L, L)] = idx16
        sel_v[pl.ds(g * L, L)] = plsc.load_gather(asel_v, [idx16])

    def run_half(e_lo, e_hi):
        @plsc.parallel_loop(0, GROUPS, unroll=4)
        def group_body(g):
            idx16 = idx_v[pl.ds(g * L, L)]
            for e in range(e_lo, e_hi):
                e16 = jnp.full((L,), e, jnp.int32)
                rows_v[e, pl.ds(g * L, L)] = plsc.load_gather(tab_v,
                                                              [e16, idx16])

    HALF = EXPERTS // 2
    run_half(0, HALF)
    w0 = pltpu.async_copy(rows_v.at[pl.ds(0, HALF)],
                          probs_hbm.at[pl.ds(0, HALF), pl.ds(base, BPW)], wsem)
    w1 = pltpu.async_copy(sel_v, sel_hbm.at[pl.ds(base, BPW)], wsem)
    run_half(HALF, EXPERTS)
    w2 = pltpu.async_copy(rows_v.at[pl.ds(HALF, HALF)],
                          probs_hbm.at[pl.ds(HALF, HALF), pl.ds(base, BPW)],
                          wsem)
    w0.wait()
    w1.wait()
    w2.wait()


def kernel(stage_ids, view_ids, stage_table, view_table, W1, b1, W2, b2):
    probs_t_tab, argsel_tab = _table_call(
        stage_table, view_table, W1,
        b1.reshape(1, HIDDEN), jnp.transpose(W2), b2.reshape(1, EXPERTS))
    probs_t, selected = _lookup_call(
        probs_t_tab, argsel_tab,
        stage_ids.astype(jnp.int32), view_ids.astype(jnp.int32))
    return jnp.transpose(probs_t), selected

# --- scband reference (transcript-rebuilt; emitter-appended) ---
"""Pipeline reference for scband-svmo-erouter-17849884082211 (READ-ONLY COPY).

The authoritative reference and input builder live on the scoring server;
editing this copy changes nothing except your own understanding.
"""

import jax, jax.numpy as jnp
import numpy as np

B = 16384
NUM_STAGES = 16
NUM_VIEWS = 8
EMBED_DIM = 1024
HIDDEN_DIM = 4096
NUM_EXPERTS = 64


def setup_inputs(seed: int = 0) -> dict:
    key = jax.random.key(seed)
    k1, k2, k3, k4, k5, k6 = jax.random.split(key, 6)
    stage_ids = jax.random.randint(k1, (B,), 0, NUM_STAGES, dtype=jnp.int64) if jax.config.jax_enable_x64 else jax.random.randint(k1, (B,), 0, NUM_STAGES, dtype=jnp.int32)
    view_ids = jax.random.randint(k2, (B,), 0, NUM_VIEWS, dtype=jnp.int32)
    stage_table = jax.random.normal(k3, (NUM_STAGES, EMBED_DIM), dtype=jnp.float32)
    view_table = jax.random.normal(k4, (NUM_VIEWS, EMBED_DIM), dtype=jnp.float32)
    # Linear layers: PyTorch nn.Linear stores weight [out, in]; we keep [in, out] for x @ W
    W1 = jax.random.normal(k5, (EMBED_DIM * 2, HIDDEN_DIM), dtype=jnp.float32) * (1.0 / np.sqrt(EMBED_DIM * 2))
    b1 = jnp.zeros((HIDDEN_DIM,), dtype=jnp.float32)
    W2 = jax.random.normal(k6, (HIDDEN_DIM, NUM_EXPERTS), dtype=jnp.float32) * (1.0 / np.sqrt(HIDDEN_DIM))
    b2 = jnp.zeros((NUM_EXPERTS,), dtype=jnp.float32)
    return {"stage_ids": stage_ids, "view_ids": view_ids, "stage_table": stage_table,
            "view_table": view_table, "W1": W1, "b1": b1, "W2": W2, "b2": b2}


def reference(stage_ids, view_ids, stage_table, view_table, W1, b1, W2, b2):
    stage_emb = jnp.take(stage_table, stage_ids, axis=0)   # [B, embed_dim] gather
    view_emb = jnp.take(view_table, view_ids, axis=0)      # [B, embed_dim] gather
    z = jnp.concatenate([stage_emb, view_emb], axis=-1)    # [B, 2*embed_dim]
    h = jnp.maximum(z @ W1 + b1, 0.0)                      # [B, hidden_dim]
    logits = h @ W2 + b2                                   # [B, num_experts]
    expert_probs = jax.nn.softmax(logits, axis=-1)
    selected_expert = jnp.argmax(expert_probs, axis=-1)
    return (expert_probs, selected_expert)

if __name__ == "__main__":
    import jax
    _d = setup_inputs()
    print(jax.jit(kernel)(*tuple(_d.values())))

</pallas_src>

<mosaic_0001>
#map = affine_map<(d0, d1) -> (0, 0)>
#map1 = affine_map<(d0, d1) -> (0)>
module attributes {stable_mosaic.version = 14 : i64} {
  func.func @_lookup_call(%arg0: i32, %arg1: i32, %arg2: memref<64x128xf32, #tpu.memory_space<hbm>>, %arg3: memref<128xi32, #tpu.memory_space<hbm>>, %arg4: memref<16384xi32, #tpu.memory_space<hbm>>, %arg5: memref<16384xi32, #tpu.memory_space<hbm>>, %arg6: memref<64x16384xf32, #tpu.memory_space<hbm>>, %arg7: memref<16384xi32, #tpu.memory_space<hbm>>, %arg8: memref<512xi32, #tpu.memory_space<vmem>>, %arg9: memref<512xi32, #tpu.memory_space<vmem>>, %arg10: memref<512xi32, #tpu.memory_space<vmem>>, %arg11: memref<128xi32, #tpu.memory_space<vmem>>, %arg12: memref<512xi32, #tpu.memory_space<vmem>>, %arg13: memref<64x128xf32, #tpu.memory_space<vmem>>, %arg14: memref<64x512xf32, #tpu.memory_space<vmem>>, %arg15: memref<!tpu.dma_semaphore, #tpu.memory_space<semaphore_mem>>, %arg16: memref<!tpu.dma_semaphore, #tpu.memory_space<semaphore_mem>>) attributes {dimension_semantics = [#tpu.dimension_semantics<core_parallel>, #tpu.dimension_semantics<subcore_parallel>], iteration_bounds = array<i64: 2, 16>, scalar_prefetch = 0 : i64, scratch_operands = 9 : i64, tpu.core_type = #tpu.core_type<sc_vector_subcore>, window_params = [{transform_indices = #map}, {transform_indices = #map1}, {transform_indices = #map1}, {transform_indices = #map1}, {transform_indices = #map}, {transform_indices = #map1}]} {
    %mul3A = arith.constant 2 : i32
    %mul3A_0 = arith.muli %arg1, %mul3A : i32
    %add3A = arith.addi %mul3A_0, %arg0 : i32
    %mul3A_1 = arith.constant 512 : i32
    %mul3A_2 = arith.muli %add3A, %mul3A_1 : i32
    %dma_start3A = tpu.memref_slice %arg4[%mul3A_2] : memref<16384xi32, #tpu.memory_space<hbm>> -> memref<512xi32, #tpu.memory_space<hbm>>
    %dma_start3A_3 = tpu.memref_slice %arg4[%mul3A_2] : memref<16384xi32, #tpu.memory_space<hbm>> -> memref<512xi32, #tpu.memory_space<hbm>>
    tpu.enqueue_dma source(%dma_start3A_3 : memref<512xi32, #tpu.memory_space<hbm>>) target(%arg8 : memref<512xi32, #tpu.memory_space<vmem>>) target_semaphore(%arg15 : memref<!tpu.dma_semaphore, #tpu.memory_space<semaphore_mem>>)
    %dma_start3A_4 = tpu.memref_slice %arg5[%mul3A_2] : memref<16384xi32, #tpu.memory_space<hbm>> -> memref<512xi32, #tpu.memory_space<hbm>>
    %dma_start3A_5 = tpu.memref_slice %arg5[%mul3A_2] : memref<16384xi32, #tpu.memory_space<hbm>> -> memref<512xi32, #tpu.memory_space<hbm>>
    tpu.enqueue_dma source(%dma_start3A_5 : memref<512xi32, #tpu.memory_space<hbm>>) target(%arg9 : memref<512xi32, #tpu.memory_space<vmem>>) target_semaphore(%arg15 : memref<!tpu.dma_semaphore, #tpu.memory_space<semaphore_mem>>)
    tpu.enqueue_dma source(%arg3 : memref<128xi32, #tpu.memory_space<hbm>>) target(%arg11 : memref<128xi32, #tpu.memory_space<vmem>>) target_semaphore(%arg15 : memref<!tpu.dma_semaphore, #tpu.memory_space<semaphore_mem>>)
    tpu.enqueue_dma source(%arg2 : memref<64x128xf32, #tpu.memory_space<hbm>>) target(%arg13 : memref<64x128xf32, #tpu.memory_space<vmem>>) target_semaphore(%arg15 : memref<!tpu.dma_semaphore, #tpu.memory_space<semaphore_mem>>)
    %dma_wait3A = tpu.memref_slice %arg4[%mul3A_2] : memref<16384xi32, #tpu.memory_space<hbm>> -> memref<512xi32, #tpu.memory_space<hbm>>
    %dma_wait3A_6 = tpu.memref_slice %arg4[%mul3A_2] : memref<16384xi32, #tpu.memory_space<hbm>> -> memref<512xi32, #tpu.memory_space<hbm>>
    tpu.wait_dma2 semaphore(%arg15 : memref<!tpu.dma_semaphore, #tpu.memory_space<semaphore_mem>>) src(%dma_wait3A_6 : memref<512xi32, #tpu.memory_space<hbm>>) dst(%arg8 : memref<512xi32, #tpu.memory_space<vmem>>)
    %dma_wait3A_7 = tpu.memref_slice %arg5[%mul3A_2] : memref<16384xi32, #tpu.memory_space<hbm>> -> memref<512xi32, #tpu.memory_space<hbm>>
    %dma_wait3A_8 = tpu.memref_slice %arg5[%mul3A_2] : memref<16384xi32, #tpu.memory_space<hbm>> -> memref<512xi32, #tpu.memory_space<hbm>>
    tpu.wait_dma2 semaphore(%arg15 : memref<!tpu.dma_semaphore, #tpu.memory_space<semaphore_mem>>) src(%dma_wait3A_8 : memref<512xi32, #tpu.memory_space<hbm>>) dst(%arg9 : memref<512xi32, #tpu.memory_space<vmem>>)
    tpu.wait_dma2 semaphore(%arg15 : memref<!tpu.dma_semaphore, #tpu.memory_space<semaphore_mem>>) src(%arg3 : memref<128xi32, #tpu.memory_space<hbm>>) dst(%arg11 : memref<128xi32, #tpu.memory_space<vmem>>)
    tpu.wait_dma2 semaphore(%arg15 : memref<!tpu.dma_semaphore, #tpu.memory_space<semaphore_mem>>) src(%arg2 : memref<64x128xf32, #tpu.memory_space<hbm>>) dst(%arg13 : memref<64x128xf32, #tpu.memory_space<vmem>>)
    %parallel_loop3A = arith.constant 0 : i32
    %parallel_loop3A_9 = arith.constant 32 : i32
    %parallel_loop3A_10 = arith.constant 1 : i32
    scf.for %parallel_loop3A_61 = %parallel_loop3A to %parallel_loop3A_9 step %parallel_loop3A_10  : i32 {
      %parallel_loop3A_62 = arith.constant 16 : i32
      %parallel_loop3A_63 = arith.muli %parallel_loop3A_61, %parallel_loop3A_62 : i32
      %parallel_loop3A_64 = arith.index_cast %parallel_loop3A_63 : i32 to index
      %parallel_loop3A_65 = tpu.vector_load %arg8[%parallel_loop3A_64] {strides = array<i32>} : memref<512xi32, #tpu.memory_space<vmem>>, vector<16xi32>,
      %parallel_loop3A_66 = arith.constant 16 : i32
      %parallel_loop3A_67 = arith.muli %parallel_loop3A_61, %parallel_loop3A_66 : i32
      %parallel_loop3A_68 = arith.index_cast %parallel_loop3A_67 : i32 to index
      %parallel_loop3A_69 = tpu.vector_load %arg9[%parallel_loop3A_68] {strides = array<i32>} : memref<512xi32, #tpu.memory_space<vmem>>, vector<16xi32>,
      %parallel_loop3A_70 = arith.constant 8 : i32
      %parallel_loop3A_71 = vector.broadcast %parallel_loop3A_70 : i32 to vector<16xi32>
      %parallel_loop3A_72 = arith.muli %parallel_loop3A_65, %parallel_loop3A_71 : vector<16xi32>
      %parallel_loop3A_73 = arith.addi %parallel_loop3A_72, %parallel_loop3A_69 : vector<16xi32>
      %parallel_loop3A_74 = arith.constant 16 : i32
      %parallel_loop3A_75 = arith.muli %parallel_loop3A_61, %parallel_loop3A_74 : i32
      %parallel_loop3A_76 = arith.index_cast %parallel_loop3A_75 : i32 to index
      %parallel_loop3A_77 = tpu.vector_load %arg10[%parallel_loop3A_76] {strides = array<i32>} : memref<512xi32, #tpu.memory_space<vmem>>, vector<16xi32>,
      tpu.vector_store %arg10[%parallel_loop3A_76], %parallel_loop3A_73 {strides = array<i32>} : memref<512xi32, #tpu.memory_space<vmem>>, vector<16xi32>,
      %parallel_loop3A_78 = tpu.vector_load_idx %arg11[%parallel_loop3A_73] : memref<128xi32, #tpu.memory_space<vmem>>[vector<16xi32>], vector<16xi32>,
      %parallel_loop3A_79 = arith.constant 16 : i32
      %parallel_loop3A_80 = arith.muli %parallel_loop3A_61, %parallel_loop3A_79 : i32
      %parallel_loop3A_81 = arith.index_cast %parallel_loop3A_80 : i32 to index
      %parallel_loop3A_82 = tpu.vector_load %arg12[%parallel_loop3A_81] {strides = array<i32>} : memref<512xi32, #tpu.memory_space<vmem>>, vector<16xi32>,
      tpu.vector_store %arg12[%parallel_loop3A_81], %parallel_loop3A_78 {strides = array<i32>} : memref<512xi32, #tpu.memory_space<vmem>>, vector<16xi32>,
    } {sc.loop_unroll_factor = 8 : i64, sc.parallel_access}
    %parallel_loop3A_11 = arith.constant 0 : i32
    %parallel_loop3A_12 = arith.constant 32 : i32
    %parallel_loop3A_13 = arith.constant 1 : i32
    scf.for %parallel_loop3A_61 = %parallel_loop3A_11 to %parallel_loop3A_12 step %parallel_loop3A_13  : i32 {
      %parallel_loop3A_62 = arith.constant 16 : i32
      %parallel_loop3A_63 = arith.muli %parallel_loop3A_61, %parallel_loop3A_62 : i32
      %parallel_loop3A_64 = arith.index_cast %parallel_loop3A_63 : i32 to index
      %parallel_loop3A_65 = tpu.vector_load %arg10[%parallel_loop3A_64] {strides = array<i32>} : memref<512xi32, #tpu.memory_space<vmem>>, vector<16xi32>,
      %parallel_loop3A_66 = arith.constant 0 : i32
      %parallel_loop3A_67 = vector.broadcast %parallel_loop3A_66 : i32 to vector<16xi32>
      %parallel_loop3A_68 = tpu.vector_load_idx %arg13[%parallel_loop3A_67, %parallel_loop3A_65] : memref<64x128xf32, #tpu.memory_space<vmem>>[vector<16xi32>, vector<16xi32>], vector<16xf32>,
      %parallel_loop3A_69 = arith.constant 16 : i32
      %parallel_loop3A_70 = arith.muli %parallel_loop3A_61, %parallel_loop3A_69 : i32
      %parallel_loop3A_71 = arith.constant 0 : i32
      %parallel_loop3A_72 = arith.index_cast %parallel_loop3A_71 : i32 to index
      %parallel_loop3A_73 = arith.index_cast %parallel_loop3A_70 : i32 to index
      %parallel_loop3A_74 = tpu.vector_load %arg14[%parallel_loop3A_72, %parallel_loop3A_73] {strides = array<i32>} : memref<64x512xf32, #tpu.memory_space<vmem>>, vector<16xf32>,
      tpu.vector_store %arg14[%parallel_loop3A_72, %parallel_loop3A_73], %parallel_loop3A_68 {strides = array<i32>} : memref<64x512xf32, #tpu.memory_space<vmem>>, vector<16xf32>,
      %parallel_loop3A_75 = arith.constant 1 : i32
      %parallel_loop3A_76 = vector.broadcast %parallel_loop3A_75 : i32 to vector<16xi32>
      %parallel_loop3A_77 = tpu.vector_load_idx %arg13[%parallel_loop3A_76, %parallel_loop3A_65] : memref<64x128xf32, #tpu.memory_space<vmem>>[vector<16xi32>, vector<16xi32>], vector<16xf32>,
      %parallel_loop3A_78 = arith.constant 16 : i32
      %parallel_loop3A_79 = arith.muli %parallel_loop3A_61, %parallel_loop3A_78 : i32
      %parallel_loop3A_80 = arith.constant 1 : i32
      %parallel_loop3A_81 = arith.index_cast %parallel_loop3A_80 : i32 to index
      %parallel_loop3A_82 = arith.index_cast %parallel_loop3A_79 : i32 to index
      %parallel_loop3A_83 = tpu.vector_load %arg14[%parallel_loop3A_81, %parallel_loop3A_82] {strides = array<i32>} : memref<64x512xf32, #tpu.memory_space<vmem>>, vector<16xf32>,
      tpu.vector_store %arg14[%parallel_loop3A_81, %parallel_loop3A_82], %parallel_loop3A_77 {strides = array<i32>} : memref<64x512xf32, #tpu.memory_space<vmem>>, vector<16xf32>,
      %parallel_loop3A_84 = arith.constant 2 : i32
      %parallel_loop3A_85 = vector.broadcast %parallel_loop3A_84 : i32 to vector<16xi32>
      %parallel_loop3A_86 = tpu.vector_load_idx %arg13[%parallel_loop3A_85, %parallel_loop3A_65] : memref<64x128xf32, #tpu.memory_space<vmem>>[vector<16xi32>, vector<16xi32>], vector<16xf32>,
      %parallel_loop3A_87 = arith.constant 16 : i32
      %parallel_loop3A_88 = arith.muli %parallel_loop3A_61, %parallel_loop3A_87 : i32
      %parallel_loop3A_89 = arith.constant 2 : i32
      %parallel_loop3A_90 = arith.index_cast %parallel_loop3A_89 : i32 to index
      %parallel_loop3A_91 = arith.index_cast %parallel_loop3A_88 : i32 to index
      %parallel_loop3A_92 = tpu.vector_load %arg14[%parallel_loop3A_90, %parallel_loop3A_91] {strides = array<i32>} : memref<64x512xf32, #tpu.memory_space<vmem>>, vector<16xf32>,
      tpu.vector_store %arg14[%parallel_loop3A_90, %parallel_loop3A_91], %parallel_loop3A_86 {strides = array<i32>} : memref<64x512xf32, #tpu.memory_space<vmem>>, vector<16xf32>,
      %parallel_loop3A_93 = arith.constant 3 : i32
      %parallel_loop3A_94 = vector.broadcast %parallel_loop3A_93 : i32 to vector<16xi32>
      %parallel_loop3A_95 = tpu.vector_load_idx %arg13[%parallel_loop3A_94, %parallel_loop3A_65] : memref<64x128xf32, #tpu.memory_space<vmem>>[vector<16xi32>, vector<16xi32>], vector<16xf32>,
      %parallel_loop3A_96 = arith.constant 16 : i32
      %parallel_loop3A_97 = arith.muli %parallel_loop3A_61, %parallel_loop3A_96 : i32
      %parallel_loop3A_98 = arith.constant 3 : i32
      %parallel_loop3A_99 = arith.index_cast %parallel_loop3A_98 : i32 to index
      %parallel_loop3A_100 = arith.index_cast %parallel_loop3A_97 : i32 to index
      %parallel_loop3A_101 = tpu.vector_load %arg14[%parallel_loop3A_99, %parallel_loop3A_100] {strides = array<i32>} : memref<64x512xf32, #tpu.memory_space<vmem>>, vector<16xf32>,
      tpu.vector_store %arg14[%parallel_loop3A_99, %parallel_loop3A_100], %parallel_loop3A_95 {strides = array<i32>} : memref<64x512xf32, #tpu.memory_space<vmem>>, vector<16xf32>,
      %parallel_loop3A_102 = arith.constant 4 : i32
      %parallel_loop3A_103 = vector.broadcast %parallel_loop3A_102 : i32 to vector<16xi32>
      %parallel_loop3A_104 = tpu.vector_load_idx %arg13[%parallel_loop3A_103, %parallel_loop3A_65] : memref<64x128xf32, #tpu.memory_space<vmem>>[vector<16xi32>, vector<16xi32>], vector<16xf32>,
      %parallel_loop3A_105 = arith.constant 16 : i32
      %parallel_loop3A_106 = arith.muli %parallel_loop3A_61, %parallel_loop3A_105 : i32
      %parallel_loop3A_107 = arith.constant 4 : i32
      %parallel_loop3A_108 = arith.index_cast %parallel_loop3A_107 : i32 to index
      %parallel_loop3A_109 = arith.index_cast %parallel_loop3A_106 : i32 to index
      %parallel_loop3A_110 = tpu.vector_load %arg14[%parallel_loop3A_108, %parallel_loop3A_109] {strides = array<i32>} : memref<64x512xf32, #tpu.memory_space<vmem>>, vector<16xf32>,
      tpu.vector_store %arg14[%parallel_loop3A_108, %parallel_loop3A_109], %parallel_loop3A_104 {strides = array<i32>} : memref<64x512xf32, #tpu.memory_space<vmem>>, vector<16xf32>,
      %parallel_loop3A_111 = arith.constant 5 : i32
      %parallel_loop3A_112 = vector.broadcast %parallel_loop3A_111 : i32 to vector<16xi32>
      %parallel_loop3A_113 = tpu.vector_load_idx %arg13[%parallel_loop3A_112, %parallel_loop3A_65] : memref<64x128xf32, #tpu.memory_space<vmem>>[vector<16xi32>, vector<16xi32>], vector<16xf32>,
      %parallel_loop3A_114 = arith.constant 16 : i32
      %parallel_loop3A_115 = arith.muli %parallel_loop3A_61, %parallel_loop3A_114 : i32
      %parallel_loop3A_116 = arith.constant 5 : i32
      %parallel_loop3A_117 = arith.index_cast %parallel_loop3A_116 : i32 to index
      %parallel_loop3A_118 = arith.index_cast %parallel_loop3A_115 : i32 to index
      %parallel_loop3A_119 = tpu.vector_load %arg14[%parallel_loop3A_117, %parallel_loop3A_118] {strides = array<i32>} : memref<64x512xf32, #tpu.memory_space<vmem>>, vector<16xf32>,
      tpu.vector_store %arg14[%parallel_loop3A_117, %parallel_loop3A_118], %parallel_loop3A_113 {strides = array<i32>} : memref<64x512xf32, #tpu.memory_space<vmem>>, vector<16xf32>,
      %parallel_loop3A_120 = arith.constant 6 : i32
      %parallel_loop3A_121 = vector.broadcast %parallel_loop3A_120 : i32 to vector<16xi32>
      %parallel_loop3A_122 = tpu.vector_load_idx %arg13[%parallel_loop3A_121, %parallel_loop3A_65] : memref<64x128xf32, #tpu.memory_space<vmem>>[vector<16xi32>, vector<16xi32>], vector<16xf32>,
      %parallel_loop3A_123 = arith.constant 16 : i32
      %parallel_loop3A_124 = arith.muli %parallel_loop3A_61, %parallel_loop3A_123 : i32
      %parallel_loop3A_125 = arith.constant 6 : i32
      %parallel_loop3A_126 = arith.index_cast %parallel_loop3A_125 : i32 to index
      %parallel_loop3A_127 = arith.index_cast %parallel_loop3A_124 : i32 to index
      %parallel_loop3A_128 = tpu.vector_load %arg14[%parallel_loop3A_126, %parallel_loop3A_127] {strides = array<i32>} : memref<64x512xf32, #tpu.memory_space<vmem>>, vector<16xf32>,
      tpu.vector_store %arg14[%parallel_loop3A_126, %parallel_loop3A_127], %parallel_loop3A_122 {strides = array<i32>} : memref<64x512xf32, #tpu.memory_space<vmem>>, vector<16xf32>,
      %parallel_loop3A_129 = arith.constant 7 : i32
      %parallel_loop3A_130 = vector.broadcast %parallel_loop3A_129 : i32 to vector<16xi32>
      %parallel_loop3A_131 = tpu.vector_load_idx %arg13[%parallel_loop3A_130, %parallel_loop3A_65] : memref<64x128xf32, #tpu.memory_space<vmem>>[vector<16xi32>, vector<16xi32>], vector<16xf32>,
      %parallel_loop3A_132 = arith.constant 16 : i32
      %parallel_loop3A_133 = arith.muli %parallel_loop3A_61, %parallel_loop3A_132 : i32
      %parallel_loop3A_134 = arith.constant 7 : i32
      %parallel_loop3A_135 = arith.index_cast %parallel_loop3A_134 : i32 to index
      %parallel_loop3A_136 = arith.index_cast %parallel_loop3A_133 : i32 to index
      %parallel_loop3A_137 = tpu.vector_load %arg14[%parallel_loop3A_135, %parallel_loop3A_136] {strides = array<i32>} : memref<64x512xf32, #tpu.memory_space<vmem>>, vector<16xf32>,
      tpu.vector_store %arg14[%parallel_loop3A_135, %parallel_loop3A_136], %parallel_loop3A_131 {strides = array<i32>} : memref<64x512xf32, #tpu.memory_space<vmem>>, vector<16xf32>,
      %parallel_loop3A_138 = arith.constant 8 : i32
      %parallel_loop3A_139 = vector.broadcast %parallel_loop3A_138 : i32 to vector<16xi32>
      %parallel_loop3A_140 = tpu.vector_load_idx %arg13[%parallel_loop3A_139, %parallel_loop3A_65] : memref<64x128xf32, #tpu.memory_space<vmem>>[vector<16xi32>, vector<16xi32>], vector<16xf32>,
      %parallel_loop3A_141 = arith.constant 16 : i32
      %parallel_loop3A_142 = arith.muli %parallel_loop3A_61, %parallel_loop3A_141 : i32
      %parallel_loop3A_143 = arith.constant 8 : i32
      %parallel_loop3A_144 = arith.index_cast %parallel_loop3A_143 : i32 to index
      %parallel_loop3A_145 = arith.index_cast %parallel_loop3A_142 : i32 to index
      %parallel_loop3A_146 = tpu.vector_load %arg14[%parallel_loop3A_144, %parallel_loop3A_145] {strides = array<i32>} : memref<64x512xf32, #tpu.memory_space<vmem>>, vector<16xf32>,
      tpu.vector_store %arg14[%parallel_loop3A_144, %parallel_loop3A_145], %parallel_loop3A_140 {strides = array<i32>} : memref<64x512xf32, #tpu.memory_space<vmem>>, vector<16xf32>,
      %parallel_loop3A_147 = arith.constant 9 : i32
      %parallel_loop3A_148 = vector.broadcast %parallel_loop3A_147 : i32 to vector<16xi32>
      %parallel_loop3A_149 = tpu.vector_load_idx %arg13[%parallel_loop3A_148, %parallel_loop3A_65] : memref<64x128xf32, #tpu.memory_space<vmem>>[vector<16xi32>, vector<16xi32>], vector<16xf32>,
      %parallel_loop3A_150 = arith.constant 16 : i32
      %parallel_loop3A_151 = arith.muli %parallel_loop3A_61, %parallel_loop3A_150 : i32
      %parallel_loop3A_152 = arith.constant 9 : i32
      %parallel_loop3A_153 = arith.index_cast %parallel_loop3A_152 : i32 to index
      %parallel_loop3A_154 = arith.index_cast %parallel_loop3A_151 : i32 to index
      %parallel_loop3A_155 = tpu.vector_load %arg14[%parallel_loop3A_153, %parallel_loop3A_154] {strides = array<i32>} : memref<64x512xf32, #tpu.memory_space<vmem>>, vector<16xf32>,
      tpu.vector_store %arg14[%parallel_loop3A_153, %parallel_loop3A_154], %parallel_loop3A_149 {strides = array<i32>} : memref<64x512xf32, #tpu.memory_space<vmem>>, vector<16xf32>,
      %parallel_loop3A_156 = arith.constant 10 : i32
      %parallel_loop3A_157 = vector.broadcast %parallel_loop3A_156 : i32 to vector<16xi32>
      %parallel_loop3A_158 = tpu.vector_load_idx %arg13[%parallel_loop3A_157, %parallel_loop3A_65] : memref<64x128xf32, #tpu.memory_space<vmem>>[vector<16xi32>, vector<16xi32>], vector<16xf32>,
      %parallel_loop3A_159 = arith.constant 16 : i32
      %parallel_loop3A_160 = arith.muli %parallel_loop3A_61, %parallel_loop3A_159 : i32
      %parallel_loop3A_161 = arith.constant 10 : i32
      %parallel_loop3A_162 = arith.index_cast %parallel_loop3A_161 : i32 to index
      %parallel_loop3A_163 = arith.index_cast %parallel_loop3A_160 : i32 to index
      %parallel_loop3A_164 = tpu.vector_load %arg14[%parallel_loop3A_162, %parallel_loop3A_163] {strides = array<i32>} : memref<64x512xf32, #tpu.memory_space<vmem>>, vector<16xf32>,
      tpu.vector_store %arg14[%parallel_loop3A_162, %parallel_loop3A_163], %parallel_loop3A_158 {strides = array<i32>} : memref<64x512xf32, #tpu.memory_space<vmem>>, vector<16xf32>,
      %parallel_loop3A_165 = arith.constant 11 : i32
      %parallel_loop3A_166 = vector.broadcast %parallel_loop3A_165 : i32 to vector<16xi32>
      %parallel_loop3A_167 = tpu.vector_load_idx %arg13[%parallel_loop3A_166, %parallel_loop3A_65] : memref<64x128xf32, #tpu.memory_space<vmem>>[vector<16xi32>, vector<16xi32>], vector<16xf32>,
      %parallel_loop3A_168 = arith.constant 16 : i32
      %parallel_loop3A_169 = arith.muli %parallel_loop3A_61, %parallel_loop3A_168 : i32
      %parallel_loop3A_170 = arith.constant 11 : i32
      %parallel_loop3A_171 = arith.index_cast %parallel_loop3A_170 : i32 to index
      %parallel_loop3A_172 = arith.index_cast %parallel_loop3A_169 : i32 to index
      %parallel_loop3A_173 = tpu.vector_load %arg14[%parallel_loop3A_171, %parallel_loop3A_172] {strides = array<i32>} : memref<64x512xf32, #tpu.memory_space<vmem>>, vector<16xf32>,
      tpu.vector_store %arg14[%parallel_loop3A_171, %parallel_loop3A_172], %parallel_loop3A_167 {strides = array<i32>} : memref<64x512xf32, #tpu.memory_space<vmem>>, vector<16xf32>,
      %parallel_loop3A_174 = arith.constant 12 : i32
      %parallel_loop3A_175 = vector.broadcast %parallel_loop3A_174 : i32 to vector<16xi32>
      %parallel_loop3A_176 = tpu.vector_load_idx %arg13[%parallel_loop3A_175, %parallel_loop3A_65] : memref<64x128xf32, #tpu.memory_space<vmem>>[vector<16xi32>, vector<16xi32>], vector<16xf32>,
      %parallel_loop3A_177 = arith.constant 16 : i32
      %parallel_loop3A_178 = arith.muli %parallel_loop3A_61, %parallel_loop3A_177 : i32
      %parallel_loop3A_179 = arith.constant 12 : i32
      %parallel_loop3A_180 = arith.index_cast %parallel_loop3A_179 : i32 to index
      %parallel_loop3A_181 = arith.index_cast %parallel_loop3A_178 : i32 to index
      %parallel_loop3A_182 = tpu.vector_load %arg14[%parallel_loop3A_180, %parallel_loop3A_181] {strides = array<i32>} : memref<64x512xf32, #tpu.memory_space<vmem>>, vector<16xf32>,
      tpu.vector_store %arg14[%parallel_loop3A_180, %parallel_loop3A_181], %parallel_loop3A_176 {strides = array<i32>} : memref<64x512xf32, #tpu.memory_space<vmem>>, vector<16xf32>,
      %parallel_loop3A_183 = arith.constant 13 : i32
      %parallel_loop3A_184 = vector.broadcast %parallel_loop3A_183 : i32 to vector<16xi32>
      %parallel_loop3A_185 = tpu.vector_load_idx %arg13[%parallel_loop3A_184, %parallel_loop3A_65] : memref<64x128xf32, #tpu.memory_space<vmem>>[vector<16xi32>, vector<16xi32>], vector<16xf32>,
      %parallel_loop3A_186 = arith.constant 16 : i32
      %parallel_loop3A_187 = arith.muli %parallel_loop3A_61, %parallel_loop3A_186 : i32
      %parallel_loop3A_188 = arith.constant 13 : i32
      %parallel_loop3A_189 = arith.index_cast %parallel_loop3A_188 : i32 to index
      %parallel_loop3A_190 = arith.index_cast %parallel_loop3A_187 : i32 to index
      %parallel_loop3A_191 = tpu.vector_load %arg14[%parallel_loop3A_189, %parallel_loop3A_190] {strides = array<i32>} : memref<64x512xf32, #tpu.memory_space<vmem>>, vector<16xf32>,
      tpu.vector_store %arg14[%parallel_loop3A_189, %parallel_loop3A_190], %parallel_loop3A_185 {strides = array<i32>} : memref<64x512xf32, #tpu.memory_space<vmem>>, vector<16xf32>,
      %parallel_loop3A_192 = arith.constant 14 : i32
      %parallel_loop3A_193 = vector.broadcast %parallel_loop3A_192 : i32 to vector<16xi32>
      %parallel_loop3A_194 = tpu.vector_load_idx %arg13[%parallel_loop3A_193, %parallel_loop3A_65] : memref<64x128xf32, #tpu.memory_space<vmem>>[vector<16xi32>, vector<16xi32>], vector<16xf32>,
      %parallel_loop3A_195 = arith.constant 16 : i32
      %parallel_loop3A_196 = arith.muli %parallel_loop3A_61, %parallel_loop3A_195 : i32
      %parallel_loop3A_197 = arith.constant 14 : i32
      %parallel_loop3A_198 = arith.index_cast %parallel_loop3A_197 : i32 to index
      %parallel_loop3A_199 = arith.index_cast %parallel_loop3A_196 : i32 to index
      %parallel_loop3A_200 = tpu.vector_load %arg14[%parallel_loop3A_198, %parallel_loop3A_199] {strides = array<i32>} : memref<64x512xf32, #tpu.memory_space<vmem>>, vector<16xf32>,
      tpu.vector_store %arg14[%parallel_loop3A_198, %parallel_loop3A_199], %parallel_loop3A_194 {strides = array<i32>} : memref<64x512xf32, #tpu.memory_space<vmem>>, vector<16xf32>,
      %parallel_loop3A_201 = arith.constant 15 : i32
      %parallel_loop3A_202 = vector.broadcast %parallel_loop3A_201 : i32 to vector<16xi32>
      %parallel_loop3A_203 = tpu.vector_load_idx %arg13[%parallel_loop3A_202, %parallel_loop3A_65] : memref<64x128xf32, #tpu.memory_space<vmem>>[vector<16xi32>, vector<16xi32>], vector<16xf32>,
      %parallel_loop3A_204 = arith.constant 16 : i32
      %parallel_loop3A_205 = arith.muli %parallel_loop3A_61, %parallel_loop3A_204 : i32
      %parallel_loop3A_206 = arith.constant 15 : i32
      %parallel_loop3A_207 = arith.index_cast %parallel_loop3A_206 : i32 to index
      %parallel_loop3A_208 = arith.index_cast %parallel_loop3A_205 : i32 to index
      %parallel_loop3A_209 = tpu.vector_load %arg14[%parallel_loop3A_207, %parallel_loop3A_208] {strides = array<i32>} : memref<64x512xf32, #tpu.memory_space<vmem>>, vector<16xf32>,
      tpu.vector_store %arg14[%parallel_loop3A_207, %parallel_loop3A_208], %parallel_loop3A_203 {strides = array<i32>} : memref<64x512xf32, #tpu.memory_space<vmem>>, vector<16xf32>,
      %parallel_loop3A_210 = arith.constant 16 : i32
      %parallel_loop3A_211 = vector.broadcast %parallel_loop3A_210 : i32 to vector<16xi32>
      %parallel_loop3A_212 = tpu.vector_load_idx %arg13[%parallel_loop3A_211, %parallel_loop3A_65] : memref<64x128xf32, #tpu.memory_space<vmem>>[vector<16xi32>, vector<16xi32>], vector<16xf32>,
      %parallel_loop3A_213 = arith.constant 16 : i32
      %parallel_loop3A_214 = arith.muli %parallel_loop3A_61, %parallel_loop3A_213 : i32
      %parallel_loop3A_215 = arith.constant 16 : i32
      %parallel_loop3A_216 = arith.index_cast %parallel_loop3A_215 : i32 to index
      %parallel_loop3A_217 = arith.index_cast %parallel_loop3A_214 : i32 to index
      %parallel_loop3A_218 = tpu.vector_load %arg14[%parallel_loop3A_216, %parallel_loop3A_217] {strides = array<i32>} : memref<64x512xf32, #tpu.memory_space<vmem>>, vector<16xf32>,
      tpu.vector_store %arg14[%parallel_loop3A_216, %parallel_loop3A_217], %parallel_loop3A_212 {strides = array<i32>} : memref<64x512xf32, #tpu.memory_space<vmem>>, vector<16xf32>,
      %parallel_loop3A_219 = arith.constant 17 : i32
      %parallel_loop3A_220 = vector.broadcast %parallel_loop3A_219 : i32 to vector<16xi32>
      %parallel_loop3A_221 = tpu.vector_load_idx %arg13[%parallel_loop3A_220, %parallel_loop3A_65] : memref<64x128xf32, #tpu.memory_space<vmem>>[vector<16xi32>, vector<16xi32>], vector<16xf32>,
      %parallel_loop3A_222 = arith.constant 16 : i32
      %parallel_loop3A_223 = arith.muli %parallel_loop3A_61, %parallel_loop3A_222 : i32
      %parallel_loop3A_224 = arith.constant 17 : i32
      %parallel_loop3A_225 = arith.index_cast %parallel_loop3A_224 : i32 to index
      %parallel_loop3A_226 = arith.index_cast %parallel_loop3A_223 : i32 to index
      %parallel_loop3A_227 = tpu.vector_load %arg14[%parallel_loop3A_225, %parallel_loop3A_226] {strides = array<i32>} : memref<64x512xf32, #tpu.memory_space<vmem>>, vector<16xf32>,
      tpu.vector_store %arg14[%parallel_loop3A_225, %parallel_loop3A_226], %parallel_loop3A_221 {strides = array<i32>} : memref<64x512xf32, #tpu.memory_space<vmem>>, vector<16xf32>,
      %parallel_loop3A_228 = arith.constant 18 : i32
      %parallel_loop3A_229 = vector.broadcast %parallel_loop3A_228 : i32 to vector<16xi32>
      %parallel_loop3A_230 = tpu.vector_load_idx %arg13[%parallel_loop3A_229, %parallel_loop3A_65] : memref<64x128xf32, #tpu.memory_space<vmem>>[vector<16xi32>, vector<16xi32>], vector<16xf32>,
      %parallel_loop3A_231 = arith.constant 16 : i32
      %parallel_loop3A_232 = arith.muli %parallel_loop3A_61, %parallel_loop3A_231 : i32
      %parallel_loop3A_233 = arith.constant 18 : i32
      %parallel_loop3A_234 = arith.index_cast %parallel_loop3A_233 : i32 to index
      %parallel_loop3A_235 = arith.index_cast %parallel_loop3A_232 : i32 to index
      %parallel_loop3A_236 = tpu.vector_load %arg14[%parallel_loop3A_234, %parallel_loop3A_235] {strides = array<i32>} : memref<64x512xf32, #tpu.memory_space<vmem>>, vector<16xf32>,
      tpu.vector_store %arg14[%parallel_loop3A_234, %parallel_loop3A_235], %parallel_loop3A_230 {strides = array<i32>} : memref<64x512xf32, #tpu.memory_space<vmem>>, vector<16xf32>,
      %parallel_loop3A_237 = arith.constant 19 : i32
      %parallel_loop3A_238 = vector.broadcast %parallel_loop3A_237 : i32 to vector<16xi32>
      %parallel_loop3A_239 = tpu.vector_load_idx %arg13[%parallel_loop3A_238, %parallel_loop3A_65] : memref<64x128xf32, #tpu.memory_space<vmem>>[vector<16xi32>, vector<16xi32>], vector<16xf32>,
      %parallel_loop3A_240 = arith.constant 16 : i32
      %parallel_loop3A_241 = arith.muli %parallel_loop3A_61, %parallel_loop3A_240 : i32
      %parallel_loop3A_242 = arith.constant 19 : i32
      %parallel_loop3A_243 = arith.index_cast %parallel_loop3A_242 : i32 to index
      %parallel_loop3A_244 = arith.index_cast %parallel_loop3A_241 : i32 to index
      %parallel_loop3A_245 = tpu.vector_load %arg14[%parallel_loop3A_243, %parallel_loop3A_244] {strides = array<i32>} : memref<64x512xf32, #tpu.memory_space<vmem>>, vector<16xf32>,
      tpu.vector_store %arg14[%parallel_loop3A_243, %parallel_loop3A_244], %parallel_loop3A_239 {strides = array<i32>} : memref<64x512xf32, #tpu.memory_space<vmem>>, vector<16xf32>,
      %parallel_loop3A_246 = arith.constant 20 : i32
      %parallel_loop3A_247 = vector.broadcast %parallel_loop3A_246 : i32 to vector<16xi32>
      %parallel_loop3A_248 = tpu.vector_load_idx %arg13[%parallel_loop3A_247, %parallel_loop3A_65] : memref<64x128xf32, #tpu.memory_space<vmem>>[vector<16xi32>, vector<16xi32>], vector<16xf32>,
      %parallel_loop3A_249 = arith.constant 16 : i32
      %parallel_loop3A_250 = arith.muli %parallel_loop3A_61, %parallel_loop3A_249 : i32
      %parallel_loop3A_251 = arith.constant 20 : i32
      %parallel_loop3A_252 = arith.index_cast %parallel_loop3A_251 : i32 to index
      %parallel_loop3A_253 = arith.index_cast %parallel_loop3A_250 : i32 to index
      %parallel_loop3A_254 = tpu.vector_load %arg14[%parallel_loop3A_252, %parallel_loop3A_253] {strides = array<i32>} : memref<64x512xf32, #tpu.memory_space<vmem>>, vector<16xf32>,
      tpu.vector_store %arg14[%parallel_loop3A_252, %parallel_loop3A_253], %parallel_loop3A_248 {strides = array<i32>} : memref<64x512xf32, #tpu.memory_space<vmem>>, vector<16xf32>,
      %parallel_loop3A_255 = arith.constant 21 : i32
      %parallel_loop3A_256 = vector.broadcast %parallel_loop3A_255 : i32 to vector<16xi32>
      %parallel_loop3A_257 = tpu.vector_load_idx %arg13[%parallel_loop3A_256, %parallel_loop3A_65] : memref<64x128xf32, #tpu.memory_space<vmem>>[vector<16xi32>, vector<16xi32>], vector<16xf32>,
      %parallel_loop3A_258 = arith.constant 16 : i32
      %parallel_loop3A_259 = arith.muli %parallel_loop3A_61, %parallel_loop3A_258 : i32
      %parallel_loop3A_260 = arith.constant 21 : i32
      %parallel_loop3A_261 = arith.index_cast %parallel_loop3A_260 : i32 to index
      %parallel_loop3A_262 = arith.index_cast %parallel_loop3A_259 : i32 to index
      %parallel_loop3A_263 = tpu.vector_load %arg14[%parallel_loop3A_261, %parallel_loop3A_262] {strides = array<i32>} : memref<64x512xf32, #tpu.memory_space<vmem>>, vector<16xf32>,
      tpu.vector_store %arg14[%parallel_loop3A_261, %parallel_loop3A_262], %parallel_loop3A_257 {strides = array<i32>} : memref<64x512xf32, #tpu.memory_space<vmem>>, vector<16xf32>,
      %parallel_loop3A_264 = arith.constant 22 : i32
      %parallel_loop3A_265 = vector.broadcast %parallel_loop3A_264 : i32 to vector<16xi32>
      %parallel_loop3A_266 = tpu.vector_load_idx %arg13[%parallel_loop3A_265, %parallel_loop3A_65] : memref<64x128xf32, #tpu.memory_space<vmem>>[vector<16xi32>, vector<16xi32>], vector<16xf32>,
      %parallel_loop3A_267 = arith.constant 16 : i32
      %parallel_loop3A_268 = arith.muli %parallel_loop3A_61, %parallel_loop3A_267 : i32
      %parallel_loop3A_269 = arith.constant 22 : i32
      %parallel_loop3A_270 = arith.index_cast %parallel_loop3A_269 : i32 to index
      %parallel_loop3A_271 = arith.index_cast %parallel_loop3A_268 : i32 to index
      %parallel_loop3A_272 = tpu.vector_load %arg14[%parallel_loop3A_270, %parallel_loop3A_271] {strides = array<i32>} : memref<64x512xf32, #tpu.memory_space<vmem>>, vector<16xf32>,
      tpu.vector_store %arg14[%parallel_loop3A_270, %parallel_loop3A_271], %parallel_loop3A_266 {strides = array<i32>} : memref<64x512xf32, #tpu.memory_space<vmem>>, vector<16xf32>,
      %parallel_loop3A_273 = arith.constant 23 : i32
      %parallel_loop3A_274 = vector.broadcast %parallel_loop3A_273 : i32 to vector<16xi32>
      %parallel_loop3A_275 = tpu.vector_load_idx %arg13[%parallel_loop3A_274, %parallel_loop3A_65] : memref<64x128xf32, #tpu.memory_space<vmem>>[vector<16xi32>, vector<16xi32>], vector<16xf32>,
      %parallel_loop3A_276 = arith.constant 16 : i32
      %parallel_loop3A_277 = arith.muli %parallel_loop3A_61, %parallel_loop3A_276 : i32
      %parallel_loop3A_278 = arith.constant 23 : i32
      %parallel_loop3A_279 = arith.index_cast %parallel_loop3A_278 : i32 to index
      %parallel_loop3A_280 = arith.index_cast %parallel_loop3A_277 : i32 to index
      %parallel_loop3A_281 = tpu.vector_load %arg14[%parallel_loop3A_279, %parallel_loop3A_280] {strides = array<i32>} : memref<64x512xf32, #tpu.memory_space<vmem>>, vector<16xf32>,
      tpu.vector_store %arg14[%parallel_loop3A_279, %parallel_loop3A_280], %parallel_loop3A_275 {strides = array<i32>} : memref<64x512xf32, #tpu.memory_space<vmem>>, vector<16xf32>,
      %parallel_loop3A_282 = arith.constant 24 : i32
      %parallel_loop3A_283 = vector.broadcast %parallel_loop3A_282 : i32 to vector<16xi32>
      %parallel_loop3A_284 = tpu.vector_load_idx %arg13[%parallel_loop3A_283, %parallel_loop3A_65] : memref<64x128xf32, #tpu.memory_space<vmem>>[vector<16xi32>, vector<16xi32>], vector<16xf32>,
      %parallel_loop3A_285 = arith.constant 16 : i32
      %parallel_loop3A_286 = arith.muli %parallel_loop3A_61, %parallel_loop3A_285 : i32
      %parallel_loop3A_287 = arith.constant 24 : i32
      %parallel_loop3A_288 = arith.index_cast %parallel_loop3A_287 : i32 to index
      %parallel_loop3A_289 = arith.index_cast %parallel_loop3A_286 : i32 to index
      %parallel_loop3A_290 = tpu.vector_load %arg14[%parallel_loop3A_288, %parallel_loop3A_289] {strides = array<i32>} : memref<64x512xf32, #tpu.memory_space<vmem>>, vector<16xf32>,
      tpu.vector_store %arg14[%parallel_loop3A_288, %parallel_loop3A_289], %parallel_loop3A_284 {strides = array<i32>} : memref<64x512xf32, #tpu.memory_space<vmem>>, vector<16xf32>,
      %parallel_loop3A_291 = arith.constant 25 : i32
      %parallel_loop3A_292 = vector.broadcast %parallel_loop3A_291 : i32 to vector<16xi32>
      %parallel_loop3A_293 = tpu.vector_load_idx %arg13[%parallel_loop3A_292, %parallel_loop3A_65] : memref<64x128xf32, #tpu.memory_space<vmem>>[vector<16xi32>, vector<16xi32>], vector<16xf32>,
      %parallel_loop3A_294 = arith.constant 16 : i32
      %parallel_loop3A_295 = arith.muli %parallel_loop3A_61, %parallel_loop3A_294 : i32
      %parallel_loop3A_296 = arith.constant 25 : i32
      %parallel_loop3A_297 = arith.index_cast %parallel_loop3A_296 : i32 to index
      %parallel_loop3A_298 = arith.index_cast %parallel_loop3A_295 : i32 to index
      %parallel_loop3A_299 = tpu.vector_load %arg14[%parallel_loop3A_297, %parallel_loop3A_298] {strides = array<i32>} : memref<64x512xf32, #tpu.memory_space<vmem>>, vector<16xf32>,
      tpu.vector_store %arg14[%parallel_loop3A_297, %parallel_loop3A_298], %parallel_loop3A_293 {strides = array<i32>} : memref<64x512xf32, #tpu.memory_space<vmem>>, vector<16xf32>,
      %parallel_loop3A_300 = arith.constant 26 : i32
      %parallel_loop3A_301 = vector.broadcast %parallel_loop3A_300 : i32 to vector<16xi32>
      %parallel_loop3A_302 = tpu.vector_load_idx %arg13[%parallel_loop3A_301, %parallel_loop3A_65] : memref<64x128xf32, #tpu.memory_space<vmem>>[vector<16xi32>, vector<16xi32>], vector<16xf32>,
      %parallel_loop3A_303 = arith.constant 16 : i32
      %parallel_loop3A_304 = arith.muli %parallel_loop3A_61, %parallel_loop3A_303 : i32
      %parallel_loop3A_305 = arith.constant 26 : i32
      %parallel_loop3A_306 = arith.index_cast %parallel_loop3A_305 : i32 to index
      %parallel_loop3A_307 = arith.index_cast %parallel_loop3A_304 : i32 to index
      %parallel_loop3A_308 = tpu.vector_load %arg14[%parallel_loop3A_306, %parallel_loop3A_307] {strides = array<i32>} : memref<64x512xf32, #tpu.memory_space<vmem>>, vector<16xf32>,
      tpu.vector_store %arg14[%parallel_loop3A_306, %parallel_loop3A_307], %parallel_loop3A_302 {strides = array<i32>} : memref<64x512xf32, #tpu.memory_space<vmem>>, vector<16xf32>,
      %parallel_loop3A_309 = arith.constant 27 : i32
      %parallel_loop3A_310 = vector.broadcast %parallel_loop3A_309 : i32 to vector<16xi32>
      %parallel_loop3A_311 = tpu.vector_load_idx %arg13[%parallel_loop3A_310, %parallel_loop3A_65] : memref<64x128xf32, #tpu.memory_space<vmem>>[vector<16xi32>, vector<16xi32>], vector<16xf32>,
      %parallel_loop3A_312 = arith.constant 16 : i32
      %parallel_loop3A_313 = arith.muli %parallel_loop3A_61, %parallel_loop3A_312 : i32
      %parallel_loop3A_314 = arith.constant 27 : i32
      %parallel_loop3A_315 = arith.index_cast %parallel_loop3A_314 : i32 to index
      %parallel_loop3A_316 = arith.index_cast %parallel_loop3A_313 : i32 to index
      %parallel_loop3A_317 = tpu.vector_load %arg14[%parallel_loop3A_315, %parallel_loop3A_316] {strides = array<i32>} : memref<64x512xf32, #tpu.memory_space<vmem>>, vector<16xf32>,
      tpu.vector_store %arg14[%parallel_loop3A_315, %parallel_loop3A_316], %parallel_loop3A_311 {strides = array<i32>} : memref<64x512xf32, #tpu.memory_space<vmem>>, vector<16xf32>,
      %parallel_loop3A_318 = arith.constant 28 : i32
      %parallel_loop3A_319 = vector.broadcast %parallel_loop3A_318 : i32 to vector<16xi32>
      %parallel_loop3A_320 = tpu.vector_load_idx %arg13[%parallel_loop3A_319, %parallel_loop3A_65] : memref<64x128xf32, #tpu.memory_space<vmem>>[vector<16xi32>, vector<16xi32>], vector<16xf32>,
      %parallel_loop3A_321 = arith.constant 16 : i32
      %parallel_loop3A_322 = arith.muli %parallel_loop3A_61, %parallel_loop3A_321 : i32
      %parallel_loop3A_323 = arith.constant 28 : i32
      %parallel_loop3A_324 = arith.index_cast %parallel_loop3A_323 : i32 to index
      %parallel_loop3A_325 = arith.index_cast %parallel_loop3A_322 : i32 to index
      %parallel_loop3A_326 = tpu.vector_load %arg14[%parallel_loop3A_324, %parallel_loop3A_325] {strides = array<i32>} : memref<64x512xf32, #tpu.memory_space<vmem>>, vector<16xf32>,
      tpu.vector_store %arg14[%parallel_loop3A_324, %parallel_loop3A_325], %parallel_loop3A_320 {strides = array<i32>} : memref<64x512xf32, #tpu.memory_space<vmem>>, vector<16xf32>,
      %parallel_loop3A_327 = arith.constant 29 : i32
      %parallel_loop3A_328 = vector.broadcast %parallel_loop3A_327 : i32 to vector<16xi32>
      %parallel_loop3A_329 = tpu.vector_load_idx %arg13[%parallel_loop3A_328, %parallel_loop3A_65] : memref<64x128xf32, #tpu.memory_space<vmem>>[vector<16xi32>, vector<16xi32>], vector<16xf32>,
      %parallel_loop3A_330 = arith.constant 16 : i32
      %parallel_loop3A_331 = arith.muli %parallel_loop3A_61, %parallel_loop3A_330 : i32
      %parallel_loop3A_332 = arith.constant 29 : i32
      %parallel_loop3A_333 = arith.index_cast %parallel_loop3A_332 : i32 to index
      %parallel_loop3A_334 = arith.index_cast %parallel_loop3A_331 : i32 to index
      %parallel_loop3A_335 = tpu.vector_load %arg14[%parallel_loop3A_333, %parallel_loop3A_334] {strides = array<i32>} : memref<64x512xf32, #tpu.memory_space<vmem>>, vector<16xf32>,
      tpu.vector_store %arg14[%parallel_loop3A_333, %parallel_loop3A_334], %parallel_loop3A_329 {strides = array<i32>} : memref<64x512xf32, #tpu.memory_space<vmem>>, vector<16xf32>,
      %parallel_loop3A_336 = arith.constant 30 : i32
      %parallel_loop3A_337 = vector.broadcast %parallel_loop3A_336 : i32 to vector<16xi32>
      %parallel_loop3A_338 = tpu.vector_load_idx %arg13[%parallel_loop3A_337, %parallel_loop3A_65] : memref<64x128xf32, #tpu.memory_space<vmem>>[vector<16xi32>, vector<16xi32>], vector<16xf32>,
      %parallel_loop3A_339 = arith.constant 16 : i32
      %parallel_loop3A_340 = arith.muli %parallel_loop3A_61, %parallel_loop3A_339 : i32
      %parallel_loop3A_341 = arith.constant 30 : i32
      %parallel_loop3A_342 = arith.index_cast %parallel_loop3A_341 : i32 to index
      %parallel_loop3A_343 = arith.index_cast %parallel_loop3A_340 : i32 to index
      %parallel_loop3A_344 = tpu.vector_load %arg14[%parallel_loop3A_342, %parallel_loop3A_343] {strides = array<i32>} : memref<64x512xf32, #tpu.memory_space<vmem>>, vector<16xf32>,
      tpu.vector_store %arg14[%parallel_loop3A_342, %parallel_loop3A_343], %parallel_loop3A_338 {strides = array<i32>} : memref<64x512xf32, #tpu.memory_space<vmem>>, vector<16xf32>,
      %parallel_loop3A_345 = arith.constant 31 : i32
      %parallel_loop3A_346 = vector.broadcast %parallel_loop3A_345 : i32 to vector<16xi32>
      %parallel_loop3A_347 = tpu.vector_load_idx %arg13[%parallel_loop3A_346, %parallel_loop3A_65] : memref<64x128xf32, #tpu.memory_space<vmem>>[vector<16xi32>, vector<16xi32>], vector<16xf32>,
      %parallel_loop3A_348 = arith.constant 16 : i32
      %parallel_loop3A_349 = arith.muli %parallel_loop3A_61, %parallel_loop3A_348 : i32
      %parallel_loop3A_350 = arith.constant 31 : i32
      %parallel_loop3A_351 = arith.index_cast %parallel_loop3A_350 : i32 to index
      %parallel_loop3A_352 = arith.index_cast %parallel_loop3A_349 : i32 to index
      %parallel_loop3A_353 = tpu.vector_load %arg14[%parallel_loop3A_351, %parallel_loop3A_352] {strides = array<i32>} : memref<64x512xf32, #tpu.memory_space<vmem>>, vector<16xf32>,
      tpu.vector_store %arg14[%parallel_loop3A_351, %parallel_loop3A_352], %parallel_loop3A_347 {strides = array<i32>} : memref<64x512xf32, #tpu.memory_space<vmem>>, vector<16xf32>,
    } {sc.loop_unroll_factor = 4 : i64, sc.parallel_access}
    %dma_start3A_14 = arith.constant 0 : i32
    %dma_start3A_15 = arith.constant 0 : i32
    %dma_start3A_16 = tpu.memref_slice %arg14[%dma_start3A_14, %dma_start3A_15] : memref<64x512xf32, #tpu.memory_space<vmem>> -> memref<32x512xf32, #tpu.memory_space<vmem>>
    %dma_start3A_17 = arith.constant 0 : i32
    %dma_start3A_18 = tpu.memref_slice %arg6[%dma_start3A_17, %mul3A_2] : memref<64x16384xf32, #tpu.memory_space<hbm>> -> memref<32x512xf32, #tpu.memory_space<hbm>>
    %dma_start3A_19 = arith.constant 0 : i32
    %dma_start3A_20 = tpu.memref_slice %arg6[%dma_start3A_19, %mul3A_2] : memref<64x16384xf32, #tpu.memory_space<hbm>> -> memref<32x512xf32, #tpu.memory_space<hbm>>
    %dma_start3A_21 = arith.constant 0 : i32
    %dma_start3A_22 = arith.constant 0 : i32
    %dma_start3A_23 = tpu.memref_slice %arg14[%dma_start3A_21, %dma_start3A_22] : memref<64x512xf32, #tpu.memory_space<vmem>> -> memref<32x512xf32, #tpu.memory_space<vmem>>
    tpu.enqueue_dma source(%dma_start3A_23 : memref<32x512xf32, #tpu.memory_space<vmem>>) target(%dma_start3A_20 : memref<32x512xf32, #tpu.memory_space<hbm>>) target_semaphore(%arg16 : memref<!tpu.dma_semaphore, #tpu.memory_space<semaphore_mem>>)
    %dma_start3A_24 = tpu.memref_slice %arg7[%mul3A_2] : memref<16384xi32, #tpu.memory_space<hbm>> -> memref<512xi32, #tpu.memory_space<hbm>>
    %dma_start3A_25 = tpu.memref_slice %arg7[%mul3A_2] : memref<16384xi32, #tpu.memory_space<hbm>> -> memref<512xi32, #tpu.memory_space<hbm>>
    tpu.enqueue_dma source(%arg12 : memref<512xi32, #tpu.memory_space<vmem>>) target(%dma_start3A_25 : memref<512xi32, #tpu.memory_space<hbm>>) target_semaphore(%arg16 : memref<!tpu.dma_semaphore, #tpu.memory_space<semaphore_mem>>)
    %parallel_loop3A_26 = arith.constant 0 : i32
    %parallel_loop3A_27 = arith.constant 32 : i32
    %parallel_loop3A_28 = arith.constant 1 : i32
    scf.for %parallel_loop3A_61 = %parallel_loop3A_26 to %parallel_loop3A_27 step %parallel_loop3A_28  : i32 {
      %parallel_loop3A_62 = arith.constant 16 : i32
      %parallel_loop3A_63 = arith.muli %parallel_loop3A_61, %parallel_loop3A_62 : i32
      %parallel_loop3A_64 = arith.index_cast %parallel_loop3A_63 : i32 to index
      %parallel_loop3A_65 = tpu.vector_load %arg10[%parallel_loop3A_64] {strides = array<i32>} : memref<512xi32, #tpu.memory_space<vmem>>, vector<16xi32>,
      %parallel_loop3A_66 = arith.constant 32 : i32
      %parallel_loop3A_67 = vector.broadcast %parallel_loop3A_66 : i32 to vector<16xi32>
      %parallel_loop3A_68 = tpu.vector_load_idx %arg13[%parallel_loop3A_67, %parallel_loop3A_65] : memref<64x128xf32, #tpu.memory_space<vmem>>[vector<16xi32>, vector<16xi32>], vector<16xf32>,
      %parallel_loop3A_69 = arith.constant 16 : i32
      %parallel_loop3A_70 = arith.muli %parallel_loop3A_61, %parallel_loop3A_69 : i32
      %parallel_loop3A_71 = arith.constant 32 : i32
      %parallel_loop3A_72 = arith.index_cast %parallel_loop3A_71 : i32 to index
      %parallel_loop3A_73 = arith.index_cast %parallel_loop3A_70 : i32 to index
      %parallel_loop3A_74 = tpu.vector_load %arg14[%parallel_loop3A_72, %parallel_loop3A_73] {strides = array<i32>} : memref<64x512xf32, #tpu.memory_space<vmem>>, vector<16xf32>,
      tpu.vector_store %arg14[%parallel_loop3A_72, %parallel_loop3A_73], %parallel_loop3A_68 {strides = array<i32>} : memref<64x512xf32, #tpu.memory_space<vmem>>, vector<16xf32>,
      %parallel_loop3A_75 = arith.constant 33 : i32
      %parallel_loop3A_76 = vector.broadcast %parallel_loop3A_75 : i32 to vector<16xi32>
      %parallel_loop3A_77 = tpu.vector_load_idx %arg13[%parallel_loop3A_76, %parallel_loop3A_65] : memref<64x128xf32, #tpu.memory_space<vmem>>[vector<16xi32>, vector<16xi32>], vector<16xf32>,
      %parallel_loop3A_78 = arith.constant 16 : i32
      %parallel_loop3A_79 = arith.muli %parallel_loop3A_61, %parallel_loop3A_78 : i32
      %parallel_loop3A_80 = arith.constant 33 : i32
      %parallel_loop3A_81 = arith.index_cast %parallel_loop3A_80 : i32 to index
      %parallel_loop3A_82 = arith.index_cast %parallel_loop3A_79 : i32 to index
      %parallel_loop3A_83 = tpu.vector_load %arg14[%parallel_loop3A_81, %parallel_loop3A_82] {strides = array<i32>} : memref<64x512xf32, #tpu.memory_space<vmem>>, vector<16xf32>,
      tpu.vector_store %arg14[%parallel_loop3A_81, %parallel_loop3A_82], %parallel_loop3A_77 {strides = array<i32>} : memref<64x512xf32, #tpu.memory_space<vmem>>, vector<16xf32>,
      %parallel_loop3A_84 = arith.constant 34 : i32
      %parallel_loop3A_85 = vector.broadcast %parallel_loop3A_84 : i32 to vector<16xi32>
      %parallel_loop3A_86 = tpu.vector_load_idx %arg13[%parallel_loop3A_85, %parallel_loop3A_65] : memref<64x128xf32, #tpu.memory_space<vmem>>[vector<16xi32>, vector<16xi32>], vector<16xf32>,
      %parallel_loop3A_87 = arith.constant 16 : i32
      %parallel_loop3A_88 = arith.muli %parallel_loop3A_61, %parallel_loop3A_87 : i32
      %parallel_loop3A_89 = arith.constant 34 : i32
      %parallel_loop3A_90 = arith.index_cast %parallel_loop3A_89 : i32 to index
      %parallel_loop3A_91 = arith.index_cast %parallel_loop3A_88 : i32 to index
      %parallel_loop3A_92 = tpu.vector_load %arg14[%parallel_loop3A_90, %parallel_loop3A_91] {strides = array<i32>} : memref<64x512xf32, #tpu.memory_space<vmem>>, vector<16xf32>,
      tpu.vector_store %arg14[%parallel_loop3A_90, %parallel_loop3A_91], %parallel_loop3A_86 {strides = array<i32>} : memref<64x512xf32, #tpu.memory_space<vmem>>, vector<16xf32>,
      %parallel_loop3A_93 = arith.constant 35 : i32
      %parallel_loop3A_94 = vector.broadcast %parallel_loop3A_93 : i32 to vector<16xi32>
      %parallel_loop3A_95 = tpu.vector_load_idx %arg13[%parallel_loop3A_94, %parallel_loop3A_65] : memref<64x128xf32, #tpu.memory_space<vmem>>[vector<16xi32>, vector<16xi32>], vector<16xf32>,
      %parallel_loop3A_96 = arith.constant 16 : i32
      %parallel_loop3A_97 = arith.muli %parallel_loop3A_61, %parallel_loop3A_96 : i32
      %parallel_loop3A_98 = arith.constant 35 : i32
      %parallel_loop3A_99 = arith.index_cast %parallel_loop3A_98 : i32 to index
      %parallel_loop3A_100 = arith.index_cast %parallel_loop3A_97 : i32 to index
      %parallel_loop3A_101 = tpu.vector_load %arg14[%parallel_loop3A_99, %parallel_loop3A_100] {strides = array<i32>} : memref<64x512xf32, #tpu.memory_space<vmem>>, vector<16xf32>,
      tpu.vector_store %arg14[%parallel_loop3A_99, %parallel_loop3A_100], %parallel_loop3A_95 {strides = array<i32>} : memref<64x512xf32, #tpu.memory_space<vmem>>, vector<16xf32>,
      %parallel_loop3A_102 = arith.constant 36 : i32
      %parallel_loop3A_103 = vector.broadcast %parallel_loop3A_102 : i32 to vector<16xi32>
      %parallel_loop3A_104 = tpu.vector_load_idx %arg13[%parallel_loop3A_103, %parallel_loop3A_65] : memref<64x128xf32, #tpu.memory_space<vmem>>[vector<16xi32>, vector<16xi32>], vector<16xf32>,
      %parallel_loop3A_105 = arith.constant 16 : i32
      %parallel_loop3A_106 = arith.muli %parallel_loop3A_61, %parallel_loop3A_105 : i32
      %parallel_loop3A_107 = arith.constant 36 : i32
      %parallel_loop3A_108 = arith.index_cast %parallel_loop3A_107 : i32 to index
      %parallel_loop3A_109 = arith.index_cast %parallel_loop3A_106 : i32 to index
      %parallel_loop3A_110 = tpu.vector_load %arg14[%parallel_loop3A_108, %parallel_loop3A_109] {strides = array<i32>} : memref<64x512xf32, #tpu.memory_space<vmem>>, vector<16xf32>,
      tpu.vector_store %arg14[%parallel_loop3A_108, %parallel_loop3A_109], %parallel_loop3A_104 {strides = array<i32>} : memref<64x512xf32, #tpu.memory_space<vmem>>, vector<16xf32>,
      %parallel_loop3A_111 = arith.constant 37 : i32
      %parallel_loop3A_112 = vector.broadcast %parallel_loop3A_111 : i32 to vector<16xi32>
      %parallel_loop3A_113 = tpu.vector_load_idx %arg13[%parallel_loop3A_112, %parallel_loop3A_65] : memref<64x128xf32, #tpu.memory_space<vmem>>[vector<16xi32>, vector<16xi32>], vector<16xf32>,
      %parallel_loop3A_114 = arith.constant 16 : i32
      %parallel_loop3A_115 = arith.muli %parallel_loop3A_61, %parallel_loop3A_114 : i32
      %parallel_loop3A_116 = arith.constant 37 : i32
      %parallel_loop3A_117 = arith.index_cast %parallel_loop3A_116 : i32 to index
      %parallel_loop3A_118 = arith.index_cast %parallel_loop3A_115 : i32 to index
      %parallel_loop3A_119 = tpu.vector_load %arg14[%parallel_loop3A_117, %parallel_loop3A_118] {strides = array<i32>} : memref<64x512xf32, #tpu.memory_space<vmem>>, vector<16xf32>,
      tpu.vector_store %arg14[%parallel_loop3A_117, %parallel_loop3A_118], %parallel_loop3A_113 {strides = array<i32>} : memref<64x512xf32, #tpu.memory_space<vmem>>, vector<16xf32>,
      %parallel_loop3A_120 = arith.constant 38 : i32
      %parallel_loop3A_121 = vector.broadcast %parallel_loop3A_120 : i32 to vector<16xi32>
      %parallel_loop3A_122 = tpu.vector_load_idx %arg13[%parallel_loop3A_121, %parallel_loop3A_65] : memref<64x128xf32, #tpu.memory_space<vmem>>[vector<16xi32>, vector<16xi32>], vector<16xf32>,
      %parallel_loop3A_123 = arith.constant 16 : i32
      %parallel_loop3A_124 = arith.muli %parallel_loop3A_61, %parallel_loop3A_123 : i32
      %parallel_loop3A_125 = arith.constant 38 : i32
      %parallel_loop3A_126 = arith.index_cast %parallel_loop3A_125 : i32 to index
      %parallel_loop3A_127 = arith.index_cast %parallel_loop3A_124 : i32 to index
      %parallel_loop3A_128 = tpu.vector_load %arg14[%parallel_loop3A_126, %parallel_loop3A_127] {strides = array<i32>} : memref<64x512xf32, #tpu.memory_space<vmem>>, vector<16xf32>,
      tpu.vector_store %arg14[%parallel_loop3A_126, %parallel_loop3A_127], %parallel_loop3A_122 {strides = array<i32>} : memref<64x512xf32, #tpu.memory_space<vmem>>, vector<16xf32>,
      %parallel_loop3A_129 = arith.constant 39 : i32
      %parallel_loop3A_130 = vector.broadcast %parallel_loop3A_129 : i32 to vector<16xi32>
      %parallel_loop3A_131 = tpu.vector_load_idx %arg13[%parallel_loop3A_130, %parallel_loop3A_65] : memref<64x128xf32, #tpu.memory_space<vmem>>[vector<16xi32>, vector<16xi32>], vector<16xf32>,
      %parallel_loop3A_132 = arith.constant 16 : i32
      %parallel_loop3A_133 = arith.muli %parallel_loop3A_61, %parallel_loop3A_132 : i32
      %parallel_loop3A_134 = arith.constant 39 : i32
      %parallel_loop3A_135 = arith.index_cast %parallel_loop3A_134 : i32 to index
      %parallel_loop3A_136 = arith.index_cast %parallel_loop3A_133 : i32 to index
      %parallel_loop3A_137 = tpu.vector_load %arg14[%parallel_loop3A_135, %parallel_loop3A_136] {strides = array<i32>} : memref<64x512xf32, #tpu.memory_space<vmem>>, vector<16xf32>,
      tpu.vector_store %arg14[%parallel_loop3A_135, %parallel_loop3A_136], %parallel_loop3A_131 {strides = array<i32>} : memref<64x512xf32, #tpu.memory_space<vmem>>, vector<16xf32>,
      %parallel_loop3A_138 = arith.constant 40 : i32
      %parallel_loop3A_139 = vector.broadcast %parallel_loop3A_138 : i32 to vector<16xi32>
      %parallel_loop3A_140 = tpu.vector_load_idx %arg13[%parallel_loop3A_139, %parallel_loop3A_65] : memref<64x128xf32, #tpu.memory_space<vmem>>[vector<16xi32>, vector<16xi32>], vector<16xf32>,
      %parallel_loop3A_141 = arith.constant 16 : i32
      %parallel_loop3A_142 = arith.muli %parallel_loop3A_61, %parallel_loop3A_141 : i32
      %parallel_loop3A_143 = arith.constant 40 : i32
      %parallel_loop3A_144 = arith.index_cast %parallel_loop3A_143 : i32 to index
      %parallel_loop3A_145 = arith.index_cast %parallel_loop3A_142 : i32 to index
      %parallel_loop3A_146 = tpu.vector_load %arg14[%parallel_loop3A_144, %parallel_loop3A_145] {strides = array<i32>} : memref<64x512xf32, #tpu.memory_space<vmem>>, vector<16xf32>,
      tpu.vector_store %arg14[%parallel_loop3A_144, %parallel_loop3A_145], %parallel_loop3A_140 {strides = array<i32>} : memref<64x512xf32, #tpu.memory_space<vmem>>, vector<16xf32>,
      %parallel_loop3A_147 = arith.constant 41 : i32
      %parallel_loop3A_148 = vector.broadcast %parallel_loop3A_147 : i32 to vector<16xi32>
      %parallel_loop3A_149 = tpu.vector_load_idx %arg13[%parallel_loop3A_148, %parallel_loop3A_65] : memref<64x128xf32, #tpu.memory_space<vmem>>[vector<16xi32>, vector<16xi32>], vector<16xf32>,
      %parallel_loop3A_150 = arith.constant 16 : i32
      %parallel_loop3A_151 = arith.muli %parallel_loop3A_61, %parallel_loop3A_150 : i32
      %parallel_loop3A_152 = arith.constant 41 : i32
      %parallel_loop3A_153 = arith.index_cast %parallel_loop3A_152 : i32 to index
      %parallel_loop3A_154 = arith.index_cast %parallel_loop3A_151 : i32 to index
      %parallel_loop3A_155 = tpu.vector_load %arg14[%parallel_loop3A_153, %parallel_loop3A_154] {strides = array<i32>} : memref<64x512xf32, #tpu.memory_space<vmem>>, vector<16xf32>,
      tpu.vector_store %arg14[%parallel_loop3A_153, %parallel_loop3A_154], %parallel_loop3A_149 {strides = array<i32>} : memref<64x512xf32, #tpu.memory_space<vmem>>, vector<16xf32>,
      %parallel_loop3A_156 = arith.constant 42 : i32
      %parallel_loop3A_157 = vector.broadcast %parallel_loop3A_156 : i32 to vector<16xi32>
      %parallel_loop3A_158 = tpu.vector_load_idx %arg13[%parallel_loop3A_157, %parallel_loop3A_65] : memref<64x128xf32, #tpu.memory_space<vmem>>[vector<16xi32>, vector<16xi32>], vector<16xf32>,
      %parallel_loop3A_159 = arith.constant 16 : i32
      %parallel_loop3A_160 = arith.muli %parallel_loop3A_61, %parallel_loop3A_159 : i32
      %parallel_loop3A_161 = arith.constant 42 : i32
      %parallel_loop3A_162 = arith.index_cast %parallel_loop3A_161 : i32 to index
      %parallel_loop3A_163 = arith.index_cast %parallel_loop3A_160 : i32 to index
      %parallel_loop3A_164 = tpu.vector_load %arg14[%parallel_loop3A_162, %parallel_loop3A_163] {strides = array<i32>} : memref<64x512xf32, #tpu.memory_space<vmem>>, vector<16xf32>,
      tpu.vector_store %arg14[%parallel_loop3A_162, %parallel_loop3A_163], %parallel_loop3A_158 {strides = array<i32>} : memref<64x512xf32, #tpu.memory_space<vmem>>, vector<16xf32>,
      %parallel_loop3A_165 = arith.constant 43 : i32
      %parallel_loop3A_166 = vector.broadcast %parallel_loop3A_165 : i32 to vector<16xi32>
      %parallel_loop3A_167 = tpu.vector_load_idx %arg13[%parallel_loop3A_166, %parallel_loop3A_65] : memref<64x128xf32, #tpu.memory_space<vmem>>[vector<16xi32>, vector<16xi32>], vector<16xf32>,
      %parallel_loop3A_168 = arith.constant 16 : i32
      %parallel_loop3A_169 = arith.muli %parallel_loop3A_61, %parallel_loop3A_168 : i32
      %parallel_loop3A_170 = arith.constant 43 : i32
      %parallel_loop3A_171 = arith.index_cast %parallel_loop3A_170 : i32 to index
      %parallel_loop3A_172 = arith.index_cast %parallel_loop3A_169 : i32 to index
      %parallel_loop3A_173 = tpu.vector_load %arg14[%parallel_loop3A_171, %parallel_loop3A_172] {strides = array<i32>} : memref<64x512xf32, #tpu.memory_space<vmem>>, vector<16xf32>,
      tpu.vector_store %arg14[%parallel_loop3A_171, %parallel_loop3A_172], %parallel_loop3A_167 {strides = array<i32>} : memref<64x512xf32, #tpu.memory_space<vmem>>, vector<16xf32>,
      %parallel_loop3A_174 = arith.constant 44 : i32
      %parallel_loop3A_175 = vector.broadcast %parallel_loop3A_174 : i32 to vector<16xi32>
      %parallel_loop3A_176 = tpu.vector_load_idx %arg13[%parallel_loop3A_175, %parallel_loop3A_65] : memref<64x128xf32, #tpu.memory_space<vmem>>[vector<16xi32>, vector<16xi32>], vector<16xf32>,
      %parallel_loop3A_177 = arith.constant 16 : i32
      %parallel_loop3A_178 = arith.muli %parallel_loop3A_61, %parallel_loop3A_177 : i32
      %parallel_loop3A_179 = arith.constant 44 : i32
      %parallel_loop3A_180 = arith.index_cast %parallel_loop3A_179 : i32 to index
      %parallel_loop3A_181 = arith.index_cast %parallel_loop3A_178 : i32 to index
      %parallel_loop3A_182 = tpu.vector_load %arg14[%parallel_loop3A_180, %parallel_loop3A_181] {strides = array<i32>} : memref<64x512xf32, #tpu.memory_space<vmem>>, vector<16xf32>,
      tpu.vector_store %arg14[%parallel_loop3A_180, %parallel_loop3A_181], %parallel_loop3A_176 {strides = array<i32>} : memref<64x512xf32, #tpu.memory_space<vmem>>, vector<16xf32>,
      %parallel_loop3A_183 = arith.constant 45 : i32
      %parallel_loop3A_184 = vector.broadcast %parallel_loop3A_183 : i32 to vector<16xi32>
      %parallel_loop3A_185 = tpu.vector_load_idx %arg13[%parallel_loop3A_184, %parallel_loop3A_65] : memref<64x128xf32, #tpu.memory_space<vmem>>[vector<16xi32>, vector<16xi32>], vector<16xf32>,
      %parallel_loop3A_186 = arith.constant 16 : i32
      %parallel_loop3A_187 = arith.muli %parallel_loop3A_61, %parallel_loop3A_186 : i32
      %parallel_loop3A_188 = arith.constant 45 : i32
      %parallel_loop3A_189 = arith.index_cast %parallel_loop3A_188 : i32 to index
      %parallel_loop3A_190 = arith.index_cast %parallel_loop3A_187 : i32 to index
      %parallel_loop3A_191 = tpu.vector_load %arg14[%parallel_loop3A_189, %parallel_loop3A_190] {strides = array<i32>} : memref<64x512xf32, #tpu.memory_space<vmem>>, vector<16xf32>,
      tpu.vector_store %arg14[%parallel_loop3A_189, %parallel_loop3A_190], %parallel_loop3A_185 {strides = array<i32>} : memref<64x512xf32, #tpu.memory_space<vmem>>, vector<16xf32>,
      %parallel_loop3A_192 = arith.constant 46 : i32
      %parallel_loop3A_193 = vector.broadcast %parallel_loop3A_192 : i32 to vector<16xi32>
      %parallel_loop3A_194 = tpu.vector_load_idx %arg13[%parallel_loop3A_193, %parallel_loop3A_65] : memref<64x128xf32, #tpu.memory_space<vmem>>[vector<16xi32>, vector<16xi32>], vector<16xf32>,
      %parallel_loop3A_195 = arith.constant 16 : i32
      %parallel_loop3A_196 = arith.muli %parallel_loop3A_61, %parallel_loop3A_195 : i32
      %parallel_loop3A_197 = arith.constant 46 : i32
      %parallel_loop3A_198 = arith.index_cast %parallel_loop3A_197 : i32 to index
      %parallel_loop3A_199 = arith.index_cast %parallel_loop3A_196 : i32 to index
      %parallel_loop3A_200 = tpu.vector_load %arg14[%parallel_loop3A_198, %parallel_loop3A_199] {strides = array<i32>} : memref<64x512xf32, #tpu.memory_space<vmem>>, vector<16xf32>,
      tpu.vector_store %arg14[%parallel_loop3A_198, %parallel_loop3A_199], %parallel_loop3A_194 {strides = array<i32>} : memref<64x512xf32, #tpu.memory_space<vmem>>, vector<16xf32>,
      %parallel_loop3A_201 = arith.constant 47 : i32
      %parallel_loop3A_202 = vector.broadcast %parallel_loop3A_201 : i32 to vector<16xi32>
      %parallel_loop3A_203 = tpu.vector_load_idx %arg13[%parallel_loop3A_202, %parallel_loop3A_65] : memref<64x128xf32, #tpu.memory_space<vmem>>[vector<16xi32>, vector<16xi32>], vector<16xf32>,
      %parallel_loop3A_204 = arith.constant 16 : i32
      %parallel_loop3A_205 = arith.muli %parallel_loop3A_61, %parallel_loop3A_204 : i32
      %parallel_loop3A_206 = arith.constant 47 : i32
      %parallel_loop3A_207 = arith.index_cast %parallel_loop3A_206 : i32 to index
      %parallel_loop3A_208 = arith.index_cast %parallel_loop3A_205 : i32 to index
      %parallel_loop3A_209 = tpu.vector_load %arg14[%parallel_loop3A_207, %parallel_loop3A_208] {strides = array<i32>} : memref<64x512xf32, #tpu.memory_space<vmem>>, vector<16xf32>,
      tpu.vector_store %arg14[%parallel_loop3A_207, %parallel_loop3A_208], %parallel_loop3A_203 {strides = array<i32>} : memref<64x512xf32, #tpu.memory_space<vmem>>, vector<16xf32>,
      %parallel_loop3A_210 = arith.constant 48 : i32
      %parallel_loop3A_211 = vector.broadcast %parallel_loop3A_210 : i32 to vector<16xi32>
      %parallel_loop3A_212 = tpu.vector_load_idx %arg13[%parallel_loop3A_211, %parallel_loop3A_65] : memref<64x128xf32, #tpu.memory_space<vmem>>[vector<16xi32>, vector<16xi32>], vector<16xf32>,
      %parallel_loop3A_213 = arith.constant 16 : i32
      %parallel_loop3A_214 = arith.muli %parallel_loop3A_61, %parallel_loop3A_213 : i32
      %parallel_loop3A_215 = arith.constant 48 : i32
      %parallel_loop3A_216 = arith.index_cast %parallel_loop3A_215 : i32 to index
      %parallel_loop3A_217 = arith.index_cast %parallel_loop3A_214 : i32 to index
      %parallel_loop3A_218 = tpu.vector_load %arg14[%parallel_loop3A_216, %parallel_loop3A_217] {strides = array<i32>} : memref<64x512xf32, #tpu.memory_space<vmem>>, vector<16xf32>,
      tpu.vector_store %arg14[%parallel_loop3A_216, %parallel_loop3A_217], %parallel_loop3A_212 {strides = array<i32>} : memref<64x512xf32, #tpu.memory_space<vmem>>, vector<16xf32>,
      %parallel_loop3A_219 = arith.constant 49 : i32
      %parallel_loop3A_220 = vector.broadcast %parallel_loop3A_219 : i32 to vector<16xi32>
      %parallel_loop3A_221 = tpu.vector_load_idx %arg13[%parallel_loop3A_220, %parallel_loop3A_65] : memref<64x128xf32, #tpu.memory_space<vmem>>[vector<16xi32>, vector<16xi32>], vector<16xf32>,
      %parallel_loop3A_222 = arith.constant 16 : i32
      %parallel_loop3A_223 = arith.muli %parallel_loop3A_61, %parallel_loop3A_222 : i32
      %parallel_loop3A_224 = arith.constant 49 : i32
      %parallel_loop3A_225 = arith.index_cast %parallel_loop3A_224 : i32 to index
      %parallel_loop3A_226 = arith.index_cast %parallel_loop3A_223 : i32 to index
      %parallel_loop3A_227 = tpu.vector_load %arg14[%parallel_loop3A_225, %parallel_loop3A_226] {strides = array<i32>} : memref<64x512xf32, #tpu.memory_space<vmem>>, vector<16xf32>,
      tpu.vector_store %arg14[%parallel_loop3A_225, %parallel_loop3A_226], %parallel_loop3A_221 {strides = array<i32>} : memref<64x512xf32, #tpu.memory_space<vmem>>, vector<16xf32>,
      %parallel_loop3A_228 = arith.constant 50 : i32
      %parallel_loop3A_229 = vector.broadcast %parallel_loop3A_228 : i32 to vector<16xi32>
      %parallel_loop3A_230 = tpu.vector_load_idx %arg13[%parallel_loop3A_229, %parallel_loop3A_65] : memref<64x128xf32, #tpu.memory_space<vmem>>[vector<16xi32>, vector<16xi32>], vector<16xf32>,
      %parallel_loop3A_231 = arith.constant 16 : i32
      %parallel_loop3A_232 = arith.muli %parallel_loop3A_61, %parallel_loop3A_231 : i32
      %parallel_loop3A_233 = arith.constant 50 : i32
      %parallel_loop3A_234 = arith.index_cast %parallel_loop3A_233 : i32 to index
      %parallel_loop3A_235 = arith.index_cast %parallel_loop3A_232 : i32 to index
      %parallel_loop3A_236 = tpu.vector_load %arg14[%parallel_loop3A_234, %parallel_loop3A_235] {strides = array<i32>} : memref<64x512xf32, #tpu.memory_space<vmem>>, vector<16xf32>,
      tpu.vector_store %arg14[%parallel_loop3A_234, %parallel_loop3A_235], %parallel_loop3A_230 {strides = array<i32>} : memref<64x512xf32, #tpu.memory_space<vmem>>, vector<16xf32>,
      %parallel_loop3A_237 = arith.constant 51 : i32
      %parallel_loop3A_238 = vector.broadcast %parallel_loop3A_237 : i32 to vector<16xi32>
      %parallel_loop3A_239 = tpu.vector_load_idx %arg13[%parallel_loop3A_238, %parallel_loop3A_65] : memref<64x128xf32, #tpu.memory_space<vmem>>[vector<16xi32>, vector<16xi32>], vector<16xf32>,
      %parallel_loop3A_240 = arith.constant 16 : i32
      %parallel_loop3A_241 = arith.muli %parallel_loop3A_61, %parallel_loop3A_240 : i32
      %parallel_loop3A_242 = arith.constant 51 : i32
      %parallel_loop3A_243 = arith.index_cast %parallel_loop3A_242 : i32 to index
      %parallel_loop3A_244 = arith.index_cast %parallel_loop3A_241 : i32 to index
      %parallel_loop3A_245 = tpu.vector_load %arg14[%parallel_loop3A_243, %parallel_loop3A_244] {strides = array<i32>} : memref<64x512xf32, #tpu.memory_space<vmem>>, vector<16xf32>,
      tpu.vector_store %arg14[%parallel_loop3A_243, %parallel_loop3A_244], %parallel_loop3A_239 {strides = array<i32>} : memref<64x512xf32, #tpu.memory_space<vmem>>, vector<16xf32>,
      %parallel_loop3A_246 = arith.constant 52 : i32
      %parallel_loop3A_247 = vector.broadcast %parallel_loop3A_246 : i32 to vector<16xi32>
      %parallel_loop3A_248 = tpu.vector_load_idx %arg13[%parallel_loop3A_247, %parallel_loop3A_65] : memref<64x128xf32, #tpu.memory_space<vmem>>[vector<16xi32>, vector<16xi32>], vector<16xf32>,
      %parallel_loop3A_249 = arith.constant 16 : i32
      %parallel_loop3A_250 = arith.muli %parallel_loop3A_61, %parallel_loop3A_249 : i32
      %parallel_loop3A_251 = arith.constant 52 : i32
      %parallel_loop3A_252 = arith.index_cast %parallel_loop3A_251 : i32 to index
      %parallel_loop3A_253 = arith.index_cast %parallel_loop3A_250 : i32 to index
      %parallel_loop3A_254 = tpu.vector_load %arg14[%parallel_loop3A_252, %parallel_loop3A_253] {strides = array<i32>} : memref<64x512xf32, #tpu.memory_space<vmem>>, vector<16xf32>,
      tpu.vector_store %arg14[%parallel_loop3A_252, %parallel_loop3A_253], %parallel_loop3A_248 {strides = array<i32>} : memref<64x512xf32, #tpu.memory_space<vmem>>, vector<16xf32>,
      %parallel_loop3A_255 = arith.constant 53 : i32
      %parallel_loop3A_256 = vector.broadcast %parallel_loop3A_255 : i32 to vector<16xi32>
      %parallel_loop3A_257 = tpu.vector_load_idx %arg13[%parallel_loop3A_256, %parallel_loop3A_65] : memref<64x128xf32, #tpu.memory_space<vmem>>[vector<16xi32>, vector<16xi32>], vector<16xf32>,
      %parallel_loop3A_258 = arith.constant 16 : i32
      %parallel_loop3A_259 = arith.muli %parallel_loop3A_61, %parallel_loop3A_258 : i32
      %parallel_loop3A_260 = arith.constant 53 : i32
      %parallel_loop3A_261 = arith.index_cast %parallel_loop3A_260 : i32 to index
      %parallel_loop3A_262 = arith.index_cast %parallel_loop3A_259 : i32 to index
      %parallel_loop3A_263 = tpu.vector_load %arg14[%parallel_loop3A_261, %parallel_loop3A_262] {strides = array<i32>} : memref<64x512xf32, #tpu.memory_space<vmem>>, vector<16xf32>,
      tpu.vector_store %arg14[%parallel_loop3A_261, %parallel_loop3A_262], %parallel_loop3A_257 {strides = array<i32>} : memref<64x512xf32, #tpu.memory_space<vmem>>, vector<16xf32>,
      %parallel_loop3A_264 = arith.constant 54 : i32
      %parallel_loop3A_265 = vector.broadcast %parallel_loop3A_264 : i32 to vector<16xi32>
      %parallel_loop3A_266 = tpu.vector_load_idx %arg13[%parallel_loop3A_265, %parallel_loop3A_65] : memref<64x128xf32, #tpu.memory_space<vmem>>[vector<16xi32>, vector<16xi32>], vector<16xf32>,
      %parallel_loop3A_267 = arith.constant 16 : i32
      %parallel_loop3A_268 = arith.muli %parallel_loop3A_61, %parallel_loop3A_267 : i32
      %parallel_loop3A_269 = arith.constant 54 : i32
      %parallel_loop3A_270 = arith.index_cast %parallel_loop3A_269 : i32 to index
      %parallel_loop3A_271 = arith.index_cast %parallel_loop3A_268 : i32 to index
      %parallel_loop3A_272 = tpu.vector_load %arg14[%parallel_loop3A_270, %parallel_loop3A_271] {strides = array<i32>} : memref<64x512xf32, #tpu.memory_space<vmem>>, vector<16xf32>,
      tpu.vector_store %arg14[%parallel_loop3A_270, %parallel_loop3A_271], %parallel_loop3A_266 {strides = array<i32>} : memref<64x512xf32, #tpu.memory_space<vmem>>, vector<16xf32>,
      %parallel_loop3A_273 = arith.constant 55 : i32
      %parallel_loop3A_274 = vector.broadcast %parallel_loop3A_273 : i32 to vector<16xi32>
      %parallel_loop3A_275 = tpu.vector_load_idx %arg13[%parallel_loop3A_274, %parallel_loop3A_65] : memref<64x128xf32, #tpu.memory_space<vmem>>[vector<16xi32>, vector<16xi32>], vector<16xf32>,
      %parallel_loop3A_276 = arith.constant 16 : i32
      %parallel_loop3A_277 = arith.muli %parallel_loop3A_61, %parallel_loop3A_276 : i32
      %parallel_loop3A_278 = arith.constant 55 : i32
      %parallel_loop3A_279 = arith.index_cast %parallel_loop3A_278 : i32 to index
      %parallel_loop3A_280 = arith.index_cast %parallel_loop3A_277 : i32 to index
      %parallel_loop3A_281 = tpu.vector_load %arg14[%parallel_loop3A_279, %parallel_loop3A_280] {strides = array<i32>} : memref<64x512xf32, #tpu.memory_space<vmem>>, vector<16xf32>,
      tpu.vector_store %arg14[%parallel_loop3A_279, %parallel_loop3A_280], %parallel_loop3A_275 {strides = array<i32>} : memref<64x512xf32, #tpu.memory_space<vmem>>, vector<16xf32>,
      %parallel_loop3A_282 = arith.constant 56 : i32
      %parallel_loop3A_283 = vector.broadcast %parallel_loop3A_282 : i32 to vector<16xi32>
      %parallel_loop3A_284 = tpu.vector_load_idx %arg13[%parallel_loop3A_283, %parallel_loop3A_65] : memref<64x128xf32, #tpu.memory_space<vmem>>[vector<16xi32>, vector<16xi32>], vector<16xf32>,
      %parallel_loop3A_285 = arith.constant 16 : i32
      %parallel_loop3A_286 = arith.muli %parallel_loop3A_61, %parallel_loop3A_285 : i32
      %parallel_loop3A_287 = arith.constant 56 : i32
      %parallel_loop3A_288 = arith.index_cast %parallel_loop3A_287 : i32 to index
      %parallel_loop3A_289 = arith.index_cast %parallel_loop3A_286 : i32 to index
      %parallel_loop3A_290 = tpu.vector_load %arg14[%parallel_loop3A_288, %parallel_loop3A_289] {strides = array<i32>} : memref<64x512xf32, #tpu.memory_space<vmem>>, vector<16xf32>,
      tpu.vector_store %arg14[%parallel_loop3A_288, %parallel_loop3A_289], %parallel_loop3A_284 {strides = array<i32>} : memref<64x512xf32, #tpu.memory_space<vmem>>, vector<16xf32>,
      %parallel_loop3A_291 = arith.constant 57 : i32
      %parallel_loop3A_292 = vector.broadcast %parallel_loop3A_291 : i32 to vector<16xi32>
      %parallel_loop3A_293 = tpu.vector_load_idx %arg13[%parallel_loop3A_292, %parallel_loop3A_65] : memref<64x128xf32, #tpu.memory_space<vmem>>[vector<16xi32>, vector<16xi32>], vector<16xf32>,
      %parallel_loop3A_294 = arith.constant 16 : i32
      %parallel_loop3A_295 = arith.muli %parallel_loop3A_61, %parallel_loop3A_294 : i32
      %parallel_loop3A_296 = arith.constant 57 : i32
      %parallel_loop3A_297 = arith.index_cast %parallel_loop3A_296 : i32 to index
      %parallel_loop3A_298 = arith.index_cast %parallel_loop3A_295 : i32 to index
      %parallel_loop3A_299 = tpu.vector_load %arg14[%parallel_loop3A_297, %parallel_loop3A_298] {strides = array<i32>} : memref<64x512xf32, #tpu.memory_space<vmem>>, vector<16xf32>,
      tpu.vector_store %arg14[%parallel_loop3A_297, %parallel_loop3A_298], %parallel_loop3A_293 {strides = array<i32>} : memref<64x512xf32, #tpu.memory_space<vmem>>, vector<16xf32>,
      %parallel_loop3A_300 = arith.constant 58 : i32
      %parallel_loop3A_301 = vector.broadcast %parallel_loop3A_300 : i32 to vector<16xi32>
      %parallel_loop3A_302 = tpu.vector_load_idx %arg13[%parallel_loop3A_301, %parallel_loop3A_65] : memref<64x128xf32, #tpu.memory_space<vmem>>[vector<16xi32>, vector<16xi32>], vector<16xf32>,
      %parallel_loop3A_303 = arith.constant 16 : i32
      %parallel_loop3A_304 = arith.muli %parallel_loop3A_61, %parallel_loop3A_303 : i32
      %parallel_loop3A_305 = arith.constant 58 : i32
      %parallel_loop3A_306 = arith.index_cast %parallel_loop3A_305 : i32 to index
      %parallel_loop3A_307 = arith.index_cast %parallel_loop3A_304 : i32 to index
      %parallel_loop3A_308 = tpu.vector_load %arg14[%parallel_loop3A_306, %parallel_loop3A_307] {strides = array<i32>} : memref<64x512xf32, #tpu.memory_space<vmem>>, vector<16xf32>,
      tpu.vector_store %arg14[%parallel_loop3A_306, %parallel_loop3A_307], %parallel_loop3A_302 {strides = array<i32>} : memref<64x512xf32, #tpu.memory_space<vmem>>, vector<16xf32>,
      %parallel_loop3A_309 = arith.constant 59 : i32
      %parallel_loop3A_310 = vector.broadcast %parallel_loop3A_309 : i32 to vector<16xi32>
      %parallel_loop3A_311 = tpu.vector_load_idx %arg13[%parallel_loop3A_310, %parallel_loop3A_65] : memref<64x128xf32, #tpu.memory_space<vmem>>[vector<16xi32>, vector<16xi32>], vector<16xf32>,
      %parallel_loop3A_312 = arith.constant 16 : i32
      %parallel_loop3A_313 = arith.muli %parallel_loop3A_61, %parallel_loop3A_312 : i32
      %parallel_loop3A_314 = arith.constant 59 : i32
      %parallel_loop3A_315 = arith.index_cast %parallel_loop3A_314 : i32 to index
      %parallel_loop3A_316 = arith.index_cast %parallel_loop3A_313 : i32 to index
      %parallel_loop3A_317 = tpu.vector_load %arg14[%parallel_loop3A_315, %parallel_loop3A_316] {strides = array<i32>} : memref<64x512xf32, #tpu.memory_space<vmem>>, vector<16xf32>,
      tpu.vector_store %arg14[%parallel_loop3A_315, %parallel_loop3A_316], %parallel_loop3A_311 {strides = array<i32>} : memref<64x512xf32, #tpu.memory_space<vmem>>, vector<16xf32>,
      %parallel_loop3A_318 = arith.constant 60 : i32
      %parallel_loop3A_319 = vector.broadcast %parallel_loop3A_318 : i32 to vector<16xi32>
      %parallel_loop3A_320 = tpu.vector_load_idx %arg13[%parallel_loop3A_319, %parallel_loop3A_65] : memref<64x128xf32, #tpu.memory_space<vmem>>[vector<16xi32>, vector<16xi32>], vector<16xf32>,
      %parallel_loop3A_321 = arith.constant 16 : i32
      %parallel_loop3A_322 = arith.muli %parallel_loop3A_61, %parallel_loop3A_321 : i32
      %parallel_loop3A_323 = arith.constant 60 : i32
      %parallel_loop3A_324 = arith.index_cast %parallel_loop3A_323 : i32 to index
      %parallel_loop3A_325 = arith.index_cast %parallel_loop3A_322 : i32 to index
      %parallel_loop3A_326 = tpu.vector_load %arg14[%parallel_loop3A_324, %parallel_loop3A_325] {strides = array<i32>} : memref<64x512xf32, #tpu.memory_space<vmem>>, vector<16xf32>,
      tpu.vector_store %arg14[%parallel_loop3A_324, %parallel_loop3A_325], %parallel_loop3A_320 {strides = array<i32>} : memref<64x512xf32, #tpu.memory_space<vmem>>, vector<16xf32>,
      %parallel_loop3A_327 = arith.constant 61 : i32
      %parallel_loop3A_328 = vector.broadcast %parallel_loop3A_327 : i32 to vector<16xi32>
      %parallel_loop3A_329 = tpu.vector_load_idx %arg13[%parallel_loop3A_328, %parallel_loop3A_65] : memref<64x128xf32, #tpu.memory_space<vmem>>[vector<16xi32>, vector<16xi32>], vector<16xf32>,
      %parallel_loop3A_330 = arith.constant 16 : i32
      %parallel_loop3A_331 = arith.muli %parallel_loop3A_61, %parallel_loop3A_330 : i32
      %parallel_loop3A_332 = arith.constant 61 : i32
      %parallel_loop3A_333 = arith.index_cast %parallel_loop3A_332 : i32 to index
      %parallel_loop3A_334 = arith.index_cast %parallel_loop3A_331 : i32 to index
      %parallel_loop3A_335 = tpu.vector_load %arg14[%parallel_loop3A_333, %parallel_loop3A_334] {strides = array<i32>} : memref<64x512xf32, #tpu.memory_space<vmem>>, vector<16xf32>,
      tpu.vector_store %arg14[%parallel_loop3A_333, %parallel_loop3A_334], %parallel_loop3A_329 {strides = array<i32>} : memref<64x512xf32, #tpu.memory_space<vmem>>, vector<16xf32>,
      %parallel_loop3A_336 = arith.constant 62 : i32
      %parallel_loop3A_337 = vector.broadcast %parallel_loop3A_336 : i32 to vector<16xi32>
      %parallel_loop3A_338 = tpu.vector_load_idx %arg13[%parallel_loop3A_337, %parallel_loop3A_65] : memref<64x128xf32, #tpu.memory_space<vmem>>[vector<16xi32>, vector<16xi32>], vector<16xf32>,
      %parallel_loop3A_339 = arith.constant 16 : i32
      %parallel_loop3A_340 = arith.muli %parallel_loop3A_61, %parallel_loop3A_339 : i32
      %parallel_loop3A_341 = arith.constant 62 : i32
      %parallel_loop3A_342 = arith.index_cast %parallel_loop3A_341 : i32 to index
      %parallel_loop3A_343 = arith.index_cast %parallel_loop3A_340 : i32 to index
      %parallel_loop3A_344 = tpu.vector_load %arg14[%parallel_loop3A_342, %parallel_loop3A_343] {strides = array<i32>} : memref<64x512xf32, #tpu.memory_space<vmem>>, vector<16xf32>,
      tpu.vector_store %arg14[%parallel_loop3A_342, %parallel_loop3A_343], %parallel_loop3A_338 {strides = array<i32>} : memref<64x512xf32, #tpu.memory_space<vmem>>, vector<16xf32>,
      %parallel_loop3A_345 = arith.constant 63 : i32
      %parallel_loop3A_346 = vector.broadcast %parallel_loop3A_345 : i32 to vector<16xi32>
      %parallel_loop3A_347 = tpu.vector_load_idx %arg13[%parallel_loop3A_346, %parallel_loop3A_65] : memref<64x128xf32, #tpu.memory_space<vmem>>[vector<16xi32>, vector<16xi32>], vector<16xf32>,
      %parallel_loop3A_348 = arith.constant 16 : i32
      %parallel_loop3A_349 = arith.muli %parallel_loop3A_61, %parallel_loop3A_348 : i32
      %parallel_loop3A_350 = arith.constant 63 : i32
      %parallel_loop3A_351 = arith.index_cast %parallel_loop3A_350 : i32 to index
      %parallel_loop3A_352 = arith.index_cast %parallel_loop3A_349 : i32 to index
      %parallel_loop3A_353 = tpu.vector_load %arg14[%parallel_loop3A_351, %parallel_loop3A_352] {strides = array<i32>} : memref<64x512xf32, #tpu.memory_space<vmem>>, vector<16xf32>,
      tpu.vector_store %arg14[%parallel_loop3A_351, %parallel_loop3A_352], %parallel_loop3A_347 {strides = array<i32>} : memref<64x512xf32, #tpu.memory_space<vmem>>, vector<16xf32>,
    } {sc.loop_unroll_factor = 4 : i64, sc.parallel_access}
    %dma_start3A_29 = arith.constant 32 : i32
    %dma_start3A_30 = arith.constant 0 : i32
    %dma_start3A_31 = tpu.memref_slice %arg14[%dma_start3A_29, %dma_start3A_30] : memref<64x512xf32, #tpu.memory_space<vmem>> -> memref<32x512xf32, #tpu.memory_space<vmem>>
    %dma_start3A_32 = arith.constant 32 : i32
    %dma_start3A_33 = tpu.memref_slice %arg6[%dma_start3A_32, %mul3A_2] : memref<64x16384xf32, #tpu.memory_space<hbm>> -> memref<32x512xf32, #tpu.memory_space<hbm>>
    %dma_start3A_34 = arith.constant 32 : i32
    %dma_start3A_35 = tpu.memref_slice %arg6[%dma_start3A_34, %mul3A_2] : memref<64x16384xf32, #tpu.memory_space<hbm>> -> memref<32x512xf32, #tpu.memory_space<hbm>>
    %dma_start3A_36 = arith.constant 32 : i32
    %dma_start3A_37 = arith.constant 0 : i32
    %dma_start3A_38 = tpu.memref_slice %arg14[%dma_start3A_36, %dma_start3A_37] : memref<64x512xf32, #tpu.memory_space<vmem>> -> memref<32x512xf32, #tpu.memory_space<vmem>>
    tpu.enqueue_dma source(%dma_start3A_38 : memref<32x512xf32, #tpu.memory_space<vmem>>) target(%dma_start3A_35 : memref<32x512xf32, #tpu.memory_space<hbm>>) target_semaphore(%arg16 : memref<!tpu.dma_semaphore, #tpu.memory_space<semaphore_mem>>)
    %dma_wait3A_39 = arith.constant 0 : i32
    %dma_wait3A_40 = arith.constant 0 : i32
    %dma_wait3A_41 = tpu.memref_slice %arg14[%dma_wait3A_39, %dma_wait3A_40] : memref<64x512xf32, #tpu.memory_space<vmem>> -> memref<32x512xf32, #tpu.memory_space<vmem>>
    %dma_wait3A_42 = arith.constant 0 : i32
    %dma_wait3A_43 = tpu.memref_slice %arg6[%dma_wait3A_42, %mul3A_2] : memref<64x16384xf32, #tpu.memory_space<hbm>> -> memref<32x512xf32, #tpu.memory_space<hbm>>
    %dma_wait3A_44 = arith.constant 0 : i32
    %dma_wait3A_45 = tpu.memref_slice %arg6[%dma_wait3A_44, %mul3A_2] : memref<64x16384xf32, #tpu.memory_space<hbm>> -> memref<32x512xf32, #tpu.memory_space<hbm>>
    %dma_wait3A_46 = arith.constant 0 : i32
    %dma_wait3A_47 = arith.constant 0 : i32
    %dma_wait3A_48 = tpu.memref_slice %arg14[%dma_wait3A_46, %dma_wait3A_47] : memref<64x512xf32, #tpu.memory_space<vmem>> -> memref<32x512xf32, #tpu.memory_space<vmem>>
    tpu.wait_dma2 semaphore(%arg16 : memref<!tpu.dma_semaphore, #tpu.memory_space<semaphore_mem>>) src(%dma_wait3A_48 : memref<32x512xf32, #tpu.memory_space<vmem>>) dst(%dma_wait3A_45 : memref<32x512xf32, #tpu.memory_space<hbm>>)
    %dma_wait3A_49 = tpu.memref_slice %arg7[%mul3A_2] : memref<16384xi32, #tpu.memory_space<hbm>> -> memref<512xi32, #tpu.memory_space<hbm>>
    %dma_wait3A_50 = tpu.memref_slice %arg7[%mul3A_2] : memref<16384xi32, #tpu.memory_space<hbm>> -> memref<512xi32, #tpu.memory_space<hbm>>
    tpu.wait_dma2 semaphore(%arg16 : memref<!tpu.dma_semaphore, #tpu.memory_space<semaphore_mem>>) src(%arg12 : memref<512xi32, #tpu.memory_space<vmem>>) dst(%dma_wait3A_50 : memref<512xi32, #tpu.memory_space<hbm>>)
    %dma_wait3A_51 = arith.constant 32 : i32
    %dma_wait3A_52 = arith.constant 0 : i32
    %dma_wait3A_53 = tpu.memref_slice %arg14[%dma_wait3A_51, %dma_wait3A_52] : memref<64x512xf32, #tpu.memory_space<vmem>> -> memref<32x512xf32, #tpu.memory_space<vmem>>
    %dma_wait3A_54 = arith.constant 32 : i32
    %dma_wait3A_55 = tpu.memref_slice %arg6[%dma_wait3A_54, %mul3A_2] : memref<64x16384xf32, #tpu.memory_space<hbm>> -> memref<32x512xf32, #tpu.memory_space<hbm>>
    %dma_wait3A_56 = arith.constant 32 : i32
    %dma_wait3A_57 = tpu.memref_slice %arg6[%dma_wait3A_56, %mul3A_2] : memref<64x16384xf32, #tpu.memory_space<hbm>> -> memref<32x512xf32, #tpu.memory_space<hbm>>
    %dma_wait3A_58 = arith.constant 32 : i32
    %dma_wait3A_59 = arith.constant 0 : i32
    %dma_wait3A_60 = tpu.memref_slice %arg14[%dma_wait3A_58, %dma_wait3A_59] : memref<64x512xf32, #tpu.memory_space<vmem>> -> memref<32x512xf32, #tpu.memory_space<vmem>>
    tpu.wait_dma2 semaphore(%arg16 : memref<!tpu.dma_semaphore, #tpu.memory_space<semaphore_mem>>) src(%dma_wait3A_60 : memref<32x512xf32, #tpu.memory_space<vmem>>) dst(%dma_wait3A_57 : memref<32x512xf32, #tpu.memory_space<hbm>>)
    return
  }
}

module attributes {stable_mosaic.version = 14 : i64} {
  func.func @_table_body(%arg0: i32, %arg1: memref<16x1024xf32, #tpu.memory_space<vmem>>, %arg2: memref<8x1024xf32, #tpu.memory_space<vmem>>, %arg3: memref<2048x1024xf32, #tpu.memory_space<vmem>>, %arg4: memref<1x1024xf32, #tpu.memory_space<vmem>>, %arg5: memref<64x4096xf32, #tpu.memory_space<vmem>>, %arg6: memref<1x64xf32, #tpu.memory_space<vmem>>, %arg7: memref<64x128xf32, #tpu.memory_space<vmem>>, %arg8: memref<128xi32, #tpu.memory_space<vmem>>, %arg9: memref<128x2048xf32, #tpu.memory_space<vmem>>, %arg10: memref<128x4096xf32, #tpu.memory_space<vmem>>) attributes {dimension_semantics = [#tpu.dimension_semantics<arbitrary>], iteration_bounds = array<i64: 4>, scalar_prefetch = 0 : i64, scratch_operands = 2 : i64, tpu.core_type = #tpu.core_type<tc>, window_params = [{pipeline_mode = #tpu.pipeline_mode<synchronous>, transform_indices = @transform_0, window_bounds = array<i64: 16, 1024>}, {pipeline_mode = #tpu.pipeline_mode<synchronous>, transform_indices = @transform_1, window_bounds = array<i64: 8, 1024>}, {transform_indices = @transform_2, window_bounds = array<i64: 2048, 1024>}, {transform_indices = @transform_3, window_bounds = array<i64: 1, 1024>}, {pipeline_mode = #tpu.pipeline_mode<synchronous>, transform_indices = @transform_4, window_bounds = array<i64: 64, 4096>}, {pipeline_mode = #tpu.pipeline_mode<synchronous>, transform_indices = @transform_5, window_bounds = array<i64: 1, 64>}, {pipeline_mode = #tpu.pipeline_mode<synchronous>, transform_indices = @transform_6, window_bounds = array<i64: 64, 128>}, {pipeline_mode = #tpu.pipeline_mode<synchronous>, transform_indices = @transform_7, window_bounds = array<i64: 128>}]} {
    %eq3A = arith.constant 0 : i32
    %eq3A_0 = arith.cmpi eq, %arg0, %eq3A : i32
    %convert_element_type3A = arith.extui %eq3A_0 : i1 to i32
    %cond3A = arith.constant 0 : i32
    %cond3A_1 = arith.cmpi ne, %convert_element_type3A, %cond3A : i32
    scf.if %cond3A_1 {
      %get3A_22 = arith.constant 0 : index
      %get3A_23 = arith.constant 0 : index
      %get3A_24 = vector.load %arg1[%get3A_22, %get3A_23] : memref<16x1024xf32, #tpu.memory_space<vmem>>, vector<16x1024xf32>
      %broadcast_in_dim3A = vector.shape_cast %get3A_24 : vector<16x1024xf32> to vector<16x1x1024xf32>
      %broadcast_in_dim3A_25 = vector.shape_cast %broadcast_in_dim3A : vector<16x1x1024xf32> to vector<16x1x1024xf32>
      %broadcast_in_dim3A_26 = vector.broadcast %broadcast_in_dim3A_25 : vector<16x1x1024xf32> to vector<16x8x1024xf32>
      %get3A_27 = arith.constant 0 : index
      %get3A_28 = arith.constant 0 : index
      %get3A_29 = vector.load %arg2[%get3A_27, %get3A_28] : memref<8x1024xf32, #tpu.memory_space<vmem>>, vector<8x1024xf32>
      %broadcast_in_dim3A_30 = vector.shape_cast %get3A_29 : vector<8x1024xf32> to vector<1x8x1024xf32>
      %broadcast_in_dim3A_31 = vector.shape_cast %broadcast_in_dim3A_30 : vector<1x8x1024xf32> to vector<1x8x1024xf32>
      %broadcast_in_dim3A_32 = vector.broadcast %broadcast_in_dim3A_31 : vector<1x8x1024xf32> to vector<16x8x1024xf32>
      %reshape3A = vector.shape_cast %broadcast_in_dim3A_26 : vector<16x8x1024xf32> to vector<128x1024xf32>
      %swap3A_33 = arith.constant 0 : index
      %swap3A_34 = arith.constant 0 : index
      %swap3A_35 = vector.load %arg9[%swap3A_33, %swap3A_34] : memref<128x2048xf32, #tpu.memory_space<vmem>>, vector<128x1024xf32>
      tpu.vector_store %arg9[%swap3A_33, %swap3A_34], %reshape3A {strides = array<i32>} : memref<128x2048xf32, #tpu.memory_space<vmem>>, vector<128x1024xf32>,
      %reshape3A_36 = vector.shape_cast %broadcast_in_dim3A_32 : vector<16x8x1024xf32> to vector<128x1024xf32>
      %swap3A_37 = arith.constant 0 : index
      %swap3A_38 = arith.constant 1024 : index
      %swap3A_39 = vector.load %arg9[%swap3A_37, %swap3A_38] : memref<128x2048xf32, #tpu.memory_space<vmem>>, vector<128x1024xf32>
      tpu.vector_store %arg9[%swap3A_37, %swap3A_38], %reshape3A_36 {strides = array<i32>} : memref<128x2048xf32, #tpu.memory_space<vmem>>, vector<128x1024xf32>,
    } else {
    }
    %get3A = arith.constant 0 : index
    %get3A_2 = arith.constant 0 : index
    %get3A_3 = vector.load %arg9[%get3A, %get3A_2] : memref<128x2048xf32, #tpu.memory_space<vmem>>, vector<128x2048xf32>
    %get3A_4 = arith.constant 0 : index
    %get3A_5 = arith.constant 0 : index
    %get3A_6 = vector.load %arg3[%get3A_4, %get3A_5] : memref<2048x1024xf32, #tpu.memory_space<vmem>>, vector<2048x1024xf32>
    %dot_general3A = arith.constant dense<0.000000e+00> : vector<128x1024xf32>
    %dot_general3A_7 = tpu.matmul %get3A_3, %get3A_6, %dot_general3A {dimension_numbers = #tpu.dot_dimension_numbers<[1], [0], [0], [1], [0, 0, 1, 1], [], []>, transpose_lhs_hint = false} : vector<128x2048xf32>, vector<2048x1024xf32>, vector<128x1024xf32> -> vector<128x1024xf32>
    %get3A_8 = arith.constant 0 : index
    %get3A_9 = arith.constant 0 : index
    %get3A_10 = vector.load %arg4[%get3A_8, %get3A_9] : memref<1x1024xf32, #tpu.memory_space<vmem>>, vector<1x1024xf32>
    %add3A = vector.broadcast %get3A_10 : vector<1x1024xf32> to vector<128x1024xf32>
    %add3A_11 = arith.addf %dot_general3A_7, %add3A : vector<128x1024xf32>
    %max3A = arith.constant 0.000000e+00 : f32
    %max3A_12 = vector.broadcast %max3A : f32 to vector<128x1024xf32>
    %max3A_13 = arith.maximumf %add3A_11, %max3A_12 : vector<128x1024xf32>
    %mul3A = arith.constant 1024 : i32
    %mul3A_14 = arith.muli %arg0, %mul3A : i32
    %swap3A = arith.constant 0 : index
    %swap3A_15 = arith.index_cast %mul3A_14 : i32 to index
    %swap3A_16 = vector.load %arg10[%swap3A, %swap3A_15] : memref<128x4096xf32, #tpu.memory_space<vmem>>, vector<128x1024xf32>
    tpu.vector_store %arg10[%swap3A, %swap3A_15], %max3A_13 {strides = array<i32>} : memref<128x4096xf32, #tpu.memory_space<vmem>>, vector<128x1024xf32>,
    %eq3A_17 = arith.constant 3 : i32
    %eq3A_18 = arith.cmpi eq, %arg0, %eq3A_17 : i32
    %convert_element_type3A_19 = arith.extui %eq3A_18 : i1 to i32
    %cond3A_20 = arith.constant 0 : i32
    %cond3A_21 = arith.cmpi ne, %convert_element_type3A_19, %cond3A_20 : i32
    scf.if %cond3A_21 {
      %get3A_22 = arith.constant 0 : index
      %get3A_23 = arith.constant 0 : index
      %get3A_24 = vector.load %arg10[%get3A_22, %get3A_23] : memref<128x4096xf32, #tpu.memory_space<vmem>>, vector<128x4096xf32>
      %get3A_25 = arith.constant 0 : index
      %get3A_26 = arith.constant 0 : index
      %get3A_27 = vector.load %arg5[%get3A_25, %get3A_26] : memref<64x4096xf32, #tpu.memory_space<vmem>>, vector<64x4096xf32>
      %dot_general3A_28 = arith.constant dense<0.000000e+00> : vector<128x64xf32>
      %dot_general3A_29 = tpu.matmul %get3A_24, %get3A_27, %dot_general3A_28 {dimension_numbers = #tpu.dot_dimension_numbers<[1], [1], [0], [0], [0, 0, 1, 0], [], []>, transpose_lhs_hint = false} : vector<128x4096xf32>, vector<64x4096xf32>, vector<128x64xf32> -> vector<128x64xf32>
      %get3A_30 = arith.constant 0 : index
      %get3A_31 = arith.constant 0 : index
      %get3A_32 = vector.load %arg6[%get3A_30, %get3A_31] : memref<1x64xf32, #tpu.memory_space<vmem>>, vector<1x64xf32>
      %add3A_33 = vector.broadcast %get3A_32 : vector<1x64xf32> to vector<128x64xf32>
      %add3A_34 = arith.addf %dot_general3A_29, %add3A_33 : vector<128x64xf32>
      %reduce_max3A = arith.constant dense<0xFF800000> : vector<128xf32>
      %reduce_max3A_35 = vector.multi_reduction <maximumf>, %add3A_34, %reduce_max3A [1] : vector<128x64xf32> to vector<128xf32>
      %broadcast_in_dim3A = vector.shape_cast %reduce_max3A_35 : vector<128xf32> to vector<128x1xf32>
      %sub3A = vector.broadcast %broadcast_in_dim3A : vector<128x1xf32> to vector<128x64xf32>
      %sub3A_36 = arith.subf %add3A_34, %sub3A : vector<128x64xf32>
      %exp3A = math.exp %sub3A_36 : vector<128x64xf32>
      %reduce_sum3A = arith.constant dense<0.000000e+00> : vector<128xf32>
      %reduce_sum3A_37 = vector.multi_reduction <add>, %exp3A, %reduce_sum3A [1] : vector<128x64xf32> to vector<128xf32>
      %broadcast_in_dim3A_38 = vector.shape_cast %reduce_sum3A_37 : vector<128xf32> to vector<128x1xf32>
      %div3A = vector.broadcast %broadcast_in_dim3A_38 : vector<128x1xf32> to vector<128x64xf32>
      %div3A_39 = arith.divf %exp3A, %div3A : vector<128x64xf32>
      %transpose3A = tpu.transpose %div3A_39, [1, 0] : vector<128x64xf32> -> vector<64x128xf32>
      %swap3A_40 = arith.constant 0 : index
      %swap3A_41 = arith.constant 0 : index
      %swap3A_42 = vector.load %arg7[%swap3A_40, %swap3A_41] : memref<64x128xf32, #tpu.memory_space<vmem>>, vector<64x128xf32>
      tpu.vector_store %arg7[%swap3A_40, %swap3A_41], %transpose3A {strides = array<i32>} : memref<64x128xf32, #tpu.memory_space<vmem>>, vector<64x128xf32>,
      %reduce_max3A_43 = arith.constant dense<0xFF800000> : vector<128xf32>
      %reduce_max3A_44 = vector.multi_reduction <maximumf>, %div3A_39, %reduce_max3A_43 [1] : vector<128x64xf32> to vector<128xf32>
      %broadcast_in_dim3A_45 = vector.shape_cast %reduce_max3A_44 : vector<128xf32> to vector<128x1xf32>
      %iota3A = tpu.iota {dimensions = array<i32: 1>} : vector<128x64xi32>
      %eq3A_46 = vector.broadcast %broadcast_in_dim3A_45 : vector<128x1xf32> to vector<128x64xf32>
      %eq3A_47 = arith.cmpf oeq, %div3A_39, %eq3A_46 : vector<128x64xf32>
      %jit3A = arith.constant 64 : i32
      %broadcast_in_dim3A_48 = vector.broadcast %jit3A : i32 to vector<128x64xi32>
      %select_n3A = arith.select %eq3A_47, %iota3A, %broadcast_in_dim3A_48 : vector<128x64xi1>, vector<128x64xi32>
      %reduce_min3A = arith.constant dense<2147483647> : vector<128xi32>
      %reduce_min3A_49 = vector.multi_reduction <minsi>, %select_n3A, %reduce_min3A [1] : vector<128x64xi32> to vector<128xi32>
      %swap3A_50 = arith.constant 0 : index
      %swap3A_51 = vector.load %arg8[%swap3A_50] : memref<128xi32, #tpu.memory_space<vmem>>, vector<128xi32>
      tpu.vector_store %arg8[%swap3A_50], %reduce_min3A_49 {strides = array<i32>} : memref<128xi32, #tpu.memory_space<vmem>>, vector<128xi32>,
    } else {
    }
    return
  }
  func.func @transform_0(%arg0: i32) -> (i32, i32) {
    %c0_i32 = arith.constant 0 : i32
    %c0_i32_0 = arith.constant 0 : i32
    %c0_i32_1 = arith.constant 0 : i32
    return %c0_i32, %c0_i32_0 : i32, i32
  }
  func.func @transform_1(%arg0: i32) -> (i32, i32) {
    %c0_i32 = arith.constant 0 : i32
    %c0_i32_0 = arith.constant 0 : i32
    %c0_i32_1 = arith.constant 0 : i32
    return %c0_i32, %c0_i32_0 : i32, i32
  }
  func.func @transform_2(%arg0: i32) -> (i32, i32) {
    %c0_i32 = arith.constant 0 : i32
    %c0_i32_0 = arith.constant 0 : i32
    return %c0_i32, %arg0 : i32, i32
  }
  func.func @transform_3(%arg0: i32) -> (i32, i32) {
    %c0_i32 = arith.constant 0 : i32
    %c0_i32_0 = arith.constant 0 : i32
    return %c0_i32, %arg0 : i32, i32
  }
  func.func @transform_4(%arg0: i32) -> (i32, i32) {
    %c0_i32 = arith.constant 0 : i32
    %c0_i32_0 = arith.constant 0 : i32
    %c0_i32_1 = arith.constant 0 : i32
    return %c0_i32, %c0_i32_0 : i32, i32
  }
  func.func @transform_5(%arg0: i32) -> (i32, i32) {
    %c0_i32 = arith.constant 0 : i32
    %c0_i32_0 = arith.constant 0 : i32
    %c0_i32_1 = arith.constant 0 : i32
    return %c0_i32, %c0_i32_0 : i32, i32
  }
  func.func @transform_6(%arg0: i32) -> (i32, i32) {
    %c0_i32 = arith.constant 0 : i32
    %c0_i32_0 = arith.constant 0 : i32
    %c0_i32_1 = arith.constant 0 : i32
    return %c0_i32, %c0_i32_0 : i32, i32
  }
  func.func @transform_7(%arg0: i32) -> i32 {
    %c0_i32 = arith.constant 0 : i32
    %c0_i32_0 = arith.constant 0 : i32
    return %c0_i32 : i32
  }
}

</mosaic_0001>

<sc_bundles>
// kernel: kernel.4.cloned.1.call-start
scs
__scs_entry_jumppad:
0x0: {  	(pc) =	sbr.rel $0x88, $3  }
0x1: {  	(tag) =	ssettag $0x0;
	lr =	simm.s32 $0x1  }
0x2: {  	[smem:$0x3F99] =	sst lr;
	_ =	strace $0xD0000000  }
0x3: {  	_ = 	snop  }
0x4: {  	_ = 	snop  }
0x5: {  	_ = 	snop  }
0x6: {  	_ = 	snop  }
0x7: {  	_ = 	snop  }
__scs_overlays_trampoline_lowered:
0x8: {  	[smem:$0x3FA8] =	sst s0  }
0x9: {  	[smem:$0x3FA9] =	sst s1  }
0xa: {  	[smem:$0x3FAA] =	sst s2  }
0xb: {  	[smem:$0x3FAB] =	sst s3  }
0xc: {  	[smem:$0x3FAC] =	sst s4  }
0xd: {  	[smem:$0x3FAD] =	sst s5  }
0xe: {  	[smem:$0x3FAE] =	sst s6  }
0xf: {  	[smem:$0x3FAF] =	sst s7  }
0x10: {  	[smem:$0x3FB0] =	sst s8  }
0x11: {  	[smem:$0x3FB1] =	sst s9;
	s0 =	simm.s32 @!p0 $0x0  }
0x12: {  	s1 =	sld [smem:$0x3F97];
	s0 =	simm.s32 @p0 $0x1  }
0x13: {  	[smem:$0x3FB2] =	sst s0;
	s0 =	simm.s32 @!p1 $0x0  }
0x14: {  	s2 =	sld [smem:$0x3F96];
	s0 =	simm.s32 @p1 $0x1  }
0x15: {  	[smem:$0x3FB3] =	sst s0;
	s0 =	simm.s32 @!p2 $0x0  }
0x16: {  	s3 =	sld [smem:$0x3FDB];
	s0 =	simm.s32 @p2 $0x1  }
0x17: {  	s4 =	simm.s32 $0x1BF5;
	[smem:$0x3FB5] =	sst s0  }
0x18: {  	s0 =	sld [smem:$0x3F98];
	_ =	swait.ge [sflag:s4], $0x0  }
0x19: {  	s7 =	sld [smem:$0x3F99]  }
0x1a: {  	s8 =	sadd.s32 $0xFFFFE003, lr  }
0x1b: {  	s9 =	sadd.s32 $0xFFFFFEF7, lr;
	s5 =	simm.s32 $0xFFFFFFFF;
	p2 =	slt.u32 s8, $0xFFFFF086  }
0x1c: {  	p1 =	slt.u32 s9, $0xF7A;
	s5 =	simm.s32 @!p2 $0x0  }
0x1d: {  	s5 =	simm.s32 @p1 $0x1;
	p0 =	seq.s32 s7, s2  }
0x1e: {  	s7 =	smul.u32 @!p0 $0xF7A, s2;
	p2 =	seq.s32 @!p0 s5, $0x0  }
0x1f: {  	s9 =	smul.u32 $0xF7A, s1;
	s8 =	simm.s32 @!p0 $0x1BF5;
	p2 =	por !p2, p0  }
0x20: {  	[sflag:s8] =	ssyncset.s32 @!p0 $0xFFFFF086;
	s6 =	sadd.s32 @!p0 s3, s7;
	s7 =	simm.s32 @!p0 $0x108  }
0x21: {  	s3 =	sadd.s32 s3, s9;
	s6 =	sadd.s32 @!p0 $0x88, s6;
	s7 =	simm.s32 @p2 $0x1082  }
0x22: {  	[simem:s7], [sflag:s8] =	dma.local @!p0 [hbm:s6], $0xF7A  }
0x23: {  	s9 =	sor.u32 $0xD0000000, s2;
	s6 =	simm.s32 $0x108;
	_ =	swait.ge @!p0 [sflag:s8], $0x0  }
0x24: {  	s3 =	sadd.s32 $0x88, s3;
	s6 =	simm.s32 @!p1 $0x1082;
	[sflag:s4] =	ssyncset.s32 $0xFFFFF086  }
0x25: {  	[simem:s6], [sflag:s4] =	dma.local [hbm:s3], $0xF7A  }
0x26: {  	[smem:$0x3F99] =	sst s1;
	(tag) =	ssettag s2;
	_ =	strace s9  }
0x27: {  	s1 =	sld [smem:$0x3FA9]  }
0x28: {  	s2 =	sld [smem:$0x3FAA]  }
0x29: {  	s4 =	sld [smem:$0x3FAC]  }
0x2a: {  	p0 =	seq.s32 s5, $0x0;
	s5 =	sld [smem:$0x3FAD]  }
0x2b: {  	s6 =	sld [smem:$0x3FAE]  }
0x2c: {  	s7 =	sld [smem:$0x3FAF]  }
0x2d: {  	s3 =	simm.s32 $0x108;
	s8 =	sld [smem:$0x3FB0]  }
0x2e: {  	s3 =	simm.s32 @!p0 $0x1082;
	s9 =	sld [smem:$0x3FB1]  }
0x2f: {  	lr =	sadd.s32 s0, s3;
	s0 =	sld [smem:$0x3FA8]  }
0x30: {  	s3 =	sld [smem:$0x3FAB]  }
0x31: {  	[smem:$0x3FB4] =	sst s10  }
0x32: {  	s10 =	sld [smem:$0x3FB2];
	_ =	sdelay $0x3  }
0x33: {  	p0 =	seq.s32 s10, $0x1;
	s10 =	sld [smem:$0x3FB4];
	_ =	sdelay $0x3  }
0x34: {  	[smem:$0x3FB4] =	sst s10  }
0x35: {  	s10 =	sld [smem:$0x3FB3];
	_ =	sdelay $0x3  }
0x36: {  	p1 =	seq.s32 s10, $0x1;
	s10 =	sld [smem:$0x3FB4];
	_ =	sdelay $0x3  }
0x37: {  	[smem:$0x3FB4] =	sst s10  }
0x38: {  	s10 =	sld [smem:$0x3FB5]  }
0x39: {  	_ = 	snop;
	(pc) =	sbr.ind lr, $3  }
0x3a: {  	_ = 	snop  }
0x3b: {  	_ = 	snop  }
0x3c: {  	p2 =	seq.s32 s10, $0x1;
	s10 =	sld [smem:$0x3FB4]  }
0x3d: {  	_ =	shalt  }
0x3e: {  	_ =	shalt  }
0x3f: {  	_ =	shalt  }
0x40: {  	_ =	shalt  }
0x41: {  	_ =	shalt  }
0x42: {  	_ =	shalt  }
0x43: {  	_ =	shalt  }
0x44: {  	_ =	shalt  }
0x45: {  	_ =	shalt  }
0x46: {  	_ =	shalt  }
0x47: {  	_ =	shalt  }
0x48: {  	_ =	shalt  }
0x49: {  	_ =	shalt  }
0x4a: {  	_ =	shalt  }
0x4b: {  	_ =	shalt  }
0x4c: {  	_ =	shalt  }
0x4d: {  	_ =	shalt  }
0x4e: {  	_ =	shalt  }
0x4f: {  	_ =	shalt  }
0x50: {  	_ =	shalt  }
0x51: {  	_ =	shalt  }
0x52: {  	_ =	shalt  }
0x53: {  	_ =	shalt  }
0x54: {  	_ =	shalt  }
0x55: {  	_ =	shalt  }
0x56: {  	_ =	shalt  }
0x57: {  	_ =	shalt  }
0x58: {  	_ =	shalt  }
0x59: {  	_ =	shalt  }
0x5a: {  	_ =	shalt  }
0x5b: {  	_ =	shalt  }
0x5c: {  	_ =	shalt  }
0x5d: {  	_ =	shalt  }
0x5e: {  	_ =	shalt  }
0x5f: {  	_ =	shalt  }
0x60: {  	_ =	shalt  }
0x61: {  	_ =	shalt  }
0x62: {  	_ =	shalt  }
0x63: {  	_ =	shalt  }
0x64: {  	_ =	shalt  }
0x65: {  	_ =	shalt  }
0x66: {  	_ =	shalt  }
0x67: {  	_ =	shalt  }
0x68: {  	_ =	shalt  }
0x69: {  	_ =	shalt  }
0x6a: {  	_ =	shalt  }
0x6b: {  	_ =	shalt  }
0x6c: {  	_ =	shalt  }
0x6d: {  	_ =	shalt  }
0x6e: {  	_ =	shalt  }
0x6f: {  	_ =	shalt  }
0x70: {  	_ =	shalt  }
0x71: {  	_ =	shalt  }
0x72: {  	_ =	shalt  }
0x73: {  	_ =	shalt  }
0x74: {  	_ =	shalt  }
0x75: {  	_ =	shalt  }
0x76: {  	_ =	shalt  }
0x77: {  	_ =	shalt  }
0x78: {  	_ =	shalt  }
0x79: {  	_ =	shalt  }
0x7a: {  	_ =	shalt  }
0x7b: {  	_ =	shalt  }
0x7c: {  	_ =	shalt  }
0x7d: {  	_ =	shalt  }
0x7e: {  	_ =	shalt  }
0x7f: {  	_ =	shalt  }
0x80: {  	_ =	shalt  }
0x81: {  	_ =	shalt  }
0x82: {  	_ =	shalt  }
0x83: {  	_ =	shalt  }
0x84: {  	_ =	shalt  }
0x85: {  	_ =	shalt  }
0x86: {  	_ =	shalt  }
0x87: {  	_ =	shalt  }
.Lfunc_end0:
.L_simem_size_0:
called_computation_lowered:
.L_overlay_start_0:
0x88: {  	s2 =	sld [smem:$0x3FD9]  }
0x89: {  	s3 =	sld [smem:$0x3FFE];
	_ =	sdelay $0x1  }
0x8a: {  	s1 =	srdreg.scid  }
0x8b: {  	s0 =	sand.u32 $0x1, s1  }
0x8c: {  	s14 =	sshll.u32 s0, $0xA;
	s2 =	sadd.s32 s3, s2  }
0x8d: {  	s2 =	sadd.s32 s2, s14  }
0x8e: {  	[smem:$0x3FC0] =	sst s2  }
0x8f: {  	_ = 	snop  }
0x90: {  	s2 =	sld [smem:$0x3FD0];
	_ =	sdelay $0x1  }
0x91: {  	s15 =	sld [smem:$0x3FC9]  }
0x92: {  	s5 =	simm.s32 $0xA;
	s6 =	simm.s32 $0x10;
	s4 =	sld [smem:$0x3FC8]  }
0x93: {  	[smem:s6], [sflag:s5] =	dma.local [hbm:s2], $0x1  }
0x94: {  	_ =	swait.eq [sflag:s5], $0x1  }
0x95: {  	[sflag:s5] =	ssyncset.done $0x0  }
0x96: {  	s16 =	sld [smem:$0x10];
	[sflag:s5] =	ssyncadd.s32 $0xFFFFFFFF  }
0x97: {  	s17 =	sld [smem:$0x11];
	(tm) =	ssettm $0x1  }
0x98: {  	s18 =	sld [smem:$0x3FFB];
	_ =	sdelay $0x3  }
0x99: {  	_ =	strace s18  }
0x9a: {  	s6 =	sld [smem:$0x3FFC];
	_ =	sdelay $0x3  }
0x9b: {  	_ =	strace s6  }
0x9c: {  	s6 =	sld [smem:$0x3FFD];
	_ =	sdelay $0x3  }
0x9d: {  	_ =	strace s6  }
0x9e: {  	_ =	strace $0x8FFFFFFF  }
0x9f: {  	s19 =	sld [smem:$0x3FDB];
	_ =	sdelay $0x1  }
0xa0: {  	s7 =	simm.s32 $_scs_section_size  }
0xa1: {  	s8 =	simm.s32 $_size__tile_overlayer_lowered;
	s9 =	simm.s32 $_tile_overlayer_lowered  }
0xa2: {  	s22 =	simm.s32 $0x1BFF;
	s21 =	sshll.u32 s9, $0x1;
	s6 =	sadd.s32 s7, s19  }
0xa3: {  	s10 =	simm.s32 $0x0;
	s20 =	sshll.u32 s8, $0x1;
	s8 =	sadd.s32 s21, s6  }
0xa4: {  	[timem:s10], [sflag:s22] =	dma.local [hbm:s8], s20  }
0xa5: {  	_ =	swait.ge [sflag:s22], s20  }
0xa6: {  	s7 =	ssub.s32 $0x0, s20;
	[sflag:s22] =	ssyncset.done $0x0  }
0xa7: {  	[sflag:s22] =	ssyncadd.s32 s7;
	_ =	sdelay $0x1  }
0xa8: {  	s23 =	simm.s32 $0x1B8B  }
0xa9: {  	_ =	swait.ge [sflag:s23], $0x1  }
0xaa: {  	[sflag:s23] =	ssyncset.done $0x0  }
0xab: {  	s25 =	simm.s32 $0x1B8E;
	s24 =	sld [smem:$0x3FFE];
	[sflag:s23] =	ssyncadd.s32 $0xFFFFFFFF  }
0xac: {  	s26 =	simm.s32 $execute0_lowered;
	[smem:$0x3FD2] =	sst s25  }
0xad: {  	s8 =	sshll.u32 s26, $0x1;
	_ =	strace $0x80000046;
	[dreg:$0x1] =	wrdreg $0xFFFFFFFF  }
0xae: {  	s28 =	simm.s32 $_size_execute0_lowered;
	s6 =	sadd.s32 s6, s8;
	[dreg:$0x0] =	wrdreg $0x0  }
0xaf: {  	s8 =	sshll.u32 s28, $0x1;
	[dreg:$0x2] =	wrdreg s6  }
0xb0: {  	[dreg:$0x3] =	wrdreg s8  }
0xb1: {  	[dreg:$0x4] =	wrdreg $0xC0  }
0xb2: {  	_ =	task [dreg:s10], $0x5FFFF  }
0xb3: {  	[dreg:$0x1] =	wrdreg $0xFFFFFFFF  }
0xb4: {  	[dreg:$0x0] =	wrdreg $0x60  }
0xb5: {  	[dreg:$0x2] =	wrdreg s24  }
0xb6: {  	[dreg:$0x3] =	wrdreg s15  }
0xb7: {  	[dreg:$0x4] =	wrdreg s4  }
0xb8: {  	[dreg:$0x5] =	wrdreg s16  }
0xb9: {  	[dreg:$0x6] =	wrdreg s17  }
0xba: {  	[dreg:$0x7] =	wrdreg $0x9  }
0xbb: {  	_ =	task.clear_ibuf [dreg:s10], $0x8FFFF;
	_ =	strace $0x90000046  }
0xbc: {  	s29 =	simm.s32 $0x9;
	_ =	strace $0x80000048  }
0xbd: {  	_ =	swait.ge [sflag:s29], $0x1  }
0xbe: {  	[sflag:s29] =	ssyncadd.s32 $0xFFFFFFFF  }
0xbf: {  	_ =	strace $0x90000048  }
0xc0: {  	_ =	sfence  }
0xc1: {  	s30 =	sld [smem:$0x0];
	_ =	sdelay $0x2  }
0xc2: {  	s31 =	sshll.u32 s1, $0xD;
	s1 =	sshrl.u32 s1, $0x2  }
0xc3: {  	s3 =	sand.u32 $0x4000, s31;
	s1 =	sadd.s32 s1, s30  }
0xc4: {  	s0 =	sor.u32 s3, s0;
	s1 =	sshll.u32 s1, $0x11  }
0xc5: {  	s0 =	sor.u32 s1, s0  }
0xc6: {  	s0 =	sadd.s32 $0x8F2B, s0  }
0xc7: {  	[sflag:s0] =	ssyncadd.remote.s32 $0x1  }
0xc8: {  	_ =	sfence.sel $0xFFFF  }
0xc9: {  	[dreg:$0x0] =	wrdreg $0xFFFFFFFF;
	(pc) =	sbr.abs _section_cstart, $3  }
0xca: {  	[dreg:$0x1] =	wrdreg $0xFFFFFFFF  }
0xcb: {  	_ =	task.clear_ibuf [dreg:s10], $0x2FFFF;
	_ =	strace $0x9FFFFFFF  }
0xcc: {  	(tm) =	ssettm $0x7FFFFFFF  }
0xcd: {  	_ =	shalt  }
tec
execute0_lowered:
.L_overlay_start_1:
0x0: {  	(tag) =	ssettag $0x1  }
0x1: {  	s0 =	rddreg [dreg:$0x0]  }
0x2: {  	s1 =	rddreg [dreg:$0x1]  }
0x3: {  	s2 =	rddreg [dreg:$0x2]  }
0x4: {  	s3 =	rddreg [dreg:$0x3]  }
0x5: {  	s4 =	rddreg [dreg:$0x4]  }
0x6: {  	s6 =	simm.s32 $0x0;
	s5 =	srdreg.scid;
	s28 =	stileid.u32  }
0x7: {  	[smem:$0x7FF] =	sst s6;
	s5 =	sand.u32 $0x1, s5;
	s6 =	sshll.u32 s28, $0xA  }
0x8: {  	s8 =	sadd.s32 $0x1800, s0;
	s0 =	sadd.s32 $0x1C00, s0;
	s7 =	sshll.u32 s5, $0x9  }
0x9: {  	_ =	strace $0x80000047;
	[dreg:$0xf] =	wrdreg s8;
	s6 =	sor.u32 s7, s6  }
0xa: {  	[dreg:$0x10] =	wrdreg s0;
	s7 =	sshrl.u32 s6, $0x3;
	s30 =	sadd.s32 s3, s6  }
0xb: {  	s5 =	ssub.s32 $0x2, s5;
	s1 =	sadd.s32 s1, s7;
	[dreg:$0x12] =	wrdreg s30  }
0xc: {  	s29 =	sshrl.u32 s5, $0x1;
	s2 =	sadd.s32 s2, s7;
	[dreg:$0x11] =	wrdreg s1  }
0xd: {  	s0 =	ssub.s32 s5, s29;
	s31 =	sadd.s32 s4, s7;
	[dreg:$0x13] =	wrdreg s2  }
0xe: {  	s0 =	smax.u32 s0, $0x1;
	[dreg:$0x14] =	wrdreg s31  }
0xf: {  	s13 =	simm.s32 $0x880;
	s1 =	sadd.s32 $0x10000, s30;
	[dreg:$0x16] =	wrdreg s0  }
0x10: {  	s8 =	simm.s32 $0x600;
	s2 =	simm.s32 $0x0;
	[dreg:$0x15] =	wrdreg s1  }
.LBB2_1:
0x11: {  	[dreg:$0x17] =	wrdreg s2  }
0x12: {  	s0 =	simm.s32 $0x0;
	s1 =	rddreg [dreg:$0x11]  }
0x13: {  	[tilespmem:s0], [sflag:$0x1] =	stream.linear.gather [hbm4b:s1+s0], $0x200, $0x38;
	[tilespmem:$0xA880] =	vst v63  }
0x14: {  	s23 =	rddreg [dreg:$0x13];
	s24 =	simm.s32 $0x200  }
0x15: {  	[tilespmem:s24], [sflag:$0x1] =	stream.linear.gather [hbm4b:s23+s0], $0x200, $0x38;
	[tilespmem:$0xA880] =	vst v63  }
0x16: {  	s25 =	rddreg [dreg:$0x10]  }
0x17: {  	[tilespmem:s8], [sflag:$0x1] =	stream.linear.gather [hbm4b:s25+s0], $0x80, $0x38;
	[tilespmem:$0xA880] =	vst v63  }
0x18: {  	s26 =	rddreg [dreg:$0xf];
	s28 =	simm.s32 $0x1  }
0x19: {  	[tilespmem:s13], [sflag:$0x1] =	stream.linear.gather [hbm4b:s26+s0], $0x2000, $0x38;
	[tilespmem:$0xA880] =	vst v63  }
0x1a: {  	_ =	swait.ge [sflag:s28], $0x200  }
0x1b: {  	[sflag:s28] =	ssyncset.done $0x0  }
0x1c: {  	[sflag:s28] =	ssyncadd.s32 $0xFFFFFE00  }
0x1d: {  	_ =	swait.ge [sflag:s28], $0x200  }
0x1e: {  	[sflag:s28] =	ssyncset.done $0x0  }
0x1f: {  	[sflag:s28] =	ssyncadd.s32 $0xFFFFFE00  }
0x20: {  	_ =	swait.ge [sflag:s28], $0x80  }
0x21: {  	[sflag:s28] =	ssyncset.done $0x0  }
0x22: {  	[sflag:s28] =	ssyncadd.s32 $0xFFFFFF80  }
0x23: {  	_ =	swait.ge [sflag:s28], $0x2000  }
0x24: {  	[sflag:s28] =	ssyncset.done $0x0  }
0x25: {  	s29 =	simm.s32 $0x40;
	[sflag:s28] =	ssyncadd.s32 $0xFFFFE000  }
0x26: {  	s30 =	simm.s32 $0x240;
	v0 =	vld [tilespmem:s29+$0x30]  }
0x27: {  	v1 =	vld [tilespmem:s30+$0x30]  }
0x28: {  	v2 =	vld [tilespmem:s29+$0xFFFFFFD0]  }
0x29: {  	v3 =	vld [tilespmem:s29+$0xFFFFFFE0]  }
0x2a: {  	v4 =	vld [tilespmem:s29+$0xFFFFFFF0]  }
0x2b: {  	v5 =	vld [tilespmem:s29+$0x0]  }
0x2c: {  	v6 =	vld [tilespmem:s29+$0xFFFFFFC0]  }
0x2d: {  	v7 =	vld [tilespmem:s30+$0xFFFFFFC0]  }
0x2e: {  	v8 =	vld [tilespmem:s30+$0xFFFFFFE0]  }
0x2f: {  	v9 =	vld [tilespmem:s30+$0xFFFFFFF0]  }
0x30: {  	v10 =	vld [tilespmem:s29+$0x10]  }
0x31: {  	s1 =	simm.s32 $0x2C0;
	v11 =	vld [tilespmem:s29+$0x20]  }
0x32: {  	s3 =	simm.s32 $0xC0;
	v12 =	vld [tilespmem:s1+$0x30]  }
0x33: {  	v13 =	vld [tilespmem:s3+$0xFFFFFFD0]  }
0x34: {  	v14 =	vld [tilespmem:s3+$0xFFFFFFE0];
	v0 =	vshll.u32 v0, $0x3  }
0x35: {  	v15 =	vld [tilespmem:s3+$0xFFFFFFF0];
	v0 =	vadd.s32 v1, v0  }
0x36: {  	v6 =	vshll.u32 v6, $0x3;
	v1 =	vld [tilespmem:s30+$0xFFFFFFD0]  }
0x37: {  	v16 =	vld [tilespmem:s3+$0x0];
	v6 =	vadd.s32 v7, v6  }
0x38: {  	s31 =	simm.s32 $0x440;
	v3 =	vshll.u32 v3, $0x3;
	v7 =	vld [tilespmem:s30+$0x10]  }
0x39: {  	v3 =	vadd.s32 v8, v3;
	v8 =	vld [tilespmem:s30+$0x20];
	[tilespmem:s31+$0x30] =	vst v0  }
0x3a: {  	v2 =	vshll.u32 v2, $0x3;
	v0 =	vld.idx.msk [tilespmem:v0+s8+$0x0], $0xffff  }
0x3b: {  	[tilespmem:s31+$0xFFFFFFC0] =	vst v6;
	v1 =	vadd.s32 v1, v2;
	v2 =	vshll.u32 v4, $0x3;
	v4 =	vld [tilespmem:s30+$0x0]  }
0x3c: {  	v6 =	vld.idx.msk [tilespmem:v6+s8+$0x0], $0xffff  }
0x3d: {  	[tilespmem:s31+$0xFFFFFFE0] =	vst v3;
	v2 =	vadd.s32 v9, v2;
	v9 =	vld [tilespmem:s3+$0x30]  }
0x3e: {  	v11 =	vshll.u32 v11, $0x3;
	v3 =	vld.idx.msk [tilespmem:v3+s8+$0x0], $0xffff  }
0x3f: {  	v8 =	vadd.s32 v8, v11;
	v11 =	vld [tilespmem:s1+$0xFFFFFFD0];
	[tilespmem:s31+$0xFFFFFFD0] =	vst v1  }
0x40: {  	s0 =	simm.s32 $0x6C0;
	[tilespmem:s31+$0x20] =	vst v8;
	v1 =	vld.idx.msk [tilespmem:v1+s8+$0x0], $0xffff  }
0x41: {  	[tilespmem:s0+$0x30] =	vst v0;
	v0 =	vshll.u32 v10, $0x3;
	v10 =	vld [tilespmem:s3+$0xFFFFFFC0]  }
0x42: {  	v5 =	vshll.u32 v5, $0x3;
	[tilespmem:s0+$0xFFFFFFC0] =	vst v6;
	v6 =	vld [tilespmem:s1+$0xFFFFFFC0];
	v9 =	vshll.u32 v9, $0x3  }
0x43: {  	[tilespmem:s31+$0xFFFFFFF0] =	vst v2;
	v4 =	vadd.s32 v4, v5;
	v5 =	vld [tilespmem:s3+$0x10];
	v9 =	vadd.s32 v12, v9  }
0x44: {  	[tilespmem:s0+$0xFFFFFFE0] =	vst v3;
	v2 =	vld.idx.msk [tilespmem:v2+s8+$0x0], $0xffff  }
0x45: {  	[tilespmem:s31+$0x0] =	vst v4;
	v0 =	vadd.s32 v7, v0;
	v7 =	vld [tilespmem:s3+$0x20]  }
0x46: {  	s3 =	simm.s32 $0x4C0;
	[tilespmem:s0+$0xFFFFFFD0] =	vst v1;
	v1 =	vld [tilespmem:s1+$0xFFFFFFE0];
	v3 =	vshll.u32 v10, $0x3  }
0x47: {  	[tilespmem:s3+$0x30] =	vst v9;
	v10 =	vld [tilespmem:s1+$0xFFFFFFF0];
	v3 =	vadd.s32 v6, v3  }
0x48: {  	[tilespmem:s31+$0x10] =	vst v0;
	v9 =	vld.idx.msk [tilespmem:v9+s8+$0x0], $0xffff  }
0x49: {  	[tilespmem:s0+$0xFFFFFFF0] =	vst v2;
	v2 =	vshll.u32 v13, $0x3;
	v6 =	vld [tilespmem:s1+$0x0]  }
0x4a: {  	v61 =	vshll.u32 v14, $0x3;
	[tilespmem:s3+$0xFFFFFFC0] =	vst v3;
	v2 =	vadd.s32 v11, v2;
	v11 =	vld [tilespmem:s1+$0x10]  }
0x4b: {  	v62 =	vld [tilespmem:s1+$0x20];
	[tilespmem:s3+$0xFFFFFFD0] =	vst v2;
	v12 =	vadd.s32 v1, v61  }
0x4c: {  	s4 =	simm.s32 $0x740;
	v63 =	vshll.u32 v15, $0x3;
	[tilespmem:s3+$0xFFFFFFE0] =	vst v12;
	v3 =	vld.idx.msk [tilespmem:v3+s8+$0x0], $0xffff  }
0x4d: {  	v1 =	vshll.u32 v16, $0x3;
	v10 =	vadd.s32 v10, v63;
	[tilespmem:s4+$0x30] =	vst v9;
	v9 =	vld.idx.msk [tilespmem:v4+s8+$0x0], $0xffff  }
0x4e: {  	[tilespmem:s3+$0xFFFFFFF0] =	vst v10;
	v1 =	vadd.s32 v6, v1;
	v4 =	vld.idx.msk [tilespmem:v0+s8+$0x0], $0xffff;
	v0 =	vshll.u32 v5, $0x3  }
0x4f: {  	v6 =	vshll.u32 v7, $0x3;
	v5 =	vld.idx.msk [tilespmem:v2+s8+$0x0], $0xffff;
	[tilespmem:s3+$0x0] =	vst v1;
	v2 =	vadd.s32 v11, v0  }
0x50: {  	v7 =	vld.idx.msk [tilespmem:v8+s8+$0x0], $0xffff;
	v0 =	vadd.s32 v62, v6;
	[tilespmem:s3+$0x10] =	vst v2  }
0x51: {  	s5 =	simm.s32 $0x400;
	[tilespmem:s3+$0x20] =	vst v0;
	v6 =	vld.idx.msk [tilespmem:v12+s8+$0x0], $0xffff  }
0x52: {  	p0 =	por $0x0, $0x0;
	s6 =	simm.s32 $0x8;
	s7 =	simm.s32 $0x140;
	v8 =	vld.idx.msk [tilespmem:v10+s8+$0x0], $0xffff;
	[tilespmem:s0+$0x0] =	vst v9  }
.LBB2_2:
0x53: {  	v9 =	vld [tilespmem:s7+$0x30];
	s6 =	sadd.s32 $0x8, s6;
	s1 =	sadd.s32 $0x80, s1;
	[tilespmem:s0+$0x10] =	vst v4  }
0x54: {  	v4 =	vld [tilespmem:s1+$0x30];
	p1 =	slt.u32 s6, $0x18;
	[tilespmem:s4+$0xFFFFFFC0] =	vst v3  }
0x55: {  	v3 =	vld [tilespmem:s7+$0xFFFFFFD0];
	[tilespmem:s4+$0xFFFFFFD0] =	vst v5  }
0x56: {  	v5 =	vld [tilespmem:s7+$0xFFFFFFE0];
	[tilespmem:s0+$0x20] =	vst v7;
	s0 =	smov.u32 s4  }
0x57: {  	v7 =	vld [tilespmem:s7+$0xFFFFFFF0];
	[tilespmem:s4+$0xFFFFFFE0] =	vst v6  }
0x58: {  	v6 =	vld [tilespmem:s7+$0x0];
	v9 =	vshll.u32 v9, $0x3;
	[tilespmem:s4+$0xFFFFFFF0] =	vst v8  }
0x59: {  	v8 =	vld [tilespmem:s7+$0x10];
	v4 =	vadd.s32 v4, v9  }
0x5a: {  	v3 =	vshll.u32 v3, $0x3;
	v9 =	vld [tilespmem:s7+$0x20]  }
0x5b: {  	v10 =	vld [tilespmem:s7+$0xFFFFFFC0];
	v5 =	vshll.u32 v5, $0x3  }
0x5c: {  	s3 =	sadd.s32 $0x80, s3;
	v11 =	vld [tilespmem:s1+$0xFFFFFFC0];
	v7 =	vshll.u32 v7, $0x3  }
0x5d: {  	v12 =	vld [tilespmem:s1+$0xFFFFFFD0];
	v6 =	vshll.u32 v6, $0x3;
	[tilespmem:s3+$0x30] =	vst v4  }
0x5e: {  	v8 =	vshll.u32 v8, $0x3;
	v4 =	vld.idx.msk [tilespmem:v4+s8+$0x0], $0xffff  }
0x5f: {  	v13 =	vld [tilespmem:s1+$0xFFFFFFE0];
	v9 =	vshll.u32 v9, $0x3  }
0x60: {  	v10 =	vshll.u32 v10, $0x3;
	v14 =	vld [tilespmem:s1+$0xFFFFFFF0]  }
0x61: {  	v10 =	vadd.s32 v11, v10;
	v11 =	vld [tilespmem:s1+$0x0]  }
0x62: {  	[tilespmem:s3+$0xFFFFFFC0] =	vst v10;
	v12 =	vadd.s32 v12, v3;
	v15 =	vld [tilespmem:s1+$0x10]  }
0x63: {  	s4 =	sadd.s32 $0x80, s4;
	[tilespmem:s3+$0xFFFFFFD0] =	vst v12;
	v16 =	vld [tilespmem:s1+$0x20]  }
0x64: {  	s2 =	simm.s32 $0x0;
	v13 =	vadd.s32 v13, v5;
	[tilespmem:s4+$0x30] =	vst v4;
	v17 =	vld.idx.msk [tilespmem:v1+s8+$0x0], $0xffff  }
0x65: {  	[tilespmem:s3+$0xFFFFFFE0] =	vst v13;
	v14 =	vadd.s32 v14, v7;
	v4 =	vld.idx.msk [tilespmem:v2+s8+$0x0], $0xffff  }
.Ltmp0:
0x66: {  	v3 =	vld.idx.msk [tilespmem:v10+s8+$0x0], $0xffff;
	[tilespmem:s3+$0xFFFFFFF0] =	vst v14;
	v1 =	vadd.s32 v11, v6;
	(pc) =	sbr.rel @p1 .LBB2_2-.Ltmp0, $4  }
0x67: {  	v5 =	vld.idx.msk [tilespmem:v12+s8+$0x0], $0xffff;
	[tilespmem:s3+$0x0] =	vst v1;
	v2 =	vadd.s32 v15, v8  }
0x68: {  	[tilespmem:s3+$0x10] =	vst v2;
	v7 =	vld.idx.msk [tilespmem:v0+s8+$0x0], $0xffff;
	v0 =	vadd.s32 v16, v9  }
0x69: {  	v6 =	vld.idx.msk [tilespmem:v13+s8+$0x0], $0xffff;
	[tilespmem:s3+$0x20] =	vst v0  }
0x6a: {  	s7 =	sadd.s32 $0x80, s7;
	v8 =	vld.idx.msk [tilespmem:v14+s8+$0x0], $0xffff;
	[tilespmem:s0+$0x0] =	vst v17  }
0x6b: {  	_ =	sdelay $0x2  }
0x6c: {  	[tilespmem:s0+$0x10] =	vst v4  }
0x6d: {  	[tilespmem:s4+$0xFFFFFFC0] =	vst v3;
	v1 =	vld.idx.msk [tilespmem:v1+s8+$0x0], $0xffff  }
0x6e: {  	v2 =	vld.idx.msk [tilespmem:v2+s8+$0x0], $0xffff;
	[tilespmem:s4+$0xFFFFFFD0] =	vst v5  }
0x6f: {  	v0 =	vld.idx.msk [tilespmem:v0+s8+$0x0], $0xffff;
	[tilespmem:s0+$0x20] =	vst v7  }
0x70: {  	[tilespmem:s4+$0xFFFFFFE0] =	vst v6  }
0x71: {  	[tilespmem:s4+$0xFFFFFFF0] =	vst v8  }
0x72: {  	s1 =	sand.u32 $0x180, s2;
	s0 =	sand.u32 $0x40, s2;
	[tilespmem:s4+$0x0] =	vst v1  }
0x73: {  	s3 =	sor.u32 $0x400, s1;
	s11 =	sor.u32 $0x30, s0;
	[tilespmem:s4+$0x10] =	vst v2  }
0x74: {  	s1 =	sor.u32 $0x10, s0;
	s26 =	sor.u32 s11, s3;
	[tilespmem:s4+$0x20] =	vst v0  }
0x75: {  	s31 =	sor.u32 $0x20, s0;
	s6 =	sor.u32 s1, s3;
	v9 =	vld [tilespmem:s26+$0x0]  }
0x76: {  	s3 =	sor.u32 s31, s3;
	v3 =	vld [tilespmem:s6+$0x0]  }
0x77: {  	v10 =	vld [tilespmem:s3+$0x0]  }
0x78: {  	v63 =	vld [tilespmem:s5+$0x0];
	_ =	sdelay $0x4  }
0x79: {  	v1 =	vld.idx.msk [tilespmem:v9+s13+$0x0], $0xffff  }
0x7a: {  	v4 =	vadd.s32 $0x80, v9;
	v2 =	vld.idx.msk [tilespmem:v3+s13+$0x0], $0xffff  }
0x7b: {  	s17 =	sand.u32 $0xC00, s2;
	v5 =	vadd.s32 $0x80, v3;
	v6 =	vld.idx.msk [tilespmem:v10+s13+$0x0], $0xffff  }
0x7c: {  	s5 =	sadd.s32 $0x2880, s17;
	v8 =	vadd.s32 $0x80, v10;
	v7 =	vld.idx.msk [tilespmem:v63+s13+$0x0], $0xffff  }
0x7d: {  	s6 =	sor.u32 s11, s5;
	v11 =	vadd.s32 $0x80, v63  }
0x7e: {  	s7 =	sor.u32 s1, s5;
	[tilespmem:s6+$0x0] =	vst v1  }
0x7f: {  	s8 =	sor.u32 s31, s5;
	[tilespmem:s7+$0x0] =	vst v2;
	v1 =	vld.idx.msk [tilespmem:v4+s13+$0x0], $0xffff  }
0x80: {  	s3 =	sor.u32 s0, s5;
	[tilespmem:s8+$0x0] =	vst v6;
	v2 =	vld.idx.msk [tilespmem:v5+s13+$0x0], $0xffff;
	v4 =	vadd.s32 $0x100, v9  }
0x81: {  	[tilespmem:s3+$0x0] =	vst v7;
	v5 =	vadd.s32 $0x100, v3;
	v6 =	vld.idx.msk [tilespmem:v8+s13+$0x0], $0xffff  }
0x82: {  	v7 =	vadd.s32 $0x100, v10;
	v8 =	vld.idx.msk [tilespmem:v11+s13+$0x0], $0xffff  }
0x83: {  	v11 =	vadd.s32 $0x100, v63  }
0x84: {  	[tilespmem:s6+$0x80] =	vst v1  }
0x85: {  	[tilespmem:s7+$0x80] =	vst v2;
	v1 =	vld.idx.msk [tilespmem:v4+s13+$0x0], $0xffff  }
0x86: {  	[tilespmem:s8+$0x80] =	vst v6;
	v2 =	vld.idx.msk [tilespmem:v5+s13+$0x0], $0xffff;
	v4 =	vadd.s32 $0x180, v9  }
0x87: {  	[tilespmem:s3+$0x80] =	vst v8;
	v5 =	vadd.s32 $0x180, v3;
	v6 =	vld.idx.msk [tilespmem:v7+s13+$0x0], $0xffff  }
0x88: {  	v7 =	vadd.s32 $0x180, v10;
	v8 =	vld.idx.msk [tilespmem:v11+s13+$0x0], $0xffff  }
0x89: {  	v11 =	vadd.s32 $0x180, v63  }
0x8a: {  	[tilespmem:s6+$0x100] =	vst v1  }
0x8b: {  	[tilespmem:s7+$0x100] =	vst v2;
	v1 =	vld.idx.msk [tilespmem:v4+s13+$0x0], $0xffff  }
0x8c: {  	[tilespmem:s8+$0x100] =	vst v6;
	v2 =	vld.idx.msk [tilespmem:v5+s13+$0x0], $0xffff;
	v4 =	vadd.s32 $0x200, v9  }
0x8d: {  	[tilespmem:s3+$0x100] =	vst v8;
	v5 =	vadd.s32 $0x200, v3;
	v6 =	vld.idx.msk [tilespmem:v7+s13+$0x0], $0xffff  }
0x8e: {  	v7 =	vadd.s32 $0x200, v10;
	v8 =	vld.idx.msk [tilespmem:v11+s13+$0x0], $0xffff  }
0x8f: {  	v11 =	vadd.s32 $0x200, v63  }
0x90: {  	s4 =	simm.s32 $0x1;
	[tilespmem:s6+$0x180] =	vst v1  }
0x91: {  	s4 =	simm.s32 @!p0 $0x0;
	[tilespmem:s7+$0x180] =	vst v2;
	v1 =	vld.idx.msk [tilespmem:v4+s13+$0x0], $0xffff  }
0x92: {  	s4 =	sshll.u32 s4, $0x6;
	[tilespmem:s8+$0x180] =	vst v6;
	v2 =	vld.idx.msk [tilespmem:v5+s13+$0x0], $0xffff;
	v4 =	vadd.s32 $0x280, v9  }
0x93: {  	s9 =	sadd.s32 $0x0, s4;
	[tilespmem:s3+$0x180] =	vst v8;
	v5 =	vadd.s32 $0x280, v3;
	v6 =	vld.idx.msk [tilespmem:v7+s13+$0x0], $0xffff  }
0x94: {  	s4 =	sadd.s32 $0x30, s9;
	v7 =	vadd.s32 $0x280, v10;
	v8 =	vld.idx.msk [tilespmem:v11+s13+$0x0], $0xffff  }
0x95: {  	s10 =	sadd.s32 $0x10, s9;
	s12 =	sor.u32 $0x200, s4;
	v11 =	vadd.s32 $0x280, v63  }
0x96: {  	s14 =	sor.u32 $0x200, s10;
	s7 =	sadd.s32 $0x20, s9;
	[tilespmem:s12+$0x2880] =	vst v1  }
0x97: {  	s15 =	sor.u32 $0x200, s7;
	[tilespmem:s14+$0x2880] =	vst v2;
	v1 =	vld.idx.msk [tilespmem:v4+s13+$0x0], $0xffff  }
0x98: {  	s16 =	sor.u32 $0x200, s9;
	[tilespmem:s15+$0x2880] =	vst v6;
	v2 =	vld.idx.msk [tilespmem:v5+s13+$0x0], $0xffff;
	v4 =	vadd.s32 $0x300, v9  }
0x99: {  	[tilespmem:s16+$0x2880] =	vst v8;
	v5 =	vadd.s32 $0x300, v3;
	v6 =	vld.idx.msk [tilespmem:v7+s13+$0x0], $0xffff  }
0x9a: {  	v7 =	vadd.s32 $0x300, v10;
	v8 =	vld.idx.msk [tilespmem:v11+s13+$0x0], $0xffff  }
0x9b: {  	s18 =	sor.u32 $0x280, s4;
	v11 =	vadd.s32 $0x300, v63  }
0x9c: {  	s19 =	sor.u32 $0x280, s10;
	[tilespmem:s18+$0x2880] =	vst v1  }
0x9d: {  	s20 =	sor.u32 $0x280, s7;
	[tilespmem:s19+$0x2880] =	vst v2;
	v1 =	vld.idx.msk [tilespmem:v4+s13+$0x0], $0xffff  }
0x9e: {  	s21 =	sor.u32 $0x280, s9;
	[tilespmem:s20+$0x2880] =	vst v6;
	v2 =	vld.idx.msk [tilespmem:v5+s13+$0x0], $0xffff;
	v4 =	vadd.s32 $0x380, v9  }
0x9f: {  	[tilespmem:s21+$0x2880] =	vst v8;
	v5 =	vadd.s32 $0x380, v3;
	v6 =	vld.idx.msk [tilespmem:v7+s13+$0x0], $0xffff  }
0xa0: {  	v7 =	vadd.s32 $0x380, v10;
	v8 =	vld.idx.msk [tilespmem:v11+s13+$0x0], $0xffff  }
0xa1: {  	s22 =	sor.u32 $0x300, s4;
	v11 =	vadd.s32 $0x380, v63  }
0xa2: {  	s23 =	sor.u32 $0x300, s10;
	[tilespmem:s22+$0x2880] =	vst v1  }
0xa3: {  	s24 =	sor.u32 $0x300, s7;
	[tilespmem:s23+$0x2880] =	vst v2;
	v1 =	vld.idx.msk [tilespmem:v4+s13+$0x0], $0xffff  }
0xa4: {  	s3 =	sor.u32 $0x300, s9;
	[tilespmem:s24+$0x2880] =	vst v6;
	v2 =	vld.idx.msk [tilespmem:v5+s13+$0x0], $0xffff;
	v4 =	vadd.s32 $0x400, v9  }
0xa5: {  	[tilespmem:s3+$0x2880] =	vst v8;
	v5 =	vadd.s32 $0x400, v3;
	v6 =	vld.idx.msk [tilespmem:v7+s13+$0x0], $0xffff  }
0xa6: {  	v7 =	vadd.s32 $0x400, v10;
	v8 =	vld.idx.msk [tilespmem:v11+s13+$0x0], $0xffff  }
0xa7: {  	s25 =	sor.u32 $0x380, s4;
	v11 =	vadd.s32 $0x400, v63  }
0xa8: {  	s26 =	sor.u32 $0x380, s10;
	[tilespmem:s25+$0x2880] =	vst v1  }
0xa9: {  	s5 =	sor.u32 s2, s2;
	s6 =	sor.u32 $0x380, s7;
	[tilespmem:s26+$0x2880] =	vst v2;
	v1 =	vld.idx.msk [tilespmem:v4+s13+$0x0], $0xffff  }
0xaa: {  	s2 =	sor.u32 $0x380, s5;
	[tilespmem:s6+$0x2880] =	vst v6;
	v2 =	vld.idx.msk [tilespmem:v5+s13+$0x0], $0xffff;
	v4 =	vadd.s32 $0x480, v9  }
0xab: {  	[tilespmem:s2+$0x2880] =	vst v8;
	v5 =	vadd.s32 $0x480, v3;
	v6 =	vld.idx.msk [tilespmem:v7+s13+$0x0], $0xffff  }
0xac: {  	s7 =	sadd.s32 $0x3880, s17;
	v7 =	vadd.s32 $0x480, v10;
	v8 =	vld.idx.msk [tilespmem:v11+s13+$0x0], $0xffff  }
0xad: {  	s8 =	sor.u32 s11, s7;
	v11 =	vadd.s32 $0x480, v63  }
0xae: {  	s9 =	sor.u32 s1, s7;
	[tilespmem:s8+$0x0] =	vst v1  }
0xaf: {  	s10 =	sor.u32 s31, s7;
	[tilespmem:s9+$0x0] =	vst v2;
	v1 =	vld.idx.msk [tilespmem:v4+s13+$0x0], $0xffff  }
0xb0: {  	s2 =	sor.u32 s0, s7;
	[tilespmem:s10+$0x0] =	vst v6;
	v2 =	vld.idx.msk [tilespmem:v5+s13+$0x0], $0xffff;
	v4 =	vadd.s32 $0x500, v9  }
0xb1: {  	[tilespmem:s2+$0x0] =	vst v8;
	v5 =	vadd.s32 $0x500, v3;
	v6 =	vld.idx.msk [tilespmem:v7+s13+$0x0], $0xffff  }
0xb2: {  	s12 =	sadd.s32 $0x3900, s17;
	v7 =	vadd.s32 $0x500, v10;
	v8 =	vld.idx.msk [tilespmem:v11+s13+$0x0], $0xffff  }
0xb3: {  	s14 =	sor.u32 s11, s12;
	v11 =	vadd.s32 $0x500, v63  }
0xb4: {  	s15 =	sor.u32 s1, s12;
	[tilespmem:s14+$0x0] =	vst v1  }
0xb5: {  	s16 =	sor.u32 s31, s12;
	[tilespmem:s15+$0x0] =	vst v2;
	v1 =	vld.idx.msk [tilespmem:v4+s13+$0x0], $0xffff  }
0xb6: {  	s2 =	sor.u32 s0, s12;
	[tilespmem:s16+$0x0] =	vst v6;
	v2 =	vld.idx.msk [tilespmem:v5+s13+$0x0], $0xffff;
	v4 =	vadd.s32 $0x580, v9  }
0xb7: {  	[tilespmem:s2+$0x0] =	vst v8;
	v5 =	vadd.s32 $0x580, v3;
	v6 =	vld.idx.msk [tilespmem:v7+s13+$0x0], $0xffff  }
0xb8: {  	s18 =	sadd.s32 $0x3980, s17;
	v7 =	vadd.s32 $0x580, v10;
	v8 =	vld.idx.msk [tilespmem:v11+s13+$0x0], $0xffff  }
0xb9: {  	s19 =	sor.u32 s11, s18;
	v11 =	vadd.s32 $0x580, v63  }
0xba: {  	s20 =	sor.u32 s1, s18;
	[tilespmem:s19+$0x0] =	vst v1  }
0xbb: {  	s21 =	sor.u32 s31, s18;
	[tilespmem:s20+$0x0] =	vst v2;
	v1 =	vld.idx.msk [tilespmem:v4+s13+$0x0], $0xffff  }
0xbc: {  	s2 =	sor.u32 s0, s18;
	[tilespmem:s21+$0x0] =	vst v6;
	v2 =	vld.idx.msk [tilespmem:v5+s13+$0x0], $0xffff;
	v4 =	vadd.s32 $0x600, v9  }
0xbd: {  	[tilespmem:s2+$0x0] =	vst v8;
	v5 =	vadd.s32 $0x600, v3;
	v6 =	vld.idx.msk [tilespmem:v7+s13+$0x0], $0xffff  }
0xbe: {  	s22 =	sadd.s32 $0x3A00, s17;
	v7 =	vadd.s32 $0x600, v10;
	v8 =	vld.idx.msk [tilespmem:v11+s13+$0x0], $0xffff  }
0xbf: {  	s23 =	sor.u32 s11, s22;
	v11 =	vadd.s32 $0x600, v63  }
0xc0: {  	s24 =	sor.u32 s1, s22;
	[tilespmem:s23+$0x0] =	vst v1  }
0xc1: {  	s25 =	sor.u32 s31, s22;
	[tilespmem:s24+$0x0] =	vst v2;
	v1 =	vld.idx.msk [tilespmem:v4+s13+$0x0], $0xffff  }
0xc2: {  	s2 =	sor.u32 s0, s22;
	[tilespmem:s25+$0x0] =	vst v6;
	v2 =	vld.idx.msk [tilespmem:v5+s13+$0x0], $0xffff;
	v4 =	vadd.s32 $0x680, v9  }
0xc3: {  	[tilespmem:s2+$0x0] =	vst v8;
	v5 =	vadd.s32 $0x680, v3;
	v6 =	vld.idx.msk [tilespmem:v7+s13+$0x0], $0xffff  }
0xc4: {  	s26 =	sadd.s32 $0x3A80, s17;
	v7 =	vadd.s32 $0x680, v10;
	v8 =	vld.idx.msk [tilespmem:v11+s13+$0x0], $0xffff  }
0xc5: {  	s5 =	sor.u32 s11, s26;
	v11 =	vadd.s32 $0x680, v63  }
0xc6: {  	s6 =	sor.u32 s1, s26;
	[tilespmem:s5+$0x0] =	vst v1  }
0xc7: {  	s7 =	sor.u32 s31, s26;
	[tilespmem:s6+$0x0] =	vst v2;
	v1 =	vld.idx.msk [tilespmem:v4+s13+$0x0], $0xffff  }
0xc8: {  	s2 =	sor.u32 s0, s26;
	[tilespmem:s7+$0x0] =	vst v6;
	v2 =	vld.idx.msk [tilespmem:v5+s13+$0x0], $0xffff;
	v4 =	vadd.s32 $0x700, v9  }
0xc9: {  	[tilespmem:s2+$0x0] =	vst v8;
	v5 =	vadd.s32 $0x700, v3;
	v6 =	vld.idx.msk [tilespmem:v7+s13+$0x0], $0xffff  }
0xca: {  	s8 =	sadd.s32 $0x3B00, s17;
	v7 =	vadd.s32 $0x700, v10;
	v8 =	vld.idx.msk [tilespmem:v11+s13+$0x0], $0xffff  }
0xcb: {  	s9 =	sor.u32 s11, s8;
	v11 =	vadd.s32 $0x700, v63  }
0xcc: {  	s10 =	sor.u32 s1, s8;
	[tilespmem:s9+$0x0] =	vst v1  }
0xcd: {  	s12 =	sor.u32 s31, s8;
	[tilespmem:s10+$0x0] =	vst v2;
	v1 =	vld.idx.msk [tilespmem:v4+s13+$0x0], $0xffff  }
0xce: {  	s2 =	sor.u32 s0, s8;
	[tilespmem:s12+$0x0] =	vst v6;
	v2 =	vld.idx.msk [tilespmem:v5+s13+$0x0], $0xffff;
	v4 =	vadd.s32 $0x780, v9  }
0xcf: {  	[tilespmem:s2+$0x0] =	vst v8;
	v5 =	vadd.s32 $0x780, v3;
	v6 =	vld.idx.msk [tilespmem:v7+s13+$0x0], $0xffff  }
0xd0: {  	s14 =	sadd.s32 $0x3B80, s17;
	v7 =	vadd.s32 $0x780, v10;
	v8 =	vld.idx.msk [tilespmem:v11+s13+$0x0], $0xffff  }
0xd1: {  	s15 =	sor.u32 s11, s14;
	v11 =	vadd.s32 $0x780, v63  }
0xd2: {  	s16 =	sor.u32 s1, s14;
	[tilespmem:s15+$0x0] =	vst v1  }
0xd3: {  	s18 =	sor.u32 s31, s14;
	[tilespmem:s16+$0x0] =	vst v2;
	v1 =	vld.idx.msk [tilespmem:v4+s13+$0x0], $0xffff  }
0xd4: {  	s2 =	sor.u32 s0, s14;
	[tilespmem:s18+$0x0] =	vst v6;
	v2 =	vld.idx.msk [tilespmem:v5+s13+$0x0], $0xffff;
	v4 =	vadd.s32 $0x800, v9  }
0xd5: {  	[tilespmem:s2+$0x0] =	vst v8;
	v5 =	vadd.s32 $0x800, v3;
	v6 =	vld.idx.msk [tilespmem:v7+s13+$0x0], $0xffff  }
0xd6: {  	s19 =	sadd.s32 $0x3C00, s17;
	v7 =	vadd.s32 $0x800, v10;
	v8 =	vld.idx.msk [tilespmem:v11+s13+$0x0], $0xffff  }
0xd7: {  	s20 =	sor.u32 s11, s19;
	s24 =	simm.s32 $0x440;
	v11 =	vadd.s32 $0x800, v63  }
0xd8: {  	s21 =	sor.u32 s1, s19;
	[tilespmem:s20+$0x0] =	vst v1;
	v1 =	vld [tilespmem:s24+$0x0]  }
0xd9: {  	s22 =	sor.u32 s31, s19;
	s12 =	simm.s32 $0x40;
	[tilespmem:s21+$0x0] =	vst v2;
	v4 =	vld.idx.msk [tilespmem:v4+s13+$0x0], $0xffff  }
0xda: {  	s6 =	sand.u32 $0x180, s12;
	s2 =	sor.u32 s0, s19;
	[tilespmem:s22+$0x0] =	vst v6;
	s22 =	sand.u32 $0x40, s12;
	v2 =	vld.idx.msk [tilespmem:v5+s13+$0x0], $0xffff  }
0xdb: {  	s3 =	sor.u32 $0x400, s6;
	[tilespmem:s2+$0x0] =	vst v8;
	v5 =	vadd.s32 $0x880, v9;
	v7 =	vld.idx.msk [tilespmem:v7+s13+$0x0], $0xffff;
	s24 =	sor.u32 $0x10, s22  }
0xdc: {  	s23 =	sadd.s32 $0x4880, s17;
	v6 =	vadd.s32 $0x880, v3;
	v11 =	vld.idx.msk [tilespmem:v11+s13+$0x0], $0xffff;
	s9 =	sor.u32 s24, s3  }
0xdd: {  	s25 =	sor.u32 s11, s23;
	v8 =	vadd.s32 $0x880, v10;
	s30 =	sor.u32 $0x30, s22;
	v29 =	vld [tilespmem:s9+$0x0]  }
0xde: {  	v12 =	vadd.s32 $0x880, v63;
	s26 =	sor.u32 s1, s23;
	s7 =	sor.u32 s30, s3;
	[tilespmem:s25+$0x0] =	vst v4  }
0xdf: {  	[tilespmem:s26+$0x0] =	vst v2;
	v2 =	vld [tilespmem:s7+$0x0]  }
0xe0: {  	s5 =	sor.u32 s31, s23;
	v4 =	vld.idx.msk [tilespmem:v5+s13+$0x0], $0xffff  }
0xe1: {  	s2 =	sor.u32 s0, s23;
	[tilespmem:s5+$0x0] =	vst v7;
	v5 =	vld.idx.msk [tilespmem:v6+s13+$0x0], $0xffff;
	v6 =	vadd.s32 $0x900, v9  }
0xe2: {  	[tilespmem:s2+$0x0] =	vst v11;
	s25 =	sor.u32 $0x20, s22;
	v7 =	vld.idx.msk [tilespmem:v8+s13+$0x0], $0xffff;
	v8 =	vadd.s32 $0x900, v3  }
0xe3: {  	s8 =	sadd.s32 $0x4900, s17;
	v11 =	vld.idx.msk [tilespmem:v12+s13+$0x0], $0xffff;
	v12 =	vadd.s32 $0x900, v10;
	s14 =	sor.u32 s25, s3  }
0xe4: {  	v13 =	vadd.s32 $0x900, v63;
	s10 =	sor.u32 s11, s8;
	v49 =	vld [tilespmem:s14+$0x0]  }
0xe5: {  	s15 =	sor.u32 s1, s8;
	v15 =	vld.idx.msk [tilespmem:v29+s13+$0x0], $0xffff;
	[tilespmem:s10+$0x0] =	vst v4  }
0xe6: {  	s16 =	sor.u32 s31, s8;
	[tilespmem:s15+$0x0] =	vst v5;
	v4 =	vld.idx.msk [tilespmem:v6+s13+$0x0], $0xffff  }
0xe7: {  	s18 =	sor.u32 s0, s8;
	[tilespmem:s16+$0x0] =	vst v7;
	v5 =	vld.idx.msk [tilespmem:v8+s13+$0x0], $0xffff  }
0xe8: {  	[tilespmem:s18+$0x0] =	vst v11;
	v6 =	vadd.s32 $0x980, v9;
	v7 =	vld.idx.msk [tilespmem:v12+s13+$0x0], $0xffff  }
0xe9: {  	s19 =	sadd.s32 $0x4980, s17;
	v11 =	vadd.s32 $0x980, v3;
	v8 =	vld.idx.msk [tilespmem:v13+s13+$0x0], $0xffff  }
0xea: {  	s20 =	sor.u32 s11, s19;
	v12 =	vld.idx.msk [tilespmem:v1+s13+$0x0], $0xffff;
	v13 =	vadd.s32 $0x980, v10  }
0xeb: {  	s21 =	sor.u32 s1, s19;
	v14 =	vld.idx.msk [tilespmem:v2+s13+$0x0], $0xffff;
	[tilespmem:s20+$0x0] =	vst v4  }
0xec: {  	s14 =	simm.s32 $0x200;
	v16 =	vadd.s32 $0x80, v2;
	[tilespmem:s21+$0x0] =	vst v5;
	v5 =	vld.idx.msk [tilespmem:v49+s13+$0x0], $0xffff  }
0xed: {  	s23 =	sor.u32 s31, s19;
	s29 =	sand.u32 $0xC00, s14;
	v4 =	vadd.s32 $0x980, v63;
	v6 =	vld.idx.msk [tilespmem:v6+s13+$0x0], $0xffff  }
0xee: {  	s2 =	sor.u32 s0, s19;
	s26 =	sadd.s32 $0x2880, s29;
	[tilespmem:s23+$0x0] =	vst v7;
	v7 =	vld.idx.msk [tilespmem:v11+s13+$0x0], $0xffff;
	v11 =	vadd.s32 $0x80, v49  }
0xef: {  	s4 =	sor.u32 s30, s26;
	[tilespmem:s2+$0x0] =	vst v8;
	v8 =	vld.idx.msk [tilespmem:v13+s13+$0x0], $0xffff;
	v13 =	vadd.s32 $0x80, v1  }
0xf0: {  	v17 =	vadd.s32 $0xA00, v9;
	s16 =	sor.u32 s24, s26;
	[tilespmem:s4+$0x0] =	vst v14  }
0xf1: {  	v18 =	vadd.s32 $0x80, v29;
	s18 =	sor.u32 s25, s26;
	[tilespmem:s16+$0x0] =	vst v15;
	v16 =	vld.idx.msk [tilespmem:v16+s13+$0x0], $0xffff  }
0xf2: {  	s3 =	sor.u32 s22, s26;
	s10 =	sadd.s32 $0x4A00, s17;
	v14 =	vadd.s32 $0xA00, v3;
	v4 =	vld.idx.msk [tilespmem:v4+s13+$0x0], $0xffff;
	[tilespmem:s18+$0x0] =	vst v5  }
0xf3: {  	s15 =	sor.u32 s11, s10;
	[tilespmem:s3+$0x0] =	vst v12;
	v5 =	vadd.s32 $0x100, v2;
	v11 =	vld.idx.msk [tilespmem:v11+s13+$0x0], $0xffff  }
0xf4: {  	s19 =	sor.u32 s1, s10;
	[tilespmem:s15+$0x0] =	vst v6;
	v6 =	vadd.s32 $0xA00, v10;
	v13 =	vld.idx.msk [tilespmem:v13+s13+$0x0], $0xffff  }
0xf5: {  	s20 =	sor.u32 s31, s10;
	[tilespmem:s19+$0x0] =	vst v7;
	v7 =	vadd.s32 $0x100, v49;
	v15 =	vld.idx.msk [tilespmem:v17+s13+$0x0], $0xffff  }
0xf6: {  	[tilespmem:s20+$0x0] =	vst v8;
	v8 =	vadd.s32 $0x100, v1;
	v17 =	vld.idx.msk [tilespmem:v18+s13+$0x0], $0xffff  }
0xf7: {  	s2 =	sor.u32 s0, s10;
	v14 =	vld.idx.msk [tilespmem:v14+s13+$0x0], $0xffff;
	[tilespmem:s4+$0x80] =	vst v16;
	v16 =	vadd.s32 $0xA00, v63  }
0xf8: {  	v12 =	vadd.s32 $0xA80, v9;
	v5 =	vld.idx.msk [tilespmem:v5+s13+$0x0], $0xffff;
	[tilespmem:s2+$0x0] =	vst v4  }
0xf9: {  	s21 =	sadd.s32 $0x4A80, s17;
	v18 =	vadd.s32 $0x100, v29;
	v6 =	vld.idx.msk [tilespmem:v6+s13+$0x0], $0xffff;
	[tilespmem:s18+$0x80] =	vst v11  }
0xfa: {  	s23 =	sor.u32 s11, s21;
	v11 =	vadd.s32 $0x180, v2;
	[tilespmem:s3+$0x80] =	vst v13;
	v7 =	vld.idx.msk [tilespmem:v7+s13+$0x0], $0xffff  }
0xfb: {  	[tilespmem:s23+$0x0] =	vst v15;
	v15 =	vadd.s32 $0xA80, v3;
	v8 =	vld.idx.msk [tilespmem:v8+s13+$0x0], $0xffff  }
0xfc: {  	s26 =	sor.u32 s1, s21;
	v4 =	vadd.s32 $0x180, v49;
	[tilespmem:s16+$0x80] =	vst v17;
	v16 =	vld.idx.msk [tilespmem:v16+s13+$0x0], $0xffff  }
0xfd: {  	[tilespmem:s26+$0x0] =	vst v14;
	v14 =	vadd.s32 $0x180, v1;
	v12 =	vld.idx.msk [tilespmem:v12+s13+$0x0], $0xffff  }
0xfe: {  	s10 =	sor.u32 s31, s21;
	v13 =	vadd.s32 $0xB00, v9;
	v17 =	vld.idx.msk [tilespmem:v18+s13+$0x0], $0xffff;
	[tilespmem:s4+$0x100] =	vst v5  }
0xff: {  	v18 =	vadd.s32 $0x180, v29;
	v11 =	vld.idx.msk [tilespmem:v11+s13+$0x0], $0xffff;
	[tilespmem:s10+$0x0] =	vst v6  }
0x100: {  	s9 =	sadd.s32 $0x4B00, s17;
	v5 =	vld.idx.msk [tilespmem:v15+s13+$0x0], $0xffff;
	[tilespmem:s18+$0x100] =	vst v7  }
0x101: {  	s8 =	sor.u32 s11, s9;
	v15 =	vadd.s32 $0xA80, v10;
	[tilespmem:s3+$0x100] =	vst v8;
	v4 =	vld.idx.msk [tilespmem:v4+s13+$0x0], $0xffff  }
0x102: {  	v7 =	vadd.s32 $0x200, v2;
	[tilespmem:s8+$0x0] =	vst v12;
	v14 =	vld.idx.msk [tilespmem:v14+s13+$0x0], $0xffff  }
0x103: {  	s7 =	sor.u32 s0, s21;
	[tilespmem:s16+$0x100] =	vst v17;
	v12 =	vadd.s32 $0xA80, v63;
	v13 =	vld.idx.msk [tilespmem:v13+s13+$0x0], $0xffff  }
0x104: {  	v6 =	vadd.s32 $0x200, v49;
	[tilespmem:s7+$0x0] =	vst v16;
	v17 =	vld.idx.msk [tilespmem:v18+s13+$0x0], $0xffff  }
0x105: {  	v16 =	vadd.s32 $0x200, v1;
	[tilespmem:s4+$0x180] =	vst v11  }
0x106: {  	s2 =	sadd.s32 $0x4B80, s17;
	v8 =	vadd.s32 $0xB80, v9;
	v15 =	vld.idx.msk [tilespmem:v15+s13+$0x0], $0xffff;
	[tilespmem:s18+$0x180] =	vst v4  }
0x107: {  	p0 =	por !p0, !p0;
	s6 =	simm.s32 $0x1;
	s15 =	sor.u32 s11, s2;
	v18 =	vadd.s32 $0x200, v29;
	v7 =	vld.idx.msk [tilespmem:v7+s13+$0x0], $0xffff;
	[tilespmem:s3+$0x180] =	vst v14  }
0x108: {  	s6 =	simm.s32 @!p0 $0x0;
	v11 =	vld.idx.msk [tilespmem:v12+s13+$0x0], $0xffff;
	v12 =	vadd.s32 $0xB00, v3;
	[tilespmem:s15+$0x0] =	vst v13  }
0x109: {  	v13 =	vadd.s32 $0xB00, v10;
	[tilespmem:s16+$0x180] =	vst v17;
	s16 =	sshll.u32 s6, $0x6;
	v6 =	vld.idx.msk [tilespmem:v6+s13+$0x0], $0xffff  }
0x10a: {  	v4 =	vadd.s32 $0x280, v2;
	s18 =	sor.u32 s1, s9;
	v16 =	vld.idx.msk [tilespmem:v16+s13+$0x0], $0xffff;
	s8 =	sadd.s32 $0x200, s16  }
0x10b: {  	s19 =	sor.u32 s31, s9;
	[tilespmem:s18+$0x0] =	vst v5;
	v5 =	vadd.s32 $0x280, v49;
	v8 =	vld.idx.msk [tilespmem:v8+s13+$0x0], $0xffff;
	s3 =	sadd.s32 $0x30, s8  }
0x10c: {  	v14 =	vadd.s32 $0xC00, v9;
	v17 =	vld.idx.msk [tilespmem:v18+s13+$0x0], $0xffff;
	s20 =	sor.u32 $0x200, s3;
	[tilespmem:s19+$0x0] =	vst v15  }
0x10d: {  	s15 =	sor.u32 s0, s9;
	v18 =	vadd.s32 $0x280, v29;
	s6 =	sadd.s32 $0x20, s8;
	v12 =	vld.idx.msk [tilespmem:v12+s13+$0x0], $0xffff;
	[tilespmem:s20+$0x2880] =	vst v7  }
0x10e: {  	s4 =	sadd.s32 $0x4C00, s17;
	v15 =	vadd.s32 $0x280, v1;
	s23 =	sor.u32 $0x200, s6;
	[tilespmem:s15+$0x0] =	vst v11;
	v7 =	vld.idx.msk [tilespmem:v13+s13+$0x0], $0xffff  }
0x10f: {  	s21 =	sor.u32 s11, s4;
	s7 =	sadd.s32 $0x10, s8;
	v4 =	vld.idx.msk [tilespmem:v4+s13+$0x0], $0xffff;
	v13 =	vadd.s32 $0xB00, v63;
	[tilespmem:s23+$0x2880] =	vst v6  }
0x110: {  	s10 =	sor.u32 $0x200, s7;
	[tilespmem:s21+$0x0] =	vst v8;
	v8 =	vadd.s32 $0xB80, v3;
	v5 =	vld.idx.msk [tilespmem:v5+s13+$0x0], $0xffff  }
0x111: {  	s26 =	sor.u32 $0x200, s8;
	v6 =	vadd.s32 $0x300, v2;
	[tilespmem:s10+$0x2880] =	vst v17;
	v14 =	vld.idx.msk [tilespmem:v14+s13+$0x0], $0xffff  }
0x112: {  	s16 =	sor.u32 s1, s2;
	v11 =	vadd.s32 $0x300, v49;
	[tilespmem:s26+$0x2880] =	vst v16;
	v17 =	vld.idx.msk [tilespmem:v18+s13+$0x0], $0xffff  }
0x113: {  	s18 =	sor.u32 $0x280, s3;
	v16 =	vadd.s32 $0xC80, v9;
	v15 =	vld.idx.msk [tilespmem:v15+s13+$0x0], $0xffff;
	[tilespmem:s16+$0x0] =	vst v12  }
0x114: {  	s26 =	sor.u32 s31, s2;
	v18 =	vadd.s32 $0x300, v29;
	v13 =	vld.idx.msk [tilespmem:v13+s13+$0x0], $0xffff;
	[tilespmem:s18+$0x2880] =	vst v4  }
0x115: {  	s5 =	sadd.s32 $0x5880, s17;
	s21 =	sor.u32 $0x280, s6;
	v12 =	vadd.s32 $0x300, v1;
	[tilespmem:s26+$0x0] =	vst v7;
	v4 =	vld.idx.msk [tilespmem:v8+s13+$0x0], $0xffff  }
0x116: {  	s19 =	sor.u32 s11, s5;
	v8 =	vadd.s32 $0xB80, v10;
	v6 =	vld.idx.msk [tilespmem:v6+s13+$0x0], $0xffff;
	[tilespmem:s21+$0x2880] =	vst v5  }
0x117: {  	s20 =	sor.u32 $0x280, s7;
	[tilespmem:s19+$0x0] =	vst v14;
	v14 =	vadd.s32 $0xB80, v63;
	v11 =	vld.idx.msk [tilespmem:v11+s13+$0x0], $0xffff  }
0x118: {  	s23 =	sor.u32 $0x280, s8;
	v5 =	vadd.s32 $0x380, v2;
	[tilespmem:s20+$0x2880] =	vst v17;
	v16 =	vld.idx.msk [tilespmem:v16+s13+$0x0], $0xffff  }
0x119: {  	s2 =	sor.u32 s0, s2;
	v17 =	vld.idx.msk [tilespmem:v18+s13+$0x0], $0xffff;
	[tilespmem:s23+$0x2880] =	vst v15;
	v15 =	vadd.s32 $0xD00, v9  }
0x11a: {  	s15 =	sor.u32 $0x300, s3;
	v7 =	vadd.s32 $0x380, v49;
	v12 =	vld.idx.msk [tilespmem:v12+s13+$0x0], $0xffff;
	[tilespmem:s2+$0x0] =	vst v13  }
0x11b: {  	s20 =	sor.u32 s1, s4;
	v18 =	vadd.s32 $0x380, v29;
	s2 =	sadd.s32 $0x5900, s17;
	v8 =	vld.idx.msk [tilespmem:v8+s13+$0x0], $0xffff;
	[tilespmem:s15+$0x2880] =	vst v6  }
0x11c: {  	v13 =	vadd.s32 $0x380, v1;
	s16 =	sor.u32 s11, s2;
	[tilespmem:s20+$0x0] =	vst v4;
	v6 =	vld.idx.msk [tilespmem:v14+s13+$0x0], $0xffff  }
0x11d: {  	s19 =	sor.u32 $0x300, s6;
	v14 =	vadd.s32 $0xC00, v3;
	v5 =	vld.idx.msk [tilespmem:v5+s13+$0x0], $0xffff;
	[tilespmem:s16+$0x0] =	vst v16  }
0x11e: {  	s18 =	sor.u32 $0x300, s7;
	[tilespmem:s19+$0x2880] =	vst v11;
	v16 =	vadd.s32 $0xC00, v10;
	v15 =	vld.idx.msk [tilespmem:v15+s13+$0x0], $0xffff  }
0x11f: {  	s8 =	sor.u32 $0x300, s8;
	v11 =	vadd.s32 $0x400, v2;
	[tilespmem:s18+$0x2880] =	vst v17;
	v7 =	vld.idx.msk [tilespmem:v7+s13+$0x0], $0xffff  }
0x120: {  	s21 =	sor.u32 s31, s4;
	v17 =	vld.idx.msk [tilespmem:v18+s13+$0x0], $0xffff;
	[tilespmem:s8+$0x2880] =	vst v12  }
0x121: {  	s23 =	sor.u32 $0x380, s3;
	s3 =	sadd.s32 $0x5980, s17;
	v13 =	vld.idx.msk [tilespmem:v13+s13+$0x0], $0xffff;
	[tilespmem:s21+$0x0] =	vst v8  }
0x122: {  	s26 =	sor.u32 s11, s3;
	v12 =	vadd.s32 $0xD80, v9;
	v14 =	vld.idx.msk [tilespmem:v14+s13+$0x0], $0xffff;
	[tilespmem:s23+$0x2880] =	vst v5  }
0x123: {  	s9 =	simm.s32 $0x40;
	v18 =	vadd.s32 $0x400, v29;
	v5 =	vld.idx.msk [tilespmem:v16+s13+$0x0], $0xffff;
	[tilespmem:s26+$0x0] =	vst v15  }
0x124: {  	s10 =	simm.s32 $0x200;
	v4 =	vadd.s32 $0x400, v49;
	v11 =	vld.idx.msk [tilespmem:v11+s13+$0x0], $0xffff;
	[dreg:$0x7] =	wrdreg s9  }
0x125: {  	s7 =	sor.u32 $0x380, s7;
	v8 =	vadd.s32 $0x400, v1;
	[dreg:$0x9] =	wrdreg s10  }
0x126: {  	s12 =	sor.u32 s14, s12;
	s6 =	sor.u32 $0x380, s6;
	v16 =	vadd.s32 $0xC00, v63;
	[tilespmem:s7+$0x2880] =	vst v17  }
0x127: {  	s14 =	sor.u32 $0x380, s12;
	v15 =	vadd.s32 $0xC80, v3;
	v12 =	vld.idx.msk [tilespmem:v12+s13+$0x0], $0xffff;
	[tilespmem:s6+$0x2880] =	vst v7  }
0x128: {  	s4 =	sor.u32 s0, s4;
	v7 =	vadd.s32 $0x480, v2;
	[tilespmem:s14+$0x2880] =	vst v13;
	v17 =	vld.idx.msk [tilespmem:v18+s13+$0x0], $0xffff  }
0x129: {  	s15 =	sor.u32 s1, s5;
	s16 =	sadd.s32 $0x3880, s29;
	v13 =	vadd.s32 $0xE00, v9;
	[tilespmem:s4+$0x0] =	vst v6;
	v4 =	vld.idx.msk [tilespmem:v4+s13+$0x0], $0xffff  }
0x12a: {  	s18 =	sor.u32 s30, s16;
	v18 =	vadd.s32 $0x480, v29;
	v8 =	vld.idx.msk [tilespmem:v8+s13+$0x0], $0xffff;
	[tilespmem:s15+$0x0] =	vst v14  }
0x12b: {  	s23 =	sor.u32 s31, s5;
	v6 =	vadd.s32 $0x480, v49;
	s4 =	sadd.s32 $0x5A00, s17;
	v16 =	vld.idx.msk [tilespmem:v16+s13+$0x0], $0xffff;
	[tilespmem:s18+$0x0] =	vst v11  }
0x12c: {  	v14 =	vadd.s32 $0x480, v1;
	s19 =	sor.u32 s11, s4;
	[tilespmem:s23+$0x0] =	vst v5;
	v11 =	vld.idx.msk [tilespmem:v15+s13+$0x0], $0xffff  }
0x12d: {  	s20 =	sor.u32 s24, s16;
	v15 =	vadd.s32 $0xC80, v10;
	v7 =	vld.idx.msk [tilespmem:v7+s13+$0x0], $0xffff;
	[tilespmem:s19+$0x0] =	vst v12  }
0x12e: {  	s21 =	sor.u32 s25, s16;
	v12 =	vadd.s32 $0xC80, v63;
	[tilespmem:s20+$0x0] =	vst v17;
	v13 =	vld.idx.msk [tilespmem:v13+s13+$0x0], $0xffff  }
0x12f: {  	s7 =	sor.u32 s22, s16;
	[tilespmem:s21+$0x0] =	vst v4;
	v4 =	vadd.s32 $0x500, v2;
	v17 =	vld.idx.msk [tilespmem:v18+s13+$0x0], $0xffff  }
0x130: {  	s5 =	sor.u32 s0, s5;
	[tilespmem:s7+$0x0] =	vst v8;
	v8 =	vadd.s32 $0xE80, v9;
	v6 =	vld.idx.msk [tilespmem:v6+s13+$0x0], $0xffff  }
0x131: {  	s26 =	sadd.s32 $0x3900, s29;
	s14 =	sor.u32 s1, s2;
	v18 =	vadd.s32 $0x500, v29;
	v14 =	vld.idx.msk [tilespmem:v14+s13+$0x0], $0xffff;
	[tilespmem:s5+$0x0] =	vst v16  }
0x132: {  	s8 =	sor.u32 s30, s26;
	v5 =	vadd.s32 $0x500, v49;
	s5 =	sadd.s32 $0x5A80, s17;
	v15 =	vld.idx.msk [tilespmem:v15+s13+$0x0], $0xffff;
	[tilespmem:s14+$0x0] =	vst v11  }
0x133: {  	v16 =	vadd.s32 $0x500, v1;
	s9 =	sor.u32 s11, s5;
	[tilespmem:s8+$0x0] =	vst v7;
	v7 =	vld.idx.msk [tilespmem:v12+s13+$0x0], $0xffff  }
0x134: {  	s10 =	sor.u32 s24, s26;
	v12 =	vadd.s32 $0xD00, v3;
	v19 =	vld.idx.msk [tilespmem:v4+s13+$0x0], $0xffff;
	[tilespmem:s9+$0x0] =	vst v13  }
0x135: {  	s12 =	sor.u32 s25, s26;
	v13 =	vadd.s32 $0xD00, v10;
	[tilespmem:s10+$0x0] =	vst v17;
	v8 =	vld.idx.msk [tilespmem:v8+s13+$0x0], $0xffff  }
0x136: {  	v20 =	vadd.s32 $0xD80, v3;
	s7 =	sor.u32 s22, s26;
	[tilespmem:s12+$0x0] =	vst v6;
	v6 =	vadd.s32 $0x580, v2;
	v17 =	vld.idx.msk [tilespmem:v18+s13+$0x0], $0xffff  }
0x137: {  	v32 =	vadd.s32 $0xE00, v3;
	v26 =	vadd.s32 $0xE80, v3;
	s16 =	sadd.s32 $0x3980, s29;
	s15 =	sor.u32 s31, s2;
	[tilespmem:s7+$0x0] =	vst v14;
	v14 =	vadd.s32 $0xF00, v9;
	v5 =	vld.idx.msk [tilespmem:v5+s13+$0x0], $0xffff  }
0x138: {  	v34 =	vadd.s32 $0xE00, v10;
	v25 =	vadd.s32 $0xE80, v10;
	s18 =	sor.u32 s30, s16;
	s8 =	sadd.s32 $0x5B00, s17;
	v18 =	vadd.s32 $0x580, v29;
	v16 =	vld.idx.msk [tilespmem:v16+s13+$0x0], $0xffff;
	[tilespmem:s15+$0x0] =	vst v15  }
0x139: {  	v24 =	vadd.s32 $0xF00, v10;
	v21 =	vadd.s32 $0xF80, v10;
	v4 =	vadd.s32 $0xD80, v10;
	s19 =	sor.u32 s11, s8;
	v10 =	vld.idx.msk [tilespmem:v12+s13+$0x0], $0xffff;
	[tilespmem:s18+$0x0] =	vst v19  }
0x13a: {  	v23 =	vadd.s32 $0xF00, v3;
	v22 =	vadd.s32 $0xF80, v3;
	s20 =	sor.u32 s24, s16;
	v3 =	vadd.s32 $0x580, v49;
	v13 =	vld.idx.msk [tilespmem:v13+s13+$0x0], $0xffff;
	[tilespmem:s19+$0x0] =	vst v8  }
0x13b: {  	s21 =	sor.u32 s25, s16;
	v12 =	vadd.s32 $0x580, v1;
	v6 =	vld.idx.msk [tilespmem:v6+s13+$0x0], $0xffff;
	[tilespmem:s20+$0x0] =	vst v17  }
0x13c: {  	v48 =	vadd.s32 $0x680, v29;
	s26 =	simm.s32 $0x4;
	v19 =	vadd.s32 $0xD00, v63;
	v8 =	vld.idx.msk [tilespmem:v14+s13+$0x0], $0xffff;
	[tilespmem:s21+$0x0] =	vst v5  }
0x13d: {  	v60 =	vadd.s32 $0x700, v29;
	v55 =	vadd.s32 $0x780, v29;
	v44 =	vadd.s32 $0x800, v29;
	s23 =	sor.u32 s22, s16;
	v14 =	vld.idx.msk [tilespmem:v18+s13+$0x0], $0xffff;
	[dreg:$0xa] =	wrdreg s26  }
0x13e: {  	v37 =	vadd.s32 $0x880, v29;
	v35 =	vadd.s32 $0x900, v29;
	v43 =	vadd.s32 $0x980, v29;
	s2 =	sor.u32 s0, s2;
	[tilespmem:s23+$0x0] =	vst v16  }
0x13f: {  	v59 =	vadd.s32 $0xA00, v29;
	v51 =	vadd.s32 $0xB00, v29;
	s9 =	sor.u32 s1, s3;
	v5 =	vadd.s32 $0x600, v2;
	v16 =	vld.idx.msk [tilespmem:v3+s13+$0x0], $0xffff;
	[tilespmem:s2+$0x0] =	vst v7  }
0x140: {  	v50 =	vadd.s32 $0xB80, v29;
	v9 =	vadd.s32 $0xF80, v9;
	s10 =	sadd.s32 $0x3A00, s29;
	[tilespmem:s9+$0x0] =	vst v10;
	v3 =	vadd.s32 $0xA80, v29;
	v12 =	vld.idx.msk [tilespmem:v12+s13+$0x0], $0xffff  }
0x141: {  	v28 =	vadd.s32 $0xC00, v29;
	v57 =	vadd.s32 $0xE00, v29;
	v11 =	vadd.s32 $0x600, v29;
	s20 =	sor.u32 s30, s10;
	v7 =	vld.idx.msk [tilespmem:v19+s13+$0x0], $0xffff;
	[tilespmem:$0x1FFE0] =	vst v3  }
0x142: {  	v41 =	vadd.s32 $0xE80, v29;
	v30 =	vadd.s32 $0xF80, v29;
	v0 =	vadd.s32 $0xA80, v49;
	s16 =	sor.u32 s0, s4;
	s6 =	sor.u32 s0, s8;
	s21 =	sadd.s32 $0x5B80, s17;
	[tilespmem:s20+$0x0] =	vst v6  }
0x143: {  	v38 =	vadd.s32 $0x680, v49;
	v56 =	vadd.s32 $0x700, v49;
	s14 =	sor.u32 s1, s8;
	s7 =	sor.u32 s0, s5;
	v15 =	vadd.s32 $0x600, v49;
	s23 =	sor.u32 s11, s21;
	v3 =	vld.idx.msk [tilespmem:v20+s13+$0x0], $0xffff;
	[tilespmem:$0x1FFF0] =	vst v0  }
0x144: {  	v46 =	vadd.s32 $0x780, v49;
	v61 =	vadd.s32 $0x800, v49;
	s12 =	sor.u32 s31, s5;
	s15 =	sor.u32 s1, s5;
	s26 =	sor.u32 s24, s10;
	v10 =	vadd.s32 $0x600, v1;
	v17 =	vld.idx.msk [tilespmem:v5+s13+$0x0], $0xffff;
	[tilespmem:s23+$0x0] =	vst v8  }
0x145: {  	v40 =	vadd.s32 $0x880, v49;
	v36 =	vadd.s32 $0x900, v49;
	s5 =	sor.u32 s25, s10;
	s18 =	sor.u32 s0, s3;
	s2 =	sor.u32 s31, s3;
	[tilespmem:s26+$0x0] =	vst v14;
	v14 =	vadd.s32 $0xD80, v63;
	v9 =	vld.idx.msk [tilespmem:v9+s13+$0x0], $0xffff  }
0x146: {  	v54 =	vadd.s32 $0x980, v49;
	v53 =	vadd.s32 $0xA00, v49;
	s19 =	sor.u32 s1, s4;
	s9 =	sor.u32 s22, s10;
	s10 =	sor.u32 s31, s8;
	[tilespmem:s2+$0x0] =	vst v13;
	v5 =	vld.idx.msk [tilespmem:v11+s13+$0x0], $0xffff;
	v11 =	vadd.s32 $0x680, v2  }
0x147: {  	v52 =	vadd.s32 $0xB00, v49;
	v58 =	vadd.s32 $0xB80, v49;
	v31 =	vadd.s32 $0xC00, v49;
	s8 =	sor.u32 s31, s21;
	s20 =	sor.u32 s31, s4;
	s23 =	sadd.s32 $0x3A80, s29;
	[tilespmem:s5+$0x0] =	vst v16;
	v4 =	vld.idx.msk [tilespmem:v4+s13+$0x0], $0xffff  }
0x148: {  	v27 =	vadd.s32 $0xC80, v49;
	v33 =	vadd.s32 $0xE00, v49;
	v42 =	vadd.s32 $0xE80, v49;
	s4 =	sor.u32 s0, s21;
	s26 =	sor.u32 s30, s23;
	s28 =	sor.u32 s24, s23;
	[tilespmem:s9+$0x0] =	vst v12;
	v6 =	vld.idx.msk [tilespmem:v15+s13+$0x0], $0xffff  }
0x149: {  	v18 =	vadd.s32 $0xD00, v29;
	v19 =	vadd.s32 $0xD00, v49;
	v20 =	vadd.s32 $0xC80, v29;
	s9 =	sor.u32 s1, s21;
	s21 =	sadd.s32 $0x5C00, s17;
	[tilespmem:s18+$0x0] =	vst v7;
	s18 =	sor.u32 s25, s23;
	v8 =	vld.idx.msk [tilespmem:v10+s13+$0x0], $0xffff  }
0x14a: {  	v13 =	vadd.s32 $0xD80, v49;
	v16 =	vadd.s32 $0xD80, v29;
	v15 =	vadd.s32 $0xF00, v49;
	s11 =	sor.u32 s11, s21;
	s3 =	sor.u32 s0, s21;
	s2 =	sor.u32 s1, s21;
	[tilespmem:s26+$0x0] =	vst v17;
	v7 =	vld.idx.msk [tilespmem:v14+s13+$0x0], $0xffff  }
0x14b: {  	s5 =	sor.u32 s31, s21;
	s21 =	sor.u32 s22, s23;
	v10 =	vadd.s32 $0x680, v1;
	s0 =	simm.s32 $0x480;
	v17 =	vadd.s32 $0xF00, v29;
	v29 =	vadd.s32 $0xF80, v49;
	[tilespmem:s11+$0x0] =	vst v9;
	v9 =	vld.idx.msk [tilespmem:v11+s13+$0x0], $0xffff  }
.LBB2_4:
0x14c: {  	[tilespmem:$0x1FEB0] =	vst v20  }
0x14d: {  	[tilespmem:$0x1FE80] =	vst v31  }
0x14e: {  	[tilespmem:$0x1FF10] =	vst v18  }
0x14f: {  	[tilespmem:$0x1FF40] =	vst v19  }
0x150: {  	[tilespmem:$0x1FF70] =	vst v16  }
0x151: {  	[tilespmem:$0x1FFB0] =	vst v13  }
0x152: {  	[tilespmem:s28+$0x0] =	vst v5  }
0x153: {  	[tilespmem:s18+$0x0] =	vst v6  }
0x154: {  	v0 =	vmov v57;
	v5 =	vld.idx.msk [tilespmem:v48+s13+$0x0], $0xffff;
	[tilespmem:s19+$0x0] =	vst v3  }
0x155: {  	s18 =	smov.u32 s29;
	[tilespmem:$0x1FEE0] =	vst v0  }
0x156: {  	v11 =	vld [tilespmem:s0+$0x0];
	s17 =	smov.u32 s30;
	s31 =	smov.u32 s25;
	s25 =	sadd.s32 $0x3B00, s18;
	[tilespmem:s21+$0x0] =	vst v8  }
0x157: {  	v6 =	vadd.s32 $0x700, v2;
	s23 =	sor.u32 s17, s25;
	v8 =	vld.idx.msk [tilespmem:v38+s13+$0x0], $0xffff;
	[tilespmem:s20+$0x0] =	vst v4  }
0x158: {  	v0 =	vmov v33;
	[tilespmem:s23+$0x0] =	vst v9  }
0x159: {  	s11 =	smov.u32 s24;
	v12 =	vadd.s32 $0xE00, v63;
	v10 =	vld.idx.msk [tilespmem:v10+s13+$0x0], $0xffff;
	[tilespmem:$0x1FE00] =	vst v0  }
0x15a: {  	[dreg:$0xb] =	wrdreg s0;
	s0 =	sor.u32 s11, s25;
	v3 =	vld.idx.msk [tilespmem:v32+s13+$0x0], $0xffff;
	[tilespmem:s16+$0x0] =	vst v7  }
0x15b: {  	v9 =	vld.idx.msk [tilespmem:v34+s13+$0x0], $0xffff;
	[tilespmem:s0+$0x0] =	vst v5;
	v0 =	vmov v41  }
0x15c: {  	s1 =	smov.u32 s22;
	s21 =	sor.u32 s31, s25;
	v6 =	vld.idx.msk [tilespmem:v6+s13+$0x0], $0xffff;
	[tilespmem:$0x1FE30] =	vst v0  }
0x15d: {  	s26 =	sor.u32 s1, s25;
	v4 =	vadd.s32 $0x700, v1;
	[tilespmem:s21+$0x0] =	vst v8  }
0x15e: {  	v5 =	vld.idx.msk [tilespmem:v12+s13+$0x0], $0xffff;
	[tilespmem:s26+$0x0] =	vst v10  }
0x15f: {  	s24 =	sadd.s32 $0x3B80, s18;
	v7 =	vld.idx.msk [tilespmem:v60+s13+$0x0], $0xffff;
	[tilespmem:s15+$0x0] =	vst v3  }
0x160: {  	v12 =	vadd.s32 $0xE80, v63;
	s0 =	sor.u32 s17, s24;
	v10 =	vld.idx.msk [tilespmem:v56+s13+$0x0], $0xffff;
	[tilespmem:s12+$0x0] =	vst v9  }
0x161: {  	v0 =	vmov v42;
	[tilespmem:s0+$0x0] =	vst v6  }
0x162: {  	v8 =	vadd.s32 $0x780, v2;
	v4 =	vld.idx.msk [tilespmem:v4+s13+$0x0], $0xffff;
	[tilespmem:$0x1FE10] =	vst v0  }
0x163: {  	s26 =	sor.u32 s11, s24;
	v3 =	vld.idx.msk [tilespmem:v26+s13+$0x0], $0xffff;
	[tilespmem:s7+$0x0] =	vst v5  }
0x164: {  	v9 =	vadd.s32 $0x780, v1;
	v6 =	vld.idx.msk [tilespmem:v25+s13+$0x0], $0xffff;
	[tilespmem:s26+$0x0] =	vst v7;
	v0 =	vmov v17  }
0x165: {  	s16 =	sor.u32 s31, s24;
	v5 =	vld.idx.msk [tilespmem:v12+s13+$0x0], $0xffff;
	[tilespmem:$0x1FE20] =	vst v0  }
0x166: {  	s25 =	sor.u32 s1, s24;
	v12 =	vadd.s32 $0xF00, v63;
	v7 =	vld.idx.msk [tilespmem:v55+s13+$0x0], $0xffff;
	[tilespmem:s16+$0x0] =	vst v10  }
0x167: {  	v8 =	vld.idx.msk [tilespmem:v8+s13+$0x0], $0xffff;
	[tilespmem:s25+$0x0] =	vst v4  }
0x168: {  	[tilespmem:s14+$0x0] =	vst v3;
	v4 =	vld.idx.msk [tilespmem:v46+s13+$0x0], $0xffff  }
0x169: {  	s20 =	sadd.s32 $0x3C00, s18;
	v10 =	vadd.s32 $0x800, v2;
	v9 =	vld.idx.msk [tilespmem:v9+s13+$0x0], $0xffff;
	[tilespmem:s10+$0x0] =	vst v6  }
0x16a: {  	s22 =	sor.u32 s11, s20;
	v3 =	vld.idx.msk [tilespmem:v23+s13+$0x0], $0xffff;
	[tilespmem:s6+$0x0] =	vst v5  }
0x16b: {  	s23 =	sor.u32 s17, s20;
	v6 =	vadd.s32 $0x800, v1;
	[tilespmem:s22+$0x0] =	vst v7;
	v5 =	vld.idx.msk [tilespmem:v12+s13+$0x0], $0xffff  }
0x16c: {  	s7 =	sor.u32 s31, s20;
	[tilespmem:s23+$0x0] =	vst v8;
	v8 =	vld.idx.msk [tilespmem:v24+s13+$0x0], $0xffff  }
0x16d: {  	s21 =	sor.u32 s1, s20;
	v12 =	vadd.s32 $0xF80, v63;
	v7 =	vld.idx.msk [tilespmem:v44+s13+$0x0], $0xffff;
	[tilespmem:s7+$0x0] =	vst v4  }
0x16e: {  	v10 =	vld.idx.msk [tilespmem:v10+s13+$0x0], $0xffff;
	[tilespmem:s21+$0x0] =	vst v9  }
0x16f: {  	[tilespmem:s9+$0x0] =	vst v3;
	v9 =	vld.idx.msk [tilespmem:v61+s13+$0x0], $0xffff  }
0x170: {  	s24 =	sadd.s32 $0x4880, s18;
	v4 =	vadd.s32 $0x880, v2;
	v6 =	vld.idx.msk [tilespmem:v6+s13+$0x0], $0xffff;
	[tilespmem:s4+$0x0] =	vst v5  }
0x171: {  	s26 =	sor.u32 s11, s24;
	v3 =	vld.idx.msk [tilespmem:v22+s13+$0x0], $0xffff;
	[tilespmem:s8+$0x0] =	vst v8  }
0x172: {  	s0 =	sor.u32 s17, s24;
	s10 =	rddreg [dreg:$0x7];
	[tilespmem:s26+$0x0] =	vst v7;
	v5 =	vld.idx.msk [tilespmem:v12+s13+$0x0], $0xffff  }
0x173: {  	v0 =	vmov v15;
	v63 =	vmov v1;
	s8 =	sadd.s32 $0x40, s10;
	[tilespmem:s0+$0x0] =	vst v10;
	v10 =	vld.idx.msk [tilespmem:v21+s13+$0x0], $0xffff  }
0x174: {  	[tilespmem:$0x1FE40] =	vst v0;
	s6 =	sor.u32 s31, s24;
	v8 =	vadd.s32 $0x880, v63;
	s22 =	sand.u32 $0x40, s8;
	s12 =	sand.u32 $0x180, s8;
	v7 =	vld.idx.msk [tilespmem:v37+s13+$0x0], $0xffff  }
0x175: {  	s25 =	sor.u32 s1, s24;
	v4 =	vld.idx.msk [tilespmem:v4+s13+$0x0], $0xffff;
	s4 =	sor.u32 $0x400, s12;
	s30 =	sor.u32 $0x30, s22;
	[tilespmem:s6+$0x0] =	vst v9  }
0x176: {  	s24 =	sor.u32 $0x10, s22;
	[tilespmem:s25+$0x0] =	vst v6;
	s15 =	sor.u32 s30, s4;
	v6 =	vld.idx.msk [tilespmem:v40+s13+$0x0], $0xffff  }
0x177: {  	v1 =	vmov v11;
	v11 =	vmov v30;
	v9 =	vadd.s32 $0x900, v2;
	[tilespmem:s2+$0x0] =	vst v3;
	s19 =	sor.u32 s24, s4;
	v49 =	vld [tilespmem:s15+$0x0]  }
0x178: {  	s16 =	sadd.s32 $0x4900, s18;
	v0 =	vmov v29;
	[tilespmem:$0x1FE60] =	vst v11;
	s25 =	sor.u32 $0x20, s22;
	v29 =	vld [tilespmem:s19+$0x0]  }
0x179: {  	s26 =	sor.u32 s11, s16;
	s21 =	sor.u32 s25, s4;
	v8 =	vld.idx.msk [tilespmem:v8+s13+$0x0], $0xffff;
	[tilespmem:s5+$0x0] =	vst v10  }
0x17a: {  	s20 =	sor.u32 s17, s16;
	[tilespmem:s26+$0x0] =	vst v7;
	v17 =	vld [tilespmem:s21+$0x0]  }
0x17b: {  	s14 =	rddreg [dreg:$0xa];
	[tilespmem:s20+$0x0] =	vst v4;
	v11 =	vld.idx.msk [tilespmem:v35+s13+$0x0], $0xffff  }
0x17c: {  	[tilespmem:$0x1FE50] =	vst v0;
	s0 =	sadd.s32 $0x4, s14;
	v4 =	vld.idx.msk [tilespmem:v9+s13+$0x0], $0xffff  }
0x17d: {  	[dreg:$0xa] =	wrdreg s0;
	p1 =	slt.u32 s0, $0x1C;
	s0 =	sor.u32 s31, s16;
	v3 =	vadd.s32 $0x900, v63;
	[tilespmem:s3+$0x0] =	vst v5  }
0x17e: {  	s23 =	sor.u32 s1, s16;
	s5 =	sadd.s32 $0x4980, s18;
	[tilespmem:s0+$0x0] =	vst v6  }
0x17f: {  	s7 =	sor.u32 s11, s5;
	[tilespmem:s23+$0x0] =	vst v8;
	v15 =	vld.idx.msk [tilespmem:v36+s13+$0x0], $0xffff  }
0x180: {  	s9 =	sor.u32 s17, s5;
	v56 =	vld.idx.msk [tilespmem:v29+s13+$0x0], $0xffff;
	[tilespmem:s7+$0x0] =	vst v11  }
0x181: {  	v55 =	vld.idx.msk [tilespmem:v49+s13+$0x0], $0xffff;
	v0 =	vadd.s32 $0x380, v17;
	[tilespmem:s9+$0x0] =	vst v4  }
0x182: {  	v31 =	vld.idx.msk [tilespmem:v3+s13+$0x0], $0xffff;
	v3 =	vadd.s32 $0x600, v17;
	[tilespmem:$0x1FE70] =	vst v0  }
0x183: {  	v0 =	vadd.s32 $0x400, v29;
	[tilespmem:$0x1FFA0] =	vst v3  }
0x184: {  	v3 =	vadd.s32 $0x680, v17;
	[tilespmem:$0x1FE90] =	vst v0  }
0x185: {  	v0 =	vadd.s32 $0x400, v17;
	[tilespmem:$0x1FF20] =	vst v3  }
0x186: {  	s10 =	rddreg [dreg:$0x9];
	s2 =	sor.u32 s31, s5;
	v6 =	vadd.s32 $0x980, v2;
	[tilespmem:$0x1FEA0] =	vst v0  }
0x187: {  	s15 =	sadd.s32 $0x200, s10;
	v11 =	vld.idx.msk [tilespmem:v17+s13+$0x0], $0xffff;
	[tilespmem:s2+$0x0] =	vst v15;
	v0 =	vadd.s32 $0x480, v29  }
0x188: {  	s6 =	sor.u32 s1, s5;
	s0 =	sand.u32 $0xC00, s15;
	v8 =	vadd.s32 $0x980, v63;
	v32 =	vld.idx.msk [tilespmem:v1+s13+$0x0], $0xffff;
	[tilespmem:$0x1FEC0] =	vst v0  }
0x189: {  	s14 =	sadd.s32 $0x2880, s0;
	v0 =	vadd.s32 $0x500, v29;
	[tilespmem:s6+$0x0] =	vst v31  }
0x18a: {  	v19 =	vadd.s32 $0x80, v29;
	v41 =	vld.idx.msk [tilespmem:v43+s13+$0x0], $0xffff;
	s6 =	sor.u32 s30, s14;
	[tilespmem:$0x1FEF0] =	vst v0  }
0x18b: {  	s5 =	sor.u32 s24, s14;
	v6 =	vld.idx.msk [tilespmem:v6+s13+$0x0], $0xffff;
	[tilespmem:s6+$0x0] =	vst v55  }
0x18c: {  	v39 =	vadd.s32 $0x80, v49;
	s3 =	sor.u32 s22, s14;
	[tilespmem:s5+$0x0] =	vst v56  }
0x18d: {  	v62 =	vadd.s32 $0xA80, v2;
	s16 =	sadd.s32 $0x4A00, s18;
	v0 =	vadd.s32 $0x480, v17;
	v20 =	vld.idx.msk [tilespmem:v8+s13+$0x0], $0xffff;
	[tilespmem:s3+$0x0] =	vst v32  }
0x18e: {  	v30 =	vadd.s32 $0xA00, v63;
	v33 =	vadd.s32 $0x100, v1;
	v12 =	vadd.s32 $0x80, v1;
	s21 =	sor.u32 s11, s16;
	[tilespmem:$0x1FED0] =	vst v0  }
0x18f: {  	v34 =	vadd.s32 $0x100, v29;
	v16 =	vadd.s32 $0x180, v29;
	v0 =	vadd.s32 $0x580, v29;
	v38 =	vld.idx.msk [tilespmem:v19+s13+$0x0], $0xffff;
	[tilespmem:s21+$0x0] =	vst v41  }
0x190: {  	s19 =	sor.u32 s17, s16;
	v13 =	vadd.s32 $0x200, v29;
	v9 =	vadd.s32 $0x280, v29;
	v36 =	vadd.s32 $0x80, v17;
	v42 =	vld.idx.msk [tilespmem:v54+s13+$0x0], $0xffff;
	[tilespmem:$0x1FF50] =	vst v0  }
0x191: {  	v5 =	vadd.s32 $0x300, v29;
	v60 =	vadd.s32 $0x700, v29;
	v8 =	vld.idx.msk [tilespmem:v39+s13+$0x0], $0xffff;
	v0 =	vadd.s32 $0x500, v17;
	[tilespmem:s19+$0x0] =	vst v6  }
0x192: {  	v47 =	vadd.s32 $0x780, v29;
	v44 =	vadd.s32 $0x800, v29;
	s4 =	sor.u32 s25, s14;
	v15 =	vadd.s32 $0xA00, v2;
	[tilespmem:$0x1FF00] =	vst v0  }
0x193: {  	v46 =	vadd.s32 $0x880, v29;
	v35 =	vadd.s32 $0x900, v29;
	v0 =	vadd.s32 $0x580, v17;
	[tilespmem:s4+$0x0] =	vst v11  }
0x194: {  	[dreg:$0x7] =	wrdreg s8;
	s12 =	sor.u32 s15, s8;
	s8 =	sor.u32 s31, s16;
	v40 =	vadd.s32 $0x980, v29;
	v22 =	vadd.s32 $0xA80, v29;
	v24 =	vadd.s32 $0xB00, v29;
	v21 =	vld.idx.msk [tilespmem:v12+s13+$0x0], $0xffff;
	[tilespmem:$0x1FF60] =	vst v0  }
0x195: {  	v37 =	vadd.s32 $0x100, v17;
	v18 =	vadd.s32 $0x180, v17;
	v0 =	vadd.s32 $0x600, v29;
	v57 =	vld.idx.msk [tilespmem:v36+s13+$0x0], $0xffff;
	[tilespmem:s8+$0x0] =	vst v42  }
0x196: {  	v14 =	vadd.s32 $0x200, v17;
	v10 =	vadd.s32 $0x280, v17;
	v7 =	vadd.s32 $0x300, v17;
	v23 =	vld.idx.msk [tilespmem:v59+s13+$0x0], $0xffff;
	[tilespmem:$0x1FF90] =	vst v0  }
0x197: {  	v48 =	vadd.s32 $0x700, v17;
	v61 =	vadd.s32 $0x800, v17;
	v45 =	vadd.s32 $0x900, v17;
	v6 =	vld.idx.msk [tilespmem:v15+s13+$0x0], $0xffff;
	[tilespmem:s6+$0x80] =	vst v8  }
0x198: {  	v25 =	vadd.s32 $0xB00, v17;
	v56 =	vadd.s32 $0x100, v49;
	v11 =	vadd.s32 $0xA00, v17;
	[tilespmem:s5+$0x80] =	vst v38  }
0x199: {  	v4 =	vadd.s32 $0x380, v29;
	v43 =	vadd.s32 $0x980, v17;
	v3 =	vadd.s32 $0x780, v17;
	v8 =	vmovc v11;
	[tilespmem:s3+$0x80] =	vst v21  }
0x19a: {  	s20 =	sor.u32 s1, s16;
	s23 =	sadd.s32 $0x4A80, s18;
	v54 =	vadd.s32 $0xA00, v29;
	v31 =	vadd.s32 $0x180, v49;
	v55 =	vadd.s32 $0x880, v17;
	v59 =	vmovc v51;
	v51 =	vld.idx.msk [tilespmem:v53+s13+$0x0], $0xffff;
	[tilespmem:$0x1FF30] =	vst v8  }
0x19b: {  	s14 =	sor.u32 s11, s23;
	v39 =	vmovc v50;
	v50 =	vadd.s32 $0xA80, v17;
	v19 =	vadd.s32 $0xB80, v29;
	v12 =	vadd.s32 $0xC00, v17;
	v53 =	vld.idx.msk [tilespmem:v33+s13+$0x0], $0xffff;
	[tilespmem:s20+$0x0] =	vst v20  }
0x19c: {  	s16 =	sor.u32 s17, s23;
	v41 =	vadd.s32 $0xE80, v29;
	v15 =	vadd.s32 $0xB80, v17;
	v36 =	vmovc v28;
	v42 =	vadd.s32 $0xE80, v17;
	v28 =	vld.idx.msk [tilespmem:v34+s13+$0x0], $0xffff;
	[tilespmem:s14+$0x0] =	vst v23  }
0x19d: {  	v0 =	vadd.s32 $0x680, v29;
	v11 =	vadd.s32 $0xC00, v29;
	v26 =	vld.idx.msk [tilespmem:v56+s13+$0x0], $0xffff;
	v20 =	vadd.s32 $0xF00, v17;
	[tilespmem:s16+$0x0] =	vst v6  }
0x19e: {  	v38 =	vadd.s32 $0xD00, v29;
	v21 =	vadd.s32 $0xD80, v29;
	v8 =	vadd.s32 $0xC80, v29;
	[tilespmem:$0x1FFD0] =	vst v20;
	v20 =	vld.idx.msk [tilespmem:v30+s13+$0x0], $0xffff  }
0x19f: {  	v32 =	vmovc v27;
	v33 =	vadd.s32 $0xE00, v17;
	v23 =	vadd.s32 $0x180, v1;
	v6 =	vadd.s32 $0xC80, v17;
	v27 =	vld.idx.msk [tilespmem:v62+s13+$0x0], $0xffff;
	[tilespmem:s4+$0x80] =	vst v57  }
0x1a0: {  	[tilespmem:$0x1FF80] =	vst v21;
	v30 =	vadd.s32 $0xF80, v29;
	v62 =	vadd.s32 $0xD00, v17;
	v57 =	vadd.s32 $0xD80, v17;
	v21 =	vld.idx.msk [tilespmem:v37+s13+$0x0], $0xffff  }
0x1a1: {  	[tilespmem:$0x1FFC0] =	vst v57;
	v57 =	vadd.s32 $0xE00, v29;
	v37 =	vadd.s32 $0xF00, v29;
	v29 =	vadd.s32 $0xF80, v17;
	v17 =	vld [tilespmem:$0x1FFE0]  }
0x1a2: {  	v34 =	vmov v52;
	v52 =	vadd.s32 $0xB00, v2;
	[tilespmem:s6+$0x100] =	vst v26  }
0x1a3: {  	v26 =	vmov v22;
	[tilespmem:s3+$0x100] =	vst v53  }
0x1a4: {  	s26 =	sor.u32 s1, s23;
	s19 =	sadd.s32 $0x4B00, s18;
	[tilespmem:$0x1FFE0] =	vst v26;
	v23 =	vld.idx.msk [tilespmem:v23+s13+$0x0], $0xffff  }
0x1a5: {  	s21 =	sor.u32 s17, s19;
	[tilespmem:s26+$0x0] =	vst v20;
	v20 =	vld [tilespmem:$0x1FFF0]  }
0x1a6: {  	v22 =	vld.idx.msk [tilespmem:v31+s13+$0x0], $0xffff;
	v26 =	vadd.s32 $0xA80, v63;
	[tilespmem:s21+$0x0] =	vst v27  }
0x1a7: {  	v56 =	vmovc v48;
	v48 =	vmov v0;
	v0 =	vmov v50;
	v27 =	vld.idx.msk [tilespmem:v52+s13+$0x0], $0xffff;
	[tilespmem:s4+$0x100] =	vst v21;
	v21 =	vadd.s32 $0x200, v49  }
0x1a8: {  	[tilespmem:$0x1FFF0] =	vst v0;
	v18 =	vld.idx.msk [tilespmem:v18+s13+$0x0], $0xffff  }
0x1a9: {  	s9 =	sor.u32 s31, s23;
	v31 =	vadd.s32 $0x200, v1;
	v17 =	vld.idx.msk [tilespmem:v17+s13+$0x0], $0xffff;
	[tilespmem:s5+$0x100] =	vst v28  }
0x1aa: {  	[tilespmem:s9+$0x0] =	vst v51;
	v16 =	vld.idx.msk [tilespmem:v16+s13+$0x0], $0xffff  }
0x1ab: {  	p0 =	por !p0, !p0;
	s23 =	sadd.s32 $0x4B80, s18;
	s14 =	simm.s32 $0x1;
	[tilespmem:s6+$0x180] =	vst v22;
	v22 =	vld.idx.msk [tilespmem:v26+s13+$0x0], $0xffff  }
0x1ac: {  	s14 =	simm.s32 @!p0 $0x0;
	s26 =	sor.u32 s17, s23;
	v28 =	vadd.s32 $0xB80, v2;
	[tilespmem:s3+$0x180] =	vst v23;
	v21 =	vld.idx.msk [tilespmem:v21+s13+$0x0], $0xffff  }
0x1ad: {  	s2 =	sor.u32 $0x380, s12;
	s7 =	sor.u32 s1, s19;
	s16 =	sshll.u32 s14, $0x6;
	[tilespmem:s26+$0x0] =	vst v27;
	v20 =	vld.idx.msk [tilespmem:v20+s13+$0x0], $0xffff  }
0x1ae: {  	s12 =	sor.u32 s31, s19;
	s20 =	sor.u32 s11, s19;
	s19 =	sadd.s32 s16, s15;
	v26 =	vld.idx.msk [tilespmem:v31+s13+$0x0], $0xffff;
	[tilespmem:s4+$0x180] =	vst v18;
	v18 =	vadd.s32 $0x280, v49  }
0x1af: {  	s3 =	sadd.s32 $0x30, s19;
	v14 =	vld.idx.msk [tilespmem:v14+s13+$0x0], $0xffff;
	[tilespmem:s5+$0x180] =	vst v16  }
0x1b0: {  	s26 =	sor.u32 $0x200, s3;
	v13 =	vld.idx.msk [tilespmem:v13+s13+$0x0], $0xffff;
	[tilespmem:s20+$0x0] =	vst v17  }
0x1b1: {  	v16 =	vld.idx.msk [tilespmem:v28+s13+$0x0], $0xffff;
	[tilespmem:s26+$0x2880] =	vst v21  }
0x1b2: {  	s16 =	sadd.s32 $0x20, s19;
	s28 =	sor.u32 $0x200, s19;
	v17 =	vld.idx.msk [tilespmem:v59+s13+$0x0], $0xffff;
	[tilespmem:s12+$0x0] =	vst v20;
	v20 =	vadd.s32 $0x280, v1  }
0x1b3: {  	[dreg:$0x9] =	wrdreg s15;
	s14 =	sadd.s32 $0x10, s19;
	[tilespmem:s28+$0x2880] =	vst v26;
	s12 =	sor.u32 $0x200, s16;
	v18 =	vld.idx.msk [tilespmem:v18+s13+$0x0], $0xffff  }
0x1b4: {  	s8 =	sor.u32 s1, s23;
	s21 =	sor.u32 $0x200, s14;
	v23 =	vadd.s32 $0xC00, v2;
	s20 =	sadd.s32 $0x4C00, s18;
	v21 =	vld.idx.msk [tilespmem:v34+s13+$0x0], $0xffff;
	[tilespmem:s12+$0x2880] =	vst v14  }
0x1b5: {  	s29 =	sor.u32 $0x280, s19;
	s9 =	sor.u32 s31, s23;
	v51 =	vmov v24;
	v24 =	vadd.s32 $0xB00, v63;
	s15 =	sor.u32 s17, s20;
	v10 =	vld.idx.msk [tilespmem:v10+s13+$0x0], $0xffff;
	[tilespmem:s21+$0x2880] =	vst v13  }
0x1b6: {  	s6 =	sor.u32 s11, s23;
	s23 =	sor.u32 $0x280, s16;
	s5 =	sor.u32 $0x300, s19;
	[tilespmem:s15+$0x0] =	vst v16;
	v9 =	vld.idx.msk [tilespmem:v9+s13+$0x0], $0xffff  }
0x1b7: {  	s19 =	sor.u32 $0x300, s16;
	s26 =	sor.u32 $0x280, s14;
	s15 =	sor.u32 $0x380, s14;
	v20 =	vld.idx.msk [tilespmem:v20+s13+$0x0], $0xffff;
	[tilespmem:s7+$0x0] =	vst v22  }
0x1b8: {  	v0 =	vld [tilespmem:$0x1FE70];
	s21 =	sor.u32 $0x300, s14;
	s14 =	sor.u32 $0x380, s16;
	s16 =	sor.u32 $0x280, s3;
	[tilespmem:s6+$0x0] =	vst v17;
	v17 =	vadd.s32 $0x300, v1  }
0x1b9: {  	v14 =	vadd.s32 $0x300, v49;
	v13 =	vld.idx.msk [tilespmem:v23+s13+$0x0], $0xffff;
	[tilespmem:s16+$0x2880] =	vst v18  }
0x1ba: {  	v22 =	vld.idx.msk [tilespmem:v24+s13+$0x0], $0xffff;
	[tilespmem:s23+$0x2880] =	vst v10  }
0x1bb: {  	v16 =	vadd.s32 $0xC80, v2;
	v18 =	vld.idx.msk [tilespmem:v39+s13+$0x0], $0xffff;
	[tilespmem:s26+$0x2880] =	vst v9  }
0x1bc: {  	v7 =	vld.idx.msk [tilespmem:v7+s13+$0x0], $0xffff;
	v9 =	vadd.s32 $0xB80, v63;
	[tilespmem:s29+$0x2880] =	vst v20  }
0x1bd: {  	s7 =	sadd.s32 $0x5880, s18;
	v17 =	vld.idx.msk [tilespmem:v17+s13+$0x0], $0xffff  }
0x1be: {  	s10 =	sor.u32 s17, s7;
	v14 =	vld.idx.msk [tilespmem:v14+s13+$0x0], $0xffff;
	[tilespmem:s9+$0x0] =	vst v21  }
0x1bf: {  	v50 =	vmov v19;
	[tilespmem:s10+$0x0] =	vst v13;
	v19 =	vld.idx.msk [tilespmem:v58+s13+$0x0], $0xffff  }
0x1c0: {  	v13 =	vld.idx.msk [tilespmem:v16+s13+$0x0], $0xffff;
	[tilespmem:s8+$0x0] =	vst v22  }
0x1c1: {  	v10 =	vadd.s32 $0x380, v49;
	[tilespmem:s19+$0x2880] =	vst v7;
	v9 =	vld.idx.msk [tilespmem:v9+s13+$0x0], $0xffff  }
0x1c2: {  	[tilespmem:s5+$0x2880] =	vst v17;
	v17 =	vmov v37;
	v37 =	vmov v46;
	v46 =	vmov v3;
	v3 =	vld.idx.msk [tilespmem:v0+s13+$0x0], $0xffff  }
0x1c3: {  	v0 =	vld [tilespmem:$0x1FE80]  }
0x1c4: {  	s10 =	sor.u32 $0x300, s3;
	v5 =	vld.idx.msk [tilespmem:v5+s13+$0x0], $0xffff  }
0x1c5: {  	v16 =	vadd.s32 $0xD00, v2;
	[tilespmem:s10+$0x2880] =	vst v14  }
0x1c6: {  	s23 =	sadd.s32 $0x5900, s18;
	v10 =	vld.idx.msk [tilespmem:v10+s13+$0x0], $0xffff  }
0x1c7: {  	s26 =	sor.u32 s17, s23  }
0x1c8: {  	[tilespmem:s26+$0x0] =	vst v13  }
0x1c9: {  	s28 =	sor.u32 s11, s20;
	s12 =	sor.u32 s1, s20;
	s20 =	sor.u32 s31, s20;
	[tilespmem:s21+$0x2880] =	vst v5  }
0x1ca: {  	s3 =	sor.u32 $0x380, s3;
	v5 =	vld.idx.msk [tilespmem:v16+s13+$0x0], $0xffff;
	[tilespmem:s20+$0x0] =	vst v19  }
0x1cb: {  	[tilespmem:s3+$0x2880] =	vst v10;
	v10 =	vld.idx.msk [tilespmem:v0+s13+$0x0], $0xffff  }
0x1cc: {  	v58 =	vmov v15;
	v15 =	vadd.s32 $0x380, v1;
	v0 =	vld [tilespmem:$0x1FE90];
	_ =	sdelay $0x1  }
0x1cd: {  	v7 =	vadd.s32 $0x400, v49;
	v4 =	vld.idx.msk [tilespmem:v4+s13+$0x0], $0xffff;
	_ =	sdelay $0x2  }
0x1ce: {  	s4 =	sor.u32 s1, s23;
	v14 =	vld.idx.msk [tilespmem:v15+s13+$0x0], $0xffff;
	[tilespmem:s28+$0x0] =	vst v18  }
0x1cf: {  	s9 =	sor.u32 s31, s23;
	s10 =	sor.u32 s11, s23;
	s23 =	sadd.s32 $0x5980, s18;
	v15 =	vld.idx.msk [tilespmem:v36+s13+$0x0], $0xffff  }
0x1d0: {  	s26 =	sor.u32 s17, s23;
	v7 =	vld.idx.msk [tilespmem:v7+s13+$0x0], $0xffff;
	[tilespmem:s15+$0x2880] =	vst v4  }
0x1d1: {  	[tilespmem:s26+$0x0] =	vst v5;
	v5 =	vld.idx.msk [tilespmem:v0+s13+$0x0], $0xffff  }
0x1d2: {  	v0 =	vld [tilespmem:$0x1FEA0];
	_ =	sdelay $0x1  }
0x1d3: {  	v13 =	vadd.s32 $0xD80, v2;
	_ =	sdelay $0x4  }
0x1d4: {  	v4 =	vld.idx.msk [tilespmem:v13+s13+$0x0], $0xffff;
	[tilespmem:s14+$0x2880] =	vst v3  }
0x1d5: {  	v13 =	vld.idx.msk [tilespmem:v0+s13+$0x0], $0xffff  }
0x1d6: {  	v0 =	vld [tilespmem:$0x1FEB0];
	_ =	sdelay $0x4  }
0x1d7: {  	s29 =	smov.u32 s0  }
0x1d8: {  	s16 =	sor.u32 s11, s7;
	s19 =	sadd.s32 $0x3880, s29  }
0x1d9: {  	s20 =	sor.u32 s30, s19;
	[tilespmem:s16+$0x0] =	vst v15  }
0x1da: {  	[tilespmem:s20+$0x0] =	vst v7;
	v7 =	vld.idx.msk [tilespmem:v0+s13+$0x0], $0xffff  }
0x1db: {  	v0 =	vld [tilespmem:$0x1FEC0];
	_ =	sdelay $0x4  }
0x1dc: {  	s8 =	sor.u32 s11, s23  }
0x1dd: {  	s5 =	sor.u32 s31, s23;
	s3 =	sor.u32 s1, s23;
	s23 =	sor.u32 s24, s19  }
0x1de: {  	v28 =	vmov v11;
	v11 =	vadd.s32 $0x400, v1;
	[tilespmem:s23+$0x0] =	vst v5  }
0x1df: {  	v20 =	vmov v8;
	v8 =	vld.idx.msk [tilespmem:v0+s13+$0x0], $0xffff  }
0x1e0: {  	v0 =	vld [tilespmem:$0x1FED0];
	_ =	sdelay $0x1  }
0x1e1: {  	v31 =	vmov v12;
	v12 =	vadd.s32 $0xC00, v63;
	[tilespmem:s2+$0x2880] =	vst v14  }
0x1e2: {  	v11 =	vld.idx.msk [tilespmem:v11+s13+$0x0], $0xffff;
	_ =	sdelay $0x2  }
0x1e3: {  	s2 =	sor.u32 s25, s19;
	[tilespmem:s12+$0x0] =	vst v9  }
0x1e4: {  	s12 =	sor.u32 s22, s19;
	v9 =	vld.idx.msk [tilespmem:v12+s13+$0x0], $0xffff;
	[tilespmem:s2+$0x0] =	vst v13  }
0x1e5: {  	[tilespmem:s12+$0x0] =	vst v11;
	v11 =	vld.idx.msk [tilespmem:v0+s13+$0x0], $0xffff  }
0x1e6: {  	v0 =	vld [tilespmem:$0x1FEF0];
	_ =	sdelay $0x3  }
0x1e7: {  	s21 =	sadd.s32 $0x5A00, s18  }
0x1e8: {  	s26 =	sor.u32 s17, s21;
	s19 =	sor.u32 s11, s21;
	s12 =	sadd.s32 $0x3900, s29  }
0x1e9: {  	s20 =	sor.u32 s31, s21;
	s16 =	sor.u32 s1, s21;
	s21 =	sor.u32 s24, s12  }
0x1ea: {  	[tilespmem:s21+$0x0] =	vst v8  }
0x1eb: {  	v8 =	vld.idx.msk [tilespmem:v0+s13+$0x0], $0xffff  }
0x1ec: {  	v12 =	vadd.s32 $0x480, v1;
	v0 =	vld [tilespmem:$0x1FF00];
	_ =	sdelay $0x3  }
0x1ed: {  	s6 =	sor.u32 s1, s7  }
0x1ee: {  	s7 =	sor.u32 s31, s7;
	v12 =	vld.idx.msk [tilespmem:v12+s13+$0x0], $0xffff;
	[tilespmem:s6+$0x0] =	vst v9  }
0x1ef: {  	s2 =	sor.u32 s25, s12;
	[tilespmem:s7+$0x0] =	vst v10  }
0x1f0: {  	v9 =	vld.idx.msk [tilespmem:v32+s13+$0x0], $0xffff;
	[tilespmem:s2+$0x0] =	vst v11  }
0x1f1: {  	v11 =	vld.idx.msk [tilespmem:v0+s13+$0x0], $0xffff  }
0x1f2: {  	v0 =	vld [tilespmem:$0x1FF10]  }
0x1f3: {  	v3 =	vadd.s32 $0x480, v49;
	_ =	sdelay $0x3  }
0x1f4: {  	v14 =	vadd.s32 $0xE00, v2  }
0x1f5: {  	v3 =	vld.idx.msk [tilespmem:v3+s13+$0x0], $0xffff;
	[tilespmem:s26+$0x0] =	vst v4;
	v4 =	vadd.s32 $0xC80, v63  }
0x1f6: {  	v13 =	vadd.s32 $0x500, v49;
	[tilespmem:s10+$0x0] =	vst v7  }
0x1f7: {  	v7 =	vld.idx.msk [tilespmem:v0+s13+$0x0], $0xffff  }
0x1f8: {  	v0 =	vld [tilespmem:$0x1FF40]  }
0x1f9: {  	s15 =	sor.u32 s30, s12;
	v5 =	vld.idx.msk [tilespmem:v14+s13+$0x0], $0xffff  }
0x1fa: {  	v14 =	vadd.s32 $0xE80, v2;
	[tilespmem:s15+$0x0] =	vst v3;
	v3 =	vld.idx.msk [tilespmem:v4+s13+$0x0], $0xffff  }
0x1fb: {  	v4 =	vld.idx.msk [tilespmem:v13+s13+$0x0], $0xffff  }
0x1fc: {  	s14 =	sor.u32 s22, s12;
	s23 =	sadd.s32 $0x5A80, s18  }
0x1fd: {  	[tilespmem:s14+$0x0] =	vst v12;
	s26 =	sor.u32 s17, s23  }
0x1fe: {  	s6 =	sadd.s32 $0x3980, s29;
	[tilespmem:s26+$0x0] =	vst v5  }
0x1ff: {  	s14 =	sor.u32 s30, s6;
	v5 =	vld.idx.msk [tilespmem:v14+s13+$0x0], $0xffff;
	[tilespmem:s9+$0x0] =	vst v9  }
0x200: {  	[tilespmem:s14+$0x0] =	vst v4;
	v4 =	vld.idx.msk [tilespmem:v0+s13+$0x0], $0xffff  }
0x201: {  	v0 =	vld [tilespmem:$0x1FF50];
	_ =	sdelay $0x5  }
0x202: {  	s9 =	sor.u32 s24, s6  }
0x203: {  	v27 =	vmov v6;
	v6 =	vadd.s32 $0x500, v1;
	[tilespmem:s9+$0x0] =	vst v8  }
0x204: {  	v8 =	vld.idx.msk [tilespmem:v0+s13+$0x0], $0xffff  }
0x205: {  	v0 =	vld [tilespmem:$0x1FF60];
	_ =	sdelay $0x2  }
0x206: {  	v6 =	vld.idx.msk [tilespmem:v6+s13+$0x0], $0xffff;
	_ =	sdelay $0x2  }
0x207: {  	s2 =	sor.u32 s25, s6  }
0x208: {  	s21 =	sor.u32 s22, s6;
	[tilespmem:s2+$0x0] =	vst v11  }
0x209: {  	[tilespmem:s21+$0x0] =	vst v6;
	v6 =	vld.idx.msk [tilespmem:v0+s13+$0x0], $0xffff  }
0x20a: {  	v0 =	vld [tilespmem:$0x1FF70];
	_ =	sdelay $0x1  }
0x20b: {  	v9 =	vadd.s32 $0x580, v1;
	_ =	sdelay $0x4  }
0x20c: {  	v9 =	vld.idx.msk [tilespmem:v9+s13+$0x0], $0xffff;
	[tilespmem:s8+$0x0] =	vst v7  }
0x20d: {  	[tilespmem:s4+$0x0] =	vst v3;
	v3 =	vld.idx.msk [tilespmem:v0+s13+$0x0], $0xffff  }
0x20e: {  	v0 =	vld [tilespmem:$0x1FF80]  }
0x20f: {  	v10 =	vadd.s32 $0x580, v49;
	_ =	sdelay $0x1  }
0x210: {  	v12 =	vadd.s32 $0xF00, v2  }
0x211: {  	s15 =	sor.u32 s11, s23  }
0x212: {  	s12 =	sor.u32 s31, s23;
	s7 =	sor.u32 s1, s23;
	s23 =	sadd.s32 $0x5B00, s18;
	v16 =	vmov v0;
	v0 =	vld [tilespmem:$0x1FF90]  }
0x213: {  	s26 =	sor.u32 s17, s23;
	v10 =	vld.idx.msk [tilespmem:v10+s13+$0x0], $0xffff  }
0x214: {  	[tilespmem:s26+$0x0] =	vst v5;
	v11 =	vadd.s32 $0x600, v49  }
0x215: {  	v5 =	vld.idx.msk [tilespmem:v12+s13+$0x0], $0xffff  }
0x216: {  	s2 =	sadd.s32 $0x3A00, s29  }
0x217: {  	s14 =	sor.u32 s11, s23;
	s10 =	sor.u32 s31, s23;
	s9 =	sor.u32 s30, s2  }
0x218: {  	s6 =	sor.u32 s1, s23;
	s23 =	sadd.s32 $0x5B80, s18;
	s26 =	sor.u32 s24, s2;
	[tilespmem:s9+$0x0] =	vst v10  }
0x219: {  	s28 =	sor.u32 s17, s23;
	v11 =	vld.idx.msk [tilespmem:v11+s13+$0x0], $0xffff;
	[tilespmem:s26+$0x0] =	vst v8  }
0x21a: {  	[tilespmem:s28+$0x0] =	vst v5;
	v5 =	vld.idx.msk [tilespmem:v0+s13+$0x0], $0xffff  }
0x21b: {  	v0 =	vld [tilespmem:$0x1FFA0];
	_ =	sdelay $0x3  }
0x21c: {  	v53 =	vld [tilespmem:$0x1FF30]  }
0x21d: {  	v52 =	vmov v25;
	v25 =	vld [tilespmem:$0x1FE10]  }
0x21e: {  	v26 =	vld [tilespmem:$0x1FE30];
	s21 =	sor.u32 s22, s2;
	s2 =	sor.u32 s25, s2  }
0x21f: {  	v34 =	vld [tilespmem:$0x1FE00];
	[tilespmem:s2+$0x0] =	vst v6  }
0x220: {  	v6 =	vld.idx.msk [tilespmem:v0+s13+$0x0], $0xffff  }
0x221: {  	v0 =	vld [tilespmem:$0x1FFB0]  }
0x222: {  	v23 =	vld [tilespmem:$0x1FE20];
	v13 =	vadd.s32 $0xD00, v63  }
0x223: {  	v24 =	vld [tilespmem:$0x1FE40];
	v12 =	vadd.s32 $0xF80, v2  }
0x224: {  	v21 =	vld [tilespmem:$0x1FE50]  }
0x225: {  	v22 =	vld [tilespmem:$0x1FE60]  }
0x226: {  	v18 =	vmov v38;
	v38 =	vld [tilespmem:$0x1FF20]  }
0x227: {  	v2 =	vmov v49;
	v13 =	vld.idx.msk [tilespmem:v13+s13+$0x0], $0xffff;
	v7 =	vadd.s32 $0x600, v1  }
0x228: {  	v15 =	vadd.s32 $0x680, v2;
	v12 =	vld.idx.msk [tilespmem:v12+s13+$0x0], $0xffff;
	[tilespmem:s5+$0x0] =	vst v4  }
0x229: {  	v4 =	vld.idx.msk [tilespmem:v0+s13+$0x0], $0xffff  }
0x22a: {  	v14 =	vadd.s32 $0xD80, v63;
	s4 =	sor.u32 s1, s23;
	s9 =	sor.u32 s11, s23;
	s2 =	sadd.s32 $0x3A80, s29;
	v0 =	vld [tilespmem:$0x1FFC0]  }
.Ltmp1:
0x22b: {  	v32 =	vld [tilespmem:$0x1FEE0];
	[tilespmem:s21+$0x0] =	vst v9;
	s8 =	sor.u32 s31, s23;
	s23 =	sor.u32 s30, s2;
	(pc) =	sbr.rel @p1 .LBB2_4-.Ltmp1, $4  }
0x22c: {  	s0 =	rddreg [dreg:$0xb];
	[tilespmem:s23+$0x0] =	vst v11;
	v8 =	vld.idx.msk [tilespmem:v7+s13+$0x0], $0xffff  }
0x22d: {  	s0 =	sadd.s32 $0x40, s0;
	s21 =	sor.u32 s22, s2;
	s26 =	sadd.s32 $0x5C00, s18;
	v9 =	vld.idx.msk [tilespmem:v15+s13+$0x0], $0xffff  }
0x22e: {  	v59 =	vmovc v54;
	v54 =	vmov v43;
	v43 =	vmov v40;
	v40 =	vmov v55;
	s28 =	sor.u32 s24, s2;
	[tilespmem:s3+$0x0] =	vst v13;
	s18 =	sor.u32 s25, s2;
	v15 =	vld [tilespmem:$0x1FFD0];
	s17 =	sor.u32 s17, s26  }
0x22f: {  	v55 =	vmovc v47;
	v19 =	vmovc v62;
	v36 =	vmov v45;
	v10 =	vadd.s32 $0x680, v1;
	v7 =	vld.idx.msk [tilespmem:v14+s13+$0x0], $0xffff;
	s3 =	sor.u32 s1, s26;
	s2 =	sor.u32 s11, s26;
	[tilespmem:s17+$0x0] =	vst v12;
	s5 =	sor.u32 s31, s26;
	v13 =	vmov v0  }
0x230: {  	_ =	sdelay $0x2  }
0x231: {  	[tilespmem:s28+$0x0] =	vst v5  }
0x232: {  	[tilespmem:s18+$0x0] =	vst v6;
	v11 =	vadd.s32 $0x700, v2;
	v6 =	vld.idx.msk [tilespmem:v48+s13+$0x0], $0xffff  }
0x233: {  	s0 =	sadd.s32 $0x3B00, s29;
	[tilespmem:s21+$0x0] =	vst v8;
	v8 =	vld.idx.msk [tilespmem:v38+s13+$0x0], $0xffff  }
0x234: {  	[tilespmem:s19+$0x0] =	vst v3;
	s1 =	sor.u32 s30, s0;
	v10 =	vld.idx.msk [tilespmem:v10+s13+$0x0], $0xffff  }
0x235: {  	[tilespmem:s1+$0x0] =	vst v9;
	v9 =	vadd.s32 $0x700, v1  }
0x236: {  	s19 =	sor.u32 s24, s0;
	[tilespmem:s16+$0x0] =	vst v7  }
0x237: {  	s11 =	sor.u32 s25, s0;
	v7 =	vld.idx.msk [tilespmem:v11+s13+$0x0], $0xffff;
	[tilespmem:s19+$0x0] =	vst v6  }
0x238: {  	s0 =	sor.u32 s22, s0;
	[tilespmem:s11+$0x0] =	vst v8;
	v8 =	vadd.s32 $0x780, v2;
	v6 =	vld.idx.msk [tilespmem:v60+s13+$0x0], $0xffff  }
0x239: {  	[tilespmem:s0+$0x0] =	vst v10;
	v10 =	vld.idx.msk [tilespmem:v56+s13+$0x0], $0xffff  }
0x23a: {  	[tilespmem:s20+$0x0] =	vst v4;
	s20 =	sadd.s32 $0x3B80, s29;
	v9 =	vld.idx.msk [tilespmem:v9+s13+$0x0], $0xffff  }
0x23b: {  	s21 =	sor.u32 s30, s20;
	v11 =	vadd.s32 $0x780, v1  }
0x23c: {  	v4 =	vld.idx.msk [tilespmem:v32+s13+$0x0], $0xffff;
	s23 =	sor.u32 s24, s20;
	[tilespmem:s21+$0x0] =	vst v7  }
0x23d: {  	v12 =	vadd.s32 $0xE00, v63;
	s26 =	sor.u32 s25, s20;
	v7 =	vld.idx.msk [tilespmem:v8+s13+$0x0], $0xffff;
	[tilespmem:s23+$0x0] =	vst v6  }
0x23e: {  	s0 =	sor.u32 s22, s20;
	v8 =	vadd.s32 $0x800, v2;
	[tilespmem:s26+$0x0] =	vst v10;
	v6 =	vld.idx.msk [tilespmem:v55+s13+$0x0], $0xffff  }
0x23f: {  	[tilespmem:s0+$0x0] =	vst v9;
	v9 =	vld.idx.msk [tilespmem:v46+s13+$0x0], $0xffff  }
0x240: {  	s31 =	sadd.s32 $0x3C00, s29;
	v10 =	vld.idx.msk [tilespmem:v11+s13+$0x0], $0xffff  }
0x241: {  	v5 =	vld.idx.msk [tilespmem:v34+s13+$0x0], $0xffff;
	s11 =	sor.u32 s30, s31;
	v11 =	vadd.s32 $0x800, v1  }
0x242: {  	s16 =	sor.u32 s24, s31;
	v3 =	vld.idx.msk [tilespmem:v12+s13+$0x0], $0xffff;
	[tilespmem:s11+$0x0] =	vst v7  }
0x243: {  	s17 =	sor.u32 s25, s31;
	v7 =	vld.idx.msk [tilespmem:v8+s13+$0x0], $0xffff;
	[tilespmem:s16+$0x0] =	vst v6  }
0x244: {  	s0 =	sor.u32 s22, s31;
	v8 =	vadd.s32 $0x880, v2;
	[tilespmem:s17+$0x0] =	vst v9;
	v6 =	vld.idx.msk [tilespmem:v44+s13+$0x0], $0xffff  }
0x245: {  	[tilespmem:s0+$0x0] =	vst v10;
	v9 =	vld.idx.msk [tilespmem:v61+s13+$0x0], $0xffff  }
0x246: {  	s18 =	sadd.s32 $0x4880, s29;
	v10 =	vld.idx.msk [tilespmem:v11+s13+$0x0], $0xffff  }
0x247: {  	s19 =	sor.u32 s30, s18;
	v11 =	vadd.s32 $0x880, v1  }
0x248: {  	s20 =	sor.u32 s24, s18;
	[tilespmem:s19+$0x0] =	vst v7  }
0x249: {  	s21 =	sor.u32 s25, s18;
	v7 =	vld.idx.msk [tilespmem:v8+s13+$0x0], $0xffff;
	[tilespmem:s20+$0x0] =	vst v6  }
0x24a: {  	s0 =	sor.u32 s22, s18;
	v8 =	vadd.s32 $0x900, v2;
	[tilespmem:s21+$0x0] =	vst v9;
	v6 =	vld.idx.msk [tilespmem:v37+s13+$0x0], $0xffff  }
0x24b: {  	[tilespmem:s0+$0x0] =	vst v10;
	v9 =	vld.idx.msk [tilespmem:v40+s13+$0x0], $0xffff  }
0x24c: {  	s23 =	sadd.s32 $0x4900, s29;
	v10 =	vld.idx.msk [tilespmem:v11+s13+$0x0], $0xffff  }
0x24d: {  	s26 =	sor.u32 s30, s23;
	v11 =	vadd.s32 $0x900, v1  }
0x24e: {  	s31 =	sor.u32 s24, s23;
	[tilespmem:s26+$0x0] =	vst v7  }
0x24f: {  	s16 =	sor.u32 s25, s23;
	v7 =	vld.idx.msk [tilespmem:v8+s13+$0x0], $0xffff;
	[tilespmem:s31+$0x0] =	vst v6  }
0x250: {  	s0 =	sor.u32 s22, s23;
	v8 =	vadd.s32 $0x980, v2;
	[tilespmem:s16+$0x0] =	vst v9;
	v6 =	vld.idx.msk [tilespmem:v35+s13+$0x0], $0xffff  }
0x251: {  	[tilespmem:s0+$0x0] =	vst v10;
	v9 =	vld.idx.msk [tilespmem:v36+s13+$0x0], $0xffff  }
0x252: {  	s17 =	sadd.s32 $0x4980, s29;
	v10 =	vld.idx.msk [tilespmem:v11+s13+$0x0], $0xffff  }
0x253: {  	s18 =	sor.u32 s30, s17;
	v11 =	vadd.s32 $0x980, v1  }
0x254: {  	s19 =	sor.u32 s24, s17;
	[tilespmem:s18+$0x0] =	vst v7  }
0x255: {  	s20 =	sor.u32 s25, s17;
	v7 =	vld.idx.msk [tilespmem:v8+s13+$0x0], $0xffff;
	[tilespmem:s19+$0x0] =	vst v6  }
0x256: {  	s0 =	sor.u32 s22, s17;
	[tilespmem:s20+$0x0] =	vst v9;
	v6 =	vadd.s32 $0xA00, v2;
	v8 =	vld.idx.msk [tilespmem:v43+s13+$0x0], $0xffff  }
0x257: {  	[tilespmem:s0+$0x0] =	vst v10;
	v9 =	vld.idx.msk [tilespmem:v54+s13+$0x0], $0xffff  }
0x258: {  	s21 =	sadd.s32 $0x4A00, s29;
	v10 =	vld.idx.msk [tilespmem:v11+s13+$0x0], $0xffff  }
0x259: {  	s23 =	sor.u32 s30, s21;
	v11 =	vadd.s32 $0xA00, v1  }
0x25a: {  	s26 =	sor.u32 s24, s21;
	[tilespmem:s23+$0x0] =	vst v7  }
0x25b: {  	s31 =	sor.u32 s25, s21;
	v6 =	vld.idx.msk [tilespmem:v6+s13+$0x0], $0xffff;
	[tilespmem:s26+$0x0] =	vst v8  }
0x25c: {  	s0 =	sor.u32 s22, s21;
	[tilespmem:s31+$0x0] =	vst v9;
	v8 =	vld.idx.msk [tilespmem:v59+s13+$0x0], $0xffff  }
0x25d: {  	v9 =	vld.idx.msk [tilespmem:v53+s13+$0x0], $0xffff;
	[tilespmem:s0+$0x0] =	vst v10  }
0x25e: {  	s16 =	sadd.s32 $0x4A80, s29;
	v7 =	vadd.s32 $0xA80, v2;
	v10 =	vld.idx.msk [tilespmem:v11+s13+$0x0], $0xffff  }
0x25f: {  	s17 =	sor.u32 s30, s16  }
0x260: {  	s18 =	sor.u32 s24, s16;
	[tilespmem:s17+$0x0] =	vst v6  }
0x261: {  	s19 =	sor.u32 s25, s16;
	[tilespmem:s18+$0x0] =	vst v8  }
0x262: {  	s0 =	sor.u32 s22, s16;
	v8 =	vld [tilespmem:$0x1FFE0];
	[tilespmem:s19+$0x0] =	vst v9  }
0x263: {  	v6 =	vld.idx.msk [tilespmem:v7+s13+$0x0], $0xffff;
	[tilespmem:s0+$0x0] =	vst v10  }
0x264: {  	v11 =	vadd.s32 $0xA80, v1;
	v0 =	vld [tilespmem:$0x1FFF0]  }
0x265: {  	v7 =	vadd.s32 $0xB00, v2;
	_ =	sdelay $0x1  }
0x266: {  	s20 =	sadd.s32 $0x4B00, s29  }
0x267: {  	s21 =	sor.u32 s30, s20  }
0x268: {  	v10 =	vld.idx.msk [tilespmem:v11+s13+$0x0], $0xffff;
	[tilespmem:s21+$0x0] =	vst v6  }
0x269: {  	v11 =	vadd.s32 $0xB00, v1;
	v6 =	vld.idx.msk [tilespmem:v7+s13+$0x0], $0xffff  }
0x26a: {  	v7 =	vadd.s32 $0xB80, v2;
	v8 =	vld.idx.msk [tilespmem:v8+s13+$0x0], $0xffff  }
0x26b: {  	v9 =	vld.idx.msk [tilespmem:v0+s13+$0x0], $0xffff  }
0x26c: {  	s31 =	sadd.s32 $0x4B80, s29;
	s0 =	sor.u32 s22, s20  }
0x26d: {  	s11 =	sor.u32 s30, s31;
	[tilespmem:s0+$0x0] =	vst v10  }
0x26e: {  	s23 =	sor.u32 s24, s20;
	v10 =	vld.idx.msk [tilespmem:v11+s13+$0x0], $0xffff;
	[tilespmem:s11+$0x0] =	vst v6  }
0x26f: {  	s26 =	sor.u32 s25, s20;
	v11 =	vadd.s32 $0xB80, v1;
	v6 =	vld.idx.msk [tilespmem:v7+s13+$0x0], $0xffff;
	[tilespmem:s23+$0x0] =	vst v8  }
0x270: {  	v7 =	vadd.s32 $0xC00, v2;
	v8 =	vld.idx.msk [tilespmem:v51+s13+$0x0], $0xffff;
	[tilespmem:s26+$0x0] =	vst v9  }
0x271: {  	v9 =	vld.idx.msk [tilespmem:v52+s13+$0x0], $0xffff  }
0x272: {  	s18 =	sadd.s32 $0x4C00, s29;
	s0 =	sor.u32 s22, s31  }
0x273: {  	s19 =	sor.u32 s30, s18;
	[tilespmem:s0+$0x0] =	vst v10  }
0x274: {  	s16 =	sor.u32 s24, s31;
	v10 =	vld.idx.msk [tilespmem:v11+s13+$0x0], $0xffff;
	[tilespmem:s19+$0x0] =	vst v6  }
0x275: {  	s17 =	sor.u32 s25, s31;
	v11 =	vadd.s32 $0xC00, v1;
	v6 =	vld.idx.msk [tilespmem:v7+s13+$0x0], $0xffff;
	[tilespmem:s16+$0x0] =	vst v8  }
0x276: {  	v7 =	vadd.s32 $0xC80, v2;
	v8 =	vld.idx.msk [tilespmem:v50+s13+$0x0], $0xffff;
	[tilespmem:s17+$0x0] =	vst v9  }
0x277: {  	v9 =	vld.idx.msk [tilespmem:v58+s13+$0x0], $0xffff  }
0x278: {  	s0 =	sor.u32 s22, s18;
	s23 =	sadd.s32 $0x5880, s29  }
0x279: {  	s26 =	sor.u32 s30, s23;
	[tilespmem:s0+$0x0] =	vst v10  }
0x27a: {  	s20 =	sor.u32 s24, s18;
	v10 =	vld.idx.msk [tilespmem:v11+s13+$0x0], $0xffff;
	[tilespmem:s26+$0x0] =	vst v6  }
0x27b: {  	s21 =	sor.u32 s25, s18;
	v11 =	vadd.s32 $0xC80, v1;
	v6 =	vld.idx.msk [tilespmem:v7+s13+$0x0], $0xffff;
	[tilespmem:s20+$0x0] =	vst v8  }
0x27c: {  	v7 =	vadd.s32 $0xD00, v2;
	v8 =	vld.idx.msk [tilespmem:v28+s13+$0x0], $0xffff;
	[tilespmem:s21+$0x0] =	vst v9  }
0x27d: {  	v9 =	vld.idx.msk [tilespmem:v31+s13+$0x0], $0xffff  }
0x27e: {  	s0 =	sor.u32 s22, s23;
	s17 =	sadd.s32 $0x5900, s29  }
0x27f: {  	s18 =	sor.u32 s30, s17;
	[tilespmem:s0+$0x0] =	vst v10  }
0x280: {  	s31 =	sor.u32 s24, s23;
	v10 =	vld.idx.msk [tilespmem:v11+s13+$0x0], $0xffff;
	[tilespmem:s18+$0x0] =	vst v6  }
0x281: {  	s16 =	sor.u32 s25, s23;
	v11 =	vadd.s32 $0xD00, v1;
	v6 =	vld.idx.msk [tilespmem:v7+s13+$0x0], $0xffff;
	[tilespmem:s31+$0x0] =	vst v8  }
0x282: {  	v8 =	vld.idx.msk [tilespmem:v20+s13+$0x0], $0xffff;
	[tilespmem:s16+$0x0] =	vst v9  }
0x283: {  	[tilespmem:s15+$0x0] =	vst v4;
	v9 =	vld.idx.msk [tilespmem:v27+s13+$0x0], $0xffff  }
0x284: {  	[tilespmem:s12+$0x0] =	vst v5;
	s0 =	sor.u32 s22, s17;
	s21 =	sadd.s32 $0x5980, s29  }
0x285: {  	s23 =	sor.u32 s30, s21;
	[tilespmem:s0+$0x0] =	vst v10  }
0x286: {  	s19 =	sor.u32 s24, s17;
	v7 =	vadd.s32 $0xD80, v2;
	v4 =	vld.idx.msk [tilespmem:v11+s13+$0x0], $0xffff;
	[tilespmem:s23+$0x0] =	vst v6  }
0x287: {  	v5 =	vadd.s32 $0xD80, v1;
	s20 =	sor.u32 s25, s17;
	[tilespmem:s19+$0x0] =	vst v8  }
0x288: {  	v6 =	vadd.s32 $0xE80, v63;
	v8 =	vld.idx.msk [tilespmem:v18+s13+$0x0], $0xffff;
	[tilespmem:s20+$0x0] =	vst v9  }
0x289: {  	v9 =	vld.idx.msk [tilespmem:v19+s13+$0x0], $0xffff  }
0x28a: {  	v10 =	vld.idx.msk [tilespmem:v26+s13+$0x0], $0xffff;
	s0 =	sor.u32 s22, s21  }
0x28b: {  	v7 =	vld.idx.msk [tilespmem:v7+s13+$0x0], $0xffff;
	[tilespmem:s0+$0x0] =	vst v4  }
0x28c: {  	[tilespmem:s7+$0x0] =	vst v3;
	s26 =	sor.u32 s24, s21;
	v3 =	vld.idx.msk [tilespmem:v5+s13+$0x0], $0xffff  }
0x28d: {  	s31 =	sor.u32 s25, s21;
	v6 =	vld.idx.msk [tilespmem:v6+s13+$0x0], $0xffff;
	[tilespmem:s26+$0x0] =	vst v8;
	v8 =	vadd.s32 $0xE00, v2  }
0x28e: {  	s12 =	sadd.s32 $0x5A00, s29;
	v11 =	vld.idx.msk [tilespmem:v16+s13+$0x0], $0xffff;
	[tilespmem:s31+$0x0] =	vst v9;
	v9 =	vadd.s32 $0xE00, v1  }
0x28f: {  	[tilespmem:s14+$0x0] =	vst v10;
	s14 =	sor.u32 s30, s12;
	v4 =	vld.idx.msk [tilespmem:v13+s13+$0x0], $0xffff  }
0x290: {  	s0 =	sor.u32 s22, s12;
	[tilespmem:s14+$0x0] =	vst v7  }
0x291: {  	v5 =	vld.idx.msk [tilespmem:v25+s13+$0x0], $0xffff;
	[tilespmem:s0+$0x0] =	vst v3  }
0x292: {  	s15 =	sor.u32 s24, s12;
	[tilespmem:s6+$0x0] =	vst v6;
	v7 =	vld.idx.msk [tilespmem:v8+s13+$0x0], $0xffff  }
0x293: {  	s16 =	sor.u32 s25, s12;
	v8 =	vadd.s32 $0xE80, v2;
	[tilespmem:s15+$0x0] =	vst v11;
	v3 =	vld.idx.msk [tilespmem:v9+s13+$0x0], $0xffff  }
0x294: {  	v6 =	vadd.s32 $0xE80, v1;
	v10 =	vld.idx.msk [tilespmem:v57+s13+$0x0], $0xffff;
	[tilespmem:s16+$0x0] =	vst v4  }
0x295: {  	s17 =	sadd.s32 $0x5A80, s29;
	v4 =	vld.idx.msk [tilespmem:v33+s13+$0x0], $0xffff  }
0x296: {  	s18 =	sor.u32 s30, s17;
	[tilespmem:s10+$0x0] =	vst v5;
	v5 =	vld.idx.msk [tilespmem:v23+s13+$0x0], $0xffff  }
0x297: {  	s0 =	sor.u32 s22, s17;
	v9 =	vadd.s32 $0xF00, v63;
	v11 =	vld.idx.msk [tilespmem:v24+s13+$0x0], $0xffff;
	[tilespmem:s18+$0x0] =	vst v7  }
0x298: {  	s19 =	sor.u32 s24, s17;
	v7 =	vld.idx.msk [tilespmem:v8+s13+$0x0], $0xffff;
	[tilespmem:s0+$0x0] =	vst v3  }
0x299: {  	s20 =	sor.u32 s25, s17;
	v8 =	vadd.s32 $0xF00, v2;
	[tilespmem:s19+$0x0] =	vst v10;
	v3 =	vld.idx.msk [tilespmem:v6+s13+$0x0], $0xffff  }
0x29a: {  	v6 =	vadd.s32 $0xF00, v1;
	v10 =	vld.idx.msk [tilespmem:v41+s13+$0x0], $0xffff;
	[tilespmem:s20+$0x0] =	vst v4  }
0x29b: {  	s21 =	sadd.s32 $0x5B00, s29;
	[tilespmem:s9+$0x0] =	vst v5;
	v4 =	vld.idx.msk [tilespmem:v42+s13+$0x0], $0xffff  }
0x29c: {  	s23 =	sor.u32 s30, s21;
	v5 =	vld.idx.msk [tilespmem:v9+s13+$0x0], $0xffff;
	[tilespmem:s8+$0x0] =	vst v11  }
0x29d: {  	v9 =	vld.idx.msk [tilespmem:v22+s13+$0x0], $0xffff;
	s0 =	sor.u32 s22, s21;
	[tilespmem:s23+$0x0] =	vst v7  }
0x29e: {  	v0 =	vadd.s32 $0xF80, v63;
	s26 =	sor.u32 s24, s21;
	v7 =	vld.idx.msk [tilespmem:v8+s13+$0x0], $0xffff;
	[tilespmem:s0+$0x0] =	vst v3  }
0x29f: {  	s31 =	sor.u32 s25, s21;
	v2 =	vadd.s32 $0xF80, v2;
	[tilespmem:s26+$0x0] =	vst v10;
	v3 =	vld.idx.msk [tilespmem:v6+s13+$0x0], $0xffff  }
0x2a0: {  	v1 =	vadd.s32 $0xF80, v1;
	v8 =	vld.idx.msk [tilespmem:v17+s13+$0x0], $0xffff;
	[tilespmem:s31+$0x0] =	vst v4  }
0x2a1: {  	s7 =	sadd.s32 $0x5B80, s29;
	[tilespmem:s4+$0x0] =	vst v5;
	v4 =	vld.idx.msk [tilespmem:v15+s13+$0x0], $0xffff  }
0x2a2: {  	s8 =	sor.u32 s30, s7;
	v5 =	vld.idx.msk [tilespmem:v21+s13+$0x0], $0xffff;
	[tilespmem:s2+$0x0] =	vst v9  }
0x2a3: {  	v0 =	vld.idx.msk [tilespmem:v0+s13+$0x0], $0xffff;
	s0 =	sor.u32 s22, s7;
	[tilespmem:s8+$0x0] =	vst v7  }
0x2a4: {  	s9 =	sor.u32 s24, s7;
	v2 =	vld.idx.msk [tilespmem:v2+s13+$0x0], $0xffff;
	[tilespmem:s0+$0x0] =	vst v3  }
0x2a5: {  	s10 =	sor.u32 s25, s7;
	[tilespmem:s9+$0x0] =	vst v8;
	v1 =	vld.idx.msk [tilespmem:v1+s13+$0x0], $0xffff  }
0x2a6: {  	v6 =	vld.idx.msk [tilespmem:v30+s13+$0x0], $0xffff;
	[tilespmem:s10+$0x0] =	vst v4  }
0x2a7: {  	s11 =	sadd.s32 $0x5C00, s29;
	[tilespmem:s5+$0x0] =	vst v5;
	v4 =	vld.idx.msk [tilespmem:v29+s13+$0x0], $0xffff  }
0x2a8: {  	s12 =	sor.u32 s30, s11;
	[tilespmem:s3+$0x0] =	vst v0  }
0x2a9: {  	s0 =	sor.u32 s22, s11;
	[tilespmem:s12+$0x0] =	vst v2  }
0x2aa: {  	s14 =	sor.u32 s24, s11;
	s17 =	simm.s32 $0x20000;
	s15 =	sor.u32 s25, s11;
	[tilespmem:s0+$0x0] =	vst v1  }
0x2ab: {  	s16 =	simm.s32 $0x1000;
	s18 =	simm.s32 $0x2880;
	s19 =	simm.s32 $0x0;
	[tilespmem:s14+$0x0] =	vst v6  }
0x2ac: {  	s21 =	simm.s32 $0x680;
	s30 =	sand.u32 $0x40, s19;
	s22 =	sand.u32 $0x180, s19;
	[tilespmem:s15+$0x0] =	vst v4  }
0x2ad: {  	s1 =	sor.u32 $0x30, s30;
	s23 =	sor.u32 $0x400, s22;
	s0 =	rddreg [dreg:$0x12]  }
0x2ae: {  	[hbm4b:s0+s16] =	stream.strided.scatter [tilespmem:s18], [sflag:$0x2], $0x4000, s17, s16, $0x38;
	[tilespmem:$0xA880] =	vst v63  }
0x2af: {  	s31 =	sor.u32 $0x10, s30;
	s20 =	rddreg [dreg:$0x14];
	s0 =	sor.u32 s1, s23  }
0x2b0: {  	[hbm4b:s20+s19] =	stream.linear.scatter [tilespmem:s21], [sflag:$0x2], $0x200, $0x38;
	[tilespmem:$0xA880] =	vst v63  }
0x2b1: {  	s24 =	sor.u32 s31, s23;
	v12 =	vld [tilespmem:s0+$0x0]  }
0x2b2: {  	v4 =	vld [tilespmem:s24+$0x0]  }
0x2b3: {  	s0 =	sor.u32 $0x20, s30  }
0x2b4: {  	s3 =	sor.u32 s0, s23  }
0x2b5: {  	s25 =	simm.s32 $0x400;
	v3 =	vld [tilespmem:s3+$0x0]  }
0x2b6: {  	v0 =	vld [tilespmem:s25+$0x0];
	v1 =	vadd.s32 $0x1000, v12  }
0x2b7: {  	v2 =	vadd.s32 $0x1000, v4;
	_ =	sdelay $0x2  }
0x2b8: {  	v5 =	vadd.s32 $0x1000, v3  }
0x2b9: {  	v6 =	vadd.s32 $0x1000, v0;
	v1 =	vld.idx.msk [tilespmem:v1+s13+$0x0], $0xffff  }
0x2ba: {  	v7 =	vadd.s32 $0x1080, v12;
	v2 =	vld.idx.msk [tilespmem:v2+s13+$0x0], $0xffff  }
0x2bb: {  	s11 =	sand.u32 $0xC00, s19;
	v8 =	vadd.s32 $0x1080, v4  }
0x2bc: {  	s2 =	sadd.s32 $0x6880, s11  }
0x2bd: {  	s26 =	sor.u32 s1, s2;
	v5 =	vld.idx.msk [tilespmem:v5+s13+$0x0], $0xffff  }
0x2be: {  	s4 =	sor.u32 s31, s2;
	v9 =	vadd.s32 $0x1080, v3;
	v6 =	vld.idx.msk [tilespmem:v6+s13+$0x0], $0xffff;
	[tilespmem:s26+$0x0] =	vst v1  }
0x2bf: {  	v1 =	vadd.s32 $0x1080, v0;
	[tilespmem:s4+$0x0] =	vst v2;
	v7 =	vld.idx.msk [tilespmem:v7+s13+$0x0], $0xffff  }
0x2c0: {  	v2 =	vadd.s32 $0x1100, v12;
	v8 =	vld.idx.msk [tilespmem:v8+s13+$0x0], $0xffff  }
0x2c1: {  	s5 =	sor.u32 s0, s2;
	v10 =	vadd.s32 $0x1100, v4  }
0x2c2: {  	s6 =	sadd.s32 $0x6900, s11;
	s2 =	sor.u32 s30, s2;
	[tilespmem:s5+$0x0] =	vst v5  }
0x2c3: {  	s7 =	sor.u32 s1, s6;
	[tilespmem:s2+$0x0] =	vst v6;
	v5 =	vld.idx.msk [tilespmem:v9+s13+$0x0], $0xffff  }
0x2c4: {  	s8 =	sor.u32 s31, s6;
	v6 =	vadd.s32 $0x1100, v3;
	v1 =	vld.idx.msk [tilespmem:v1+s13+$0x0], $0xffff;
	[tilespmem:s7+$0x0] =	vst v7  }
0x2c5: {  	v7 =	vadd.s32 $0x1100, v0;
	[tilespmem:s8+$0x0] =	vst v8;
	v2 =	vld.idx.msk [tilespmem:v2+s13+$0x0], $0xffff  }
0x2c6: {  	v8 =	vadd.s32 $0x1180, v12;
	v9 =	vld.idx.msk [tilespmem:v10+s13+$0x0], $0xffff  }
0x2c7: {  	s9 =	sor.u32 s0, s6;
	v10 =	vadd.s32 $0x1180, v4  }
0x2c8: {  	s10 =	sadd.s32 $0x6980, s11;
	s3 =	sor.u32 s30, s6;
	[tilespmem:s9+$0x0] =	vst v5  }
0x2c9: {  	s12 =	sor.u32 s1, s10;
	[tilespmem:s3+$0x0] =	vst v1;
	v1 =	vld.idx.msk [tilespmem:v6+s13+$0x0], $0xffff  }
0x2ca: {  	s14 =	sor.u32 s31, s10;
	v5 =	vadd.s32 $0x1180, v3;
	v6 =	vld.idx.msk [tilespmem:v7+s13+$0x0], $0xffff;
	[tilespmem:s12+$0x0] =	vst v2  }
0x2cb: {  	v2 =	vadd.s32 $0x1180, v0;
	[tilespmem:s14+$0x0] =	vst v9;
	v7 =	vld.idx.msk [tilespmem:v8+s13+$0x0], $0xffff  }
0x2cc: {  	v8 =	vadd.s32 $0x1200, v12;
	v9 =	vld.idx.msk [tilespmem:v10+s13+$0x0], $0xffff  }
0x2cd: {  	s15 =	sor.u32 s0, s10;
	v10 =	vadd.s32 $0x1200, v4  }
0x2ce: {  	s16 =	sadd.s32 $0x6A00, s11;
	s2 =	sor.u32 s30, s10;
	[tilespmem:s15+$0x0] =	vst v1  }
0x2cf: {  	s17 =	sor.u32 s1, s16;
	[tilespmem:s2+$0x0] =	vst v6;
	v1 =	vld.idx.msk [tilespmem:v5+s13+$0x0], $0xffff  }
0x2d0: {  	s18 =	sor.u32 s31, s16;
	v5 =	vadd.s32 $0x1200, v3;
	v2 =	vld.idx.msk [tilespmem:v2+s13+$0x0], $0xffff;
	[tilespmem:s17+$0x0] =	vst v7  }
0x2d1: {  	v6 =	vadd.s32 $0x1200, v0;
	[tilespmem:s18+$0x0] =	vst v9;
	v7 =	vld.idx.msk [tilespmem:v8+s13+$0x0], $0xffff  }
0x2d2: {  	v8 =	vadd.s32 $0x1280, v12;
	v9 =	vld.idx.msk [tilespmem:v10+s13+$0x0], $0xffff  }
0x2d3: {  	s19 =	sor.u32 s0, s16;
	v10 =	vadd.s32 $0x1280, v4  }
0x2d4: {  	s20 =	sadd.s32 $0x6A80, s11;
	s3 =	sor.u32 s30, s16;
	[tilespmem:s19+$0x0] =	vst v1  }
0x2d5: {  	s21 =	sor.u32 s1, s20;
	[tilespmem:s3+$0x0] =	vst v2;
	v1 =	vld.idx.msk [tilespmem:v5+s13+$0x0], $0xffff  }
0x2d6: {  	s22 =	sor.u32 s31, s20;
	v2 =	vadd.s32 $0x1280, v3;
	v5 =	vld.idx.msk [tilespmem:v6+s13+$0x0], $0xffff;
	[tilespmem:s21+$0x0] =	vst v7  }
0x2d7: {  	v6 =	vadd.s32 $0x1280, v0;
	[tilespmem:s22+$0x0] =	vst v9;
	v7 =	vld.idx.msk [tilespmem:v8+s13+$0x0], $0xffff  }
0x2d8: {  	v8 =	vadd.s32 $0x1300, v12;
	v9 =	vld.idx.msk [tilespmem:v10+s13+$0x0], $0xffff  }
0x2d9: {  	s23 =	sor.u32 s0, s20;
	v10 =	vadd.s32 $0x1300, v4  }
0x2da: {  	s24 =	sadd.s32 $0x6B00, s11;
	s2 =	sor.u32 s30, s20;
	[tilespmem:s23+$0x0] =	vst v1  }
0x2db: {  	s25 =	sor.u32 s1, s24;
	[tilespmem:s2+$0x0] =	vst v5;
	v1 =	vld.idx.msk [tilespmem:v2+s13+$0x0], $0xffff  }
0x2dc: {  	s26 =	sor.u32 s31, s24;
	v2 =	vadd.s32 $0x1300, v3;
	v5 =	vld.idx.msk [tilespmem:v6+s13+$0x0], $0xffff;
	[tilespmem:s25+$0x0] =	vst v7  }
0x2dd: {  	v6 =	vadd.s32 $0x1300, v0;
	[tilespmem:s26+$0x0] =	vst v9;
	v7 =	vld.idx.msk [tilespmem:v8+s13+$0x0], $0xffff  }
0x2de: {  	v8 =	vadd.s32 $0x1380, v12;
	v9 =	vld.idx.msk [tilespmem:v10+s13+$0x0], $0xffff  }
0x2df: {  	s4 =	sor.u32 s0, s24;
	v10 =	vadd.s32 $0x1380, v4  }
0x2e0: {  	s5 =	sadd.s32 $0x6B80, s11;
	s3 =	sor.u32 s30, s24;
	[tilespmem:s4+$0x0] =	vst v1  }
0x2e1: {  	s6 =	sor.u32 s1, s5;
	[tilespmem:s3+$0x0] =	vst v5;
	v1 =	vld.idx.msk [tilespmem:v2+s13+$0x0], $0xffff  }
0x2e2: {  	s7 =	sor.u32 s31, s5;
	v2 =	vadd.s32 $0x1380, v3;
	v5 =	vld.idx.msk [tilespmem:v6+s13+$0x0], $0xffff;
	[tilespmem:s6+$0x0] =	vst v7  }
0x2e3: {  	v6 =	vadd.s32 $0x1380, v0;
	[tilespmem:s7+$0x0] =	vst v9;
	v7 =	vld.idx.msk [tilespmem:v8+s13+$0x0], $0xffff  }
0x2e4: {  	v8 =	vadd.s32 $0x1400, v12;
	v9 =	vld.idx.msk [tilespmem:v10+s13+$0x0], $0xffff  }
0x2e5: {  	s8 =	sor.u32 s0, s5;
	v10 =	vadd.s32 $0x1400, v4  }
0x2e6: {  	s9 =	sadd.s32 $0x6C00, s11;
	s2 =	sor.u32 s30, s5;
	[tilespmem:s8+$0x0] =	vst v1  }
0x2e7: {  	s10 =	sor.u32 s1, s9;
	[tilespmem:s2+$0x0] =	vst v5;
	v1 =	vld.idx.msk [tilespmem:v2+s13+$0x0], $0xffff  }
0x2e8: {  	s12 =	sor.u32 s31, s9;
	v2 =	vadd.s32 $0x1400, v3;
	v5 =	vld.idx.msk [tilespmem:v6+s13+$0x0], $0xffff;
	[tilespmem:s10+$0x0] =	vst v7  }
0x2e9: {  	v6 =	vadd.s32 $0x1400, v0;
	[tilespmem:s12+$0x0] =	vst v9;
	v7 =	vld.idx.msk [tilespmem:v8+s13+$0x0], $0xffff  }
0x2ea: {  	v8 =	vadd.s32 $0x1480, v12;
	v9 =	vld.idx.msk [tilespmem:v10+s13+$0x0], $0xffff  }
0x2eb: {  	s14 =	sor.u32 s0, s9;
	v10 =	vadd.s32 $0x1480, v4  }
0x2ec: {  	s15 =	sadd.s32 $0x7880, s11;
	s3 =	sor.u32 s30, s9;
	[tilespmem:s14+$0x0] =	vst v1  }
0x2ed: {  	s16 =	sor.u32 s1, s15;
	[tilespmem:s3+$0x0] =	vst v5;
	v1 =	vld.idx.msk [tilespmem:v2+s13+$0x0], $0xffff  }
0x2ee: {  	s17 =	sor.u32 s31, s15;
	v2 =	vadd.s32 $0x1480, v3;
	v5 =	vld.idx.msk [tilespmem:v6+s13+$0x0], $0xffff;
	[tilespmem:s16+$0x0] =	vst v7  }
0x2ef: {  	v6 =	vadd.s32 $0x1480, v0;
	[tilespmem:s17+$0x0] =	vst v9;
	v7 =	vld.idx.msk [tilespmem:v8+s13+$0x0], $0xffff  }
0x2f0: {  	v8 =	vadd.s32 $0x1500, v12;
	v9 =	vld.idx.msk [tilespmem:v10+s13+$0x0], $0xffff  }
0x2f1: {  	s18 =	sor.u32 s0, s15;
	v10 =	vadd.s32 $0x1500, v4  }
0x2f2: {  	s19 =	sadd.s32 $0x7900, s11;
	s2 =	sor.u32 s30, s15;
	[tilespmem:s18+$0x0] =	vst v1  }
0x2f3: {  	s20 =	sor.u32 s1, s19;
	[tilespmem:s2+$0x0] =	vst v5;
	v1 =	vld.idx.msk [tilespmem:v2+s13+$0x0], $0xffff  }
0x2f4: {  	s21 =	sor.u32 s31, s19;
	v2 =	vadd.s32 $0x1500, v3;
	v5 =	vld.idx.msk [tilespmem:v6+s13+$0x0], $0xffff;
	[tilespmem:s20+$0x0] =	vst v7  }
0x2f5: {  	v6 =	vadd.s32 $0x1500, v0;
	[tilespmem:s21+$0x0] =	vst v9;
	v7 =	vld.idx.msk [tilespmem:v8+s13+$0x0], $0xffff  }
0x2f6: {  	v8 =	vadd.s32 $0x1580, v12;
	v9 =	vld.idx.msk [tilespmem:v10+s13+$0x0], $0xffff  }
0x2f7: {  	s22 =	sor.u32 s0, s19;
	v10 =	vadd.s32 $0x1580, v4  }
0x2f8: {  	s23 =	sadd.s32 $0x7980, s11;
	s3 =	sor.u32 s30, s19;
	[tilespmem:s22+$0x0] =	vst v1  }
0x2f9: {  	s24 =	sor.u32 s1, s23;
	[tilespmem:s3+$0x0] =	vst v5;
	v1 =	vld.idx.msk [tilespmem:v2+s13+$0x0], $0xffff  }
0x2fa: {  	s25 =	sor.u32 s31, s23;
	v2 =	vadd.s32 $0x1580, v3;
	v5 =	vld.idx.msk [tilespmem:v6+s13+$0x0], $0xffff;
	[tilespmem:s24+$0x0] =	vst v7  }
0x2fb: {  	v6 =	vadd.s32 $0x1580, v0;
	[tilespmem:s25+$0x0] =	vst v9;
	v7 =	vld.idx.msk [tilespmem:v8+s13+$0x0], $0xffff  }
0x2fc: {  	v8 =	vadd.s32 $0x1600, v12;
	v9 =	vld.idx.msk [tilespmem:v10+s13+$0x0], $0xffff  }
0x2fd: {  	s26 =	sor.u32 s0, s23;
	v10 =	vadd.s32 $0x1600, v4  }
0x2fe: {  	s4 =	sadd.s32 $0x7A00, s11;
	s2 =	sor.u32 s30, s23;
	[tilespmem:s26+$0x0] =	vst v1  }
0x2ff: {  	s5 =	sor.u32 s1, s4;
	[tilespmem:s2+$0x0] =	vst v5;
	v1 =	vld.idx.msk [tilespmem:v2+s13+$0x0], $0xffff  }
0x300: {  	s6 =	sor.u32 s31, s4;
	v2 =	vadd.s32 $0x1600, v3;
	v5 =	vld.idx.msk [tilespmem:v6+s13+$0x0], $0xffff;
	[tilespmem:s5+$0x0] =	vst v7  }
0x301: {  	v6 =	vadd.s32 $0x1600, v0;
	[tilespmem:s6+$0x0] =	vst v9;
	v7 =	vld.idx.msk [tilespmem:v8+s13+$0x0], $0xffff  }
0x302: {  	v8 =	vadd.s32 $0x1680, v12;
	v9 =	vld.idx.msk [tilespmem:v10+s13+$0x0], $0xffff  }
0x303: {  	s7 =	sor.u32 s0, s4;
	v10 =	vadd.s32 $0x1680, v4  }
0x304: {  	s8 =	sadd.s32 $0x7A80, s11;
	s3 =	sor.u32 s30, s4;
	[tilespmem:s7+$0x0] =	vst v1  }
0x305: {  	s9 =	sor.u32 s1, s8;
	[tilespmem:s3+$0x0] =	vst v5;
	v1 =	vld.idx.msk [tilespmem:v2+s13+$0x0], $0xffff  }
0x306: {  	s10 =	sor.u32 s31, s8;
	v2 =	vadd.s32 $0x1680, v3;
	v5 =	vld.idx.msk [tilespmem:v6+s13+$0x0], $0xffff;
	[tilespmem:s9+$0x0] =	vst v7  }
0x307: {  	v6 =	vadd.s32 $0x1680, v0;
	[tilespmem:s10+$0x0] =	vst v9;
	v7 =	vld.idx.msk [tilespmem:v8+s13+$0x0], $0xffff  }
0x308: {  	v8 =	vadd.s32 $0x1700, v12;
	v9 =	vld.idx.msk [tilespmem:v10+s13+$0x0], $0xffff  }
0x309: {  	s12 =	sor.u32 s0, s8;
	v10 =	vadd.s32 $0x1700, v4  }
0x30a: {  	s14 =	sadd.s32 $0x7B00, s11;
	s2 =	sor.u32 s30, s8;
	[tilespmem:s12+$0x0] =	vst v1  }
0x30b: {  	s15 =	sor.u32 s1, s14;
	[tilespmem:s2+$0x0] =	vst v5;
	v1 =	vld.idx.msk [tilespmem:v2+s13+$0x0], $0xffff  }
0x30c: {  	s16 =	sor.u32 s31, s14;
	v2 =	vadd.s32 $0x1700, v3;
	v5 =	vld.idx.msk [tilespmem:v6+s13+$0x0], $0xffff;
	[tilespmem:s15+$0x0] =	vst v7  }
0x30d: {  	v6 =	vadd.s32 $0x1700, v0;
	[tilespmem:s16+$0x0] =	vst v9;
	v7 =	vld.idx.msk [tilespmem:v8+s13+$0x0], $0xffff  }
0x30e: {  	v8 =	vadd.s32 $0x1780, v12;
	v9 =	vld.idx.msk [tilespmem:v10+s13+$0x0], $0xffff  }
0x30f: {  	s17 =	sor.u32 s0, s14;
	v10 =	vadd.s32 $0x1780, v4  }
0x310: {  	s18 =	sadd.s32 $0x7B80, s11;
	s3 =	sor.u32 s30, s14;
	[tilespmem:s17+$0x0] =	vst v1  }
0x311: {  	s19 =	sor.u32 s1, s18;
	[tilespmem:s3+$0x0] =	vst v5;
	v1 =	vld.idx.msk [tilespmem:v2+s13+$0x0], $0xffff  }
0x312: {  	s20 =	sor.u32 s31, s18;
	v2 =	vadd.s32 $0x1780, v3;
	v5 =	vld.idx.msk [tilespmem:v6+s13+$0x0], $0xffff;
	[tilespmem:s19+$0x0] =	vst v7  }
0x313: {  	v6 =	vadd.s32 $0x1780, v0;
	[tilespmem:s20+$0x0] =	vst v9;
	v7 =	vld.idx.msk [tilespmem:v8+s13+$0x0], $0xffff  }
0x314: {  	v8 =	vadd.s32 $0x1800, v12;
	v9 =	vld.idx.msk [tilespmem:v10+s13+$0x0], $0xffff  }
0x315: {  	s21 =	sor.u32 s0, s18;
	s25 =	simm.s32 $0x440;
	v10 =	vadd.s32 $0x1800, v4  }
0x316: {  	s22 =	sadd.s32 $0x7C00, s11;
	s2 =	sor.u32 s30, s18;
	[tilespmem:s21+$0x0] =	vst v1;
	v1 =	vld [tilespmem:s25+$0x0]  }
0x317: {  	s23 =	sor.u32 s1, s22;
	[tilespmem:s2+$0x0] =	vst v5;
	v2 =	vld.idx.msk [tilespmem:v2+s13+$0x0], $0xffff  }
0x318: {  	s24 =	sor.u32 s31, s22;
	s26 =	sor.u32 s0, s22;
	s16 =	simm.s32 $0x40;
	v5 =	vadd.s32 $0x1800, v3;
	v6 =	vld.idx.msk [tilespmem:v6+s13+$0x0], $0xffff;
	[tilespmem:s23+$0x0] =	vst v7  }
0x319: {  	s5 =	sor.u32 s30, s22;
	s22 =	sand.u32 $0x40, s16;
	s8 =	sand.u32 $0x180, s16;
	v7 =	vadd.s32 $0x1800, v0;
	[tilespmem:s24+$0x0] =	vst v9;
	v8 =	vld.idx.msk [tilespmem:v8+s13+$0x0], $0xffff  }
0x31a: {  	s9 =	sor.u32 $0x400, s8;
	s25 =	sor.u32 $0x10, s22;
	v9 =	vadd.s32 $0x1880, v12;
	v10 =	vld.idx.msk [tilespmem:v10+s13+$0x0], $0xffff  }
0x31b: {  	v11 =	vadd.s32 $0x1880, v4;
	s14 =	sor.u32 s25, s9  }
0x31c: {  	s6 =	sadd.s32 $0x8880, s11;
	v28 =	vld [tilespmem:s14+$0x0];
	[tilespmem:s26+$0x0] =	vst v2  }
0x31d: {  	s7 =	sor.u32 s1, s6;
	[tilespmem:s5+$0x0] =	vst v6;
	v5 =	vld.idx.msk [tilespmem:v5+s13+$0x0], $0xffff  }
0x31e: {  	s10 =	sor.u32 s31, s6;
	v6 =	vld.idx.msk [tilespmem:v7+s13+$0x0], $0xffff;
	[tilespmem:s7+$0x0] =	vst v8  }
0x31f: {  	s23 =	sor.u32 $0x30, s22;
	[tilespmem:s10+$0x0] =	vst v10;
	v7 =	vld.idx.msk [tilespmem:v9+s13+$0x0], $0xffff  }
0x320: {  	s12 =	sor.u32 s23, s9;
	v9 =	vadd.s32 $0x1880, v3;
	v10 =	vld.idx.msk [tilespmem:v11+s13+$0x0], $0xffff  }
0x321: {  	s18 =	sor.u32 s0, s6;
	s24 =	sor.u32 $0x20, s22;
	v2 =	vld [tilespmem:s12+$0x0];
	v8 =	vadd.s32 $0x1900, v12  }
0x322: {  	s15 =	sadd.s32 $0x8900, s11;
	s19 =	sor.u32 s30, s6;
	s2 =	sor.u32 s24, s9;
	v11 =	vadd.s32 $0x1880, v0;
	[tilespmem:s18+$0x0] =	vst v5  }
0x323: {  	v13 =	vadd.s32 $0x1900, v4;
	s17 =	sor.u32 s1, s15;
	v50 =	vld [tilespmem:s2+$0x0];
	[tilespmem:s19+$0x0] =	vst v6  }
0x324: {  	s20 =	sor.u32 s31, s15;
	[tilespmem:s17+$0x0] =	vst v7;
	v7 =	vadd.s32 $0x1000, v1  }
0x325: {  	v6 =	vld.idx.msk [tilespmem:v9+s13+$0x0], $0xffff;
	[tilespmem:s20+$0x0] =	vst v10;
	v10 =	vadd.s32 $0x1000, v28  }
0x326: {  	v5 =	vld.idx.msk [tilespmem:v8+s13+$0x0], $0xffff;
	v8 =	vadd.s32 $0x1000, v2  }
0x327: {  	v9 =	vadd.s32 $0x1980, v12;
	v11 =	vld.idx.msk [tilespmem:v11+s13+$0x0], $0xffff  }
0x328: {  	v14 =	vadd.s32 $0x1000, v50;
	v13 =	vld.idx.msk [tilespmem:v13+s13+$0x0], $0xffff  }
0x329: {  	v15 =	vadd.s32 $0x1900, v3;
	s8 =	sor.u32 s0, s15;
	s21 =	sadd.s32 $0x8980, s11;
	v7 =	vld.idx.msk [tilespmem:v7+s13+$0x0], $0xffff  }
0x32a: {  	v16 =	vadd.s32 $0x1900, v0;
	s7 =	sor.u32 s1, s21;
	v10 =	vld.idx.msk [tilespmem:v10+s13+$0x0], $0xffff;
	[tilespmem:s8+$0x0] =	vst v6  }
0x32b: {  	s9 =	simm.s32 $0x200;
	s10 =	simm.s32 $0x200;
	v8 =	vld.idx.msk [tilespmem:v8+s13+$0x0], $0xffff;
	[tilespmem:s7+$0x0] =	vst v5;
	v5 =	vadd.s32 $0x1980, v4  }
0x32c: {  	s4 =	sor.u32 s30, s15;
	s26 =	sand.u32 $0xC00, s9;
	v17 =	vadd.s32 $0x1080, v2;
	v9 =	vld.idx.msk [tilespmem:v9+s13+$0x0], $0xffff;
	[dreg:$0x8] =	wrdreg s10  }
0x32d: {  	s12 =	sor.u32 s31, s21;
	s5 =	sadd.s32 $0x6880, s26;
	v6 =	vld.idx.msk [tilespmem:v14+s13+$0x0], $0xffff;
	v14 =	vadd.s32 $0x1A00, v12;
	[tilespmem:s4+$0x0] =	vst v11  }
0x32e: {  	v18 =	vadd.s32 $0x1080, v28;
	s17 =	sor.u32 s25, s5;
	v11 =	vld.idx.msk [tilespmem:v15+s13+$0x0], $0xffff;
	[tilespmem:s12+$0x0] =	vst v13  }
0x32f: {  	s14 =	sor.u32 s23, s5;
	v15 =	vadd.s32 $0x1080, v50;
	s4 =	sadd.s32 $0x8A00, s11;
	v13 =	vld.idx.msk [tilespmem:v16+s13+$0x0], $0xffff;
	[tilespmem:s17+$0x0] =	vst v10  }
0x330: {  	v16 =	vadd.s32 $0x1080, v1;
	s15 =	sor.u32 s1, s4;
	[tilespmem:s14+$0x0] =	vst v8;
	v5 =	vld.idx.msk [tilespmem:v5+s13+$0x0], $0xffff  }
0x331: {  	s18 =	sor.u32 s24, s5;
	s5 =	sor.u32 s22, s5;
	v8 =	vadd.s32 $0x1980, v3;
	v17 =	vld.idx.msk [tilespmem:v17+s13+$0x0], $0xffff;
	[tilespmem:s15+$0x0] =	vst v9  }
0x332: {  	[tilespmem:s5+$0x0] =	vst v7;
	v9 =	vadd.s32 $0x1980, v0;
	v10 =	vld.idx.msk [tilespmem:v14+s13+$0x0], $0xffff  }
0x333: {  	s19 =	sor.u32 s0, s21;
	v14 =	vld.idx.msk [tilespmem:v18+s13+$0x0], $0xffff;
	[tilespmem:s18+$0x0] =	vst v6;
	v6 =	vadd.s32 $0x1100, v2  }
0x334: {  	s2 =	sor.u32 s30, s21;
	[tilespmem:s19+$0x0] =	vst v11;
	v7 =	vld.idx.msk [tilespmem:v15+s13+$0x0], $0xffff;
	v15 =	vadd.s32 $0x1A80, v12  }
0x335: {  	s20 =	sadd.s32 $0x6900, s26;
	s9 =	sor.u32 s31, s4;
	v18 =	vadd.s32 $0x1100, v28;
	v16 =	vld.idx.msk [tilespmem:v16+s13+$0x0], $0xffff;
	[tilespmem:s2+$0x0] =	vst v13  }
0x336: {  	s3 =	sadd.s32 $0x8A80, s11;
	s21 =	sor.u32 s23, s20;
	v11 =	vadd.s32 $0x1100, v50;
	v8 =	vld.idx.msk [tilespmem:v8+s13+$0x0], $0xffff;
	[tilespmem:s9+$0x0] =	vst v5  }
0x337: {  	s6 =	sor.u32 s1, s3;
	v13 =	vadd.s32 $0x1100, v1;
	[tilespmem:s21+$0x0] =	vst v17;
	v9 =	vld.idx.msk [tilespmem:v9+s13+$0x0], $0xffff  }
0x338: {  	s7 =	sor.u32 s25, s20;
	v17 =	vadd.s32 $0x1A00, v4;
	v6 =	vld.idx.msk [tilespmem:v6+s13+$0x0], $0xffff;
	[tilespmem:s6+$0x0] =	vst v10  }
0x339: {  	s8 =	sor.u32 s24, s20;
	v10 =	vadd.s32 $0x1A00, v3;
	[tilespmem:s7+$0x0] =	vst v14;
	v14 =	vld.idx.msk [tilespmem:v15+s13+$0x0], $0xffff  }
0x33a: {  	s5 =	sor.u32 s22, s20;
	v15 =	vld.idx.msk [tilespmem:v18+s13+$0x0], $0xffff;
	[tilespmem:s8+$0x0] =	vst v7;
	v7 =	vadd.s32 $0x1180, v2  }
0x33b: {  	s10 =	sor.u32 s0, s4;
	[tilespmem:s5+$0x0] =	vst v16;
	v16 =	vadd.s32 $0x1B00, v12;
	v11 =	vld.idx.msk [tilespmem:v11+s13+$0x0], $0xffff  }
0x33c: {  	s12 =	sadd.s32 $0x6980, s26;
	s4 =	sor.u32 s30, s4;
	v18 =	vadd.s32 $0x1180, v28;
	v13 =	vld.idx.msk [tilespmem:v13+s13+$0x0], $0xffff;
	[tilespmem:s10+$0x0] =	vst v8  }
0x33d: {  	s14 =	sor.u32 s23, s12;
	s2 =	sadd.s32 $0x8B00, s11;
	v5 =	vadd.s32 $0x1180, v50;
	v17 =	vld.idx.msk [tilespmem:v17+s13+$0x0], $0xffff;
	[tilespmem:s4+$0x0] =	vst v9  }
0x33e: {  	s15 =	sor.u32 s1, s2;
	v8 =	vadd.s32 $0x1180, v1;
	[tilespmem:s14+$0x0] =	vst v6;
	v6 =	vld.idx.msk [tilespmem:v10+s13+$0x0], $0xffff  }
0x33f: {  	s17 =	sor.u32 s25, s12;
	v10 =	vadd.s32 $0x1A00, v0;
	v7 =	vld.idx.msk [tilespmem:v7+s13+$0x0], $0xffff;
	[tilespmem:s15+$0x0] =	vst v14  }
0x340: {  	s18 =	sor.u32 s24, s12;
	v14 =	vadd.s32 $0x1A80, v4;
	[tilespmem:s17+$0x0] =	vst v15;
	v15 =	vld.idx.msk [tilespmem:v16+s13+$0x0], $0xffff  }
0x341: {  	s6 =	sor.u32 s22, s12;
	v16 =	vld.idx.msk [tilespmem:v18+s13+$0x0], $0xffff;
	[tilespmem:s18+$0x0] =	vst v11;
	v11 =	vadd.s32 $0x1200, v2  }
0x342: {  	s19 =	sor.u32 s31, s3;
	[tilespmem:s6+$0x0] =	vst v13;
	v13 =	vadd.s32 $0x1B80, v12;
	v5 =	vld.idx.msk [tilespmem:v5+s13+$0x0], $0xffff  }
0x343: {  	s20 =	sadd.s32 $0x6A00, s26;
	s10 =	sor.u32 s0, s3;
	v18 =	vadd.s32 $0x1200, v28;
	v8 =	vld.idx.msk [tilespmem:v8+s13+$0x0], $0xffff;
	[tilespmem:s19+$0x0] =	vst v17  }
0x344: {  	s21 =	sor.u32 s23, s20;
	v9 =	vadd.s32 $0x1200, v50;
	s4 =	sadd.s32 $0x8B80, s11;
	v10 =	vld.idx.msk [tilespmem:v10+s13+$0x0], $0xffff;
	[tilespmem:s10+$0x0] =	vst v6  }
0x345: {  	s7 =	sor.u32 s1, s4;
	v17 =	vadd.s32 $0x1200, v1;
	[tilespmem:s21+$0x0] =	vst v7;
	v7 =	vld.idx.msk [tilespmem:v14+s13+$0x0], $0xffff  }
0x346: {  	s8 =	sor.u32 s25, s20;
	v14 =	vadd.s32 $0x1A80, v3;
	v11 =	vld.idx.msk [tilespmem:v11+s13+$0x0], $0xffff;
	[tilespmem:s7+$0x0] =	vst v15  }
0x347: {  	s9 =	sor.u32 s24, s20;
	[tilespmem:s8+$0x0] =	vst v16;
	v15 =	vadd.s32 $0x1A80, v0;
	v13 =	vld.idx.msk [tilespmem:v13+s13+$0x0], $0xffff  }
0x348: {  	s6 =	sor.u32 s22, s20;
	v16 =	vld.idx.msk [tilespmem:v18+s13+$0x0], $0xffff;
	[tilespmem:s9+$0x0] =	vst v5;
	v5 =	vadd.s32 $0x1280, v2  }
0x349: {  	s3 =	sor.u32 s30, s3;
	[tilespmem:s6+$0x0] =	vst v8;
	v8 =	vld.idx.msk [tilespmem:v9+s13+$0x0], $0xffff;
	v9 =	vadd.s32 $0x1C00, v12  }
0x34a: {  	s12 =	sadd.s32 $0x6A80, s26;
	s19 =	sor.u32 s31, s2;
	v18 =	vadd.s32 $0x1280, v28;
	v17 =	vld.idx.msk [tilespmem:v17+s13+$0x0], $0xffff;
	[tilespmem:s3+$0x0] =	vst v10  }
0x34b: {  	s5 =	sadd.s32 $0x8C00, s11;
	s14 =	sor.u32 s23, s12;
	v6 =	vadd.s32 $0x1280, v50;
	v10 =	vld.idx.msk [tilespmem:v14+s13+$0x0], $0xffff;
	[tilespmem:s19+$0x0] =	vst v7  }
0x34c: {  	s15 =	sor.u32 s1, s5;
	v14 =	vadd.s32 $0x1280, v1;
	[tilespmem:s14+$0x0] =	vst v11;
	v11 =	vld.idx.msk [tilespmem:v15+s13+$0x0], $0xffff  }
0x34d: {  	s17 =	sor.u32 s25, s12;
	v15 =	vadd.s32 $0x1B00, v4;
	v5 =	vld.idx.msk [tilespmem:v5+s13+$0x0], $0xffff;
	[tilespmem:s15+$0x0] =	vst v13  }
0x34e: {  	s18 =	sor.u32 s24, s12;
	v13 =	vadd.s32 $0x1B00, v3;
	[tilespmem:s17+$0x0] =	vst v16;
	v9 =	vld.idx.msk [tilespmem:v9+s13+$0x0], $0xffff  }
0x34f: {  	s6 =	sor.u32 s22, s12;
	v16 =	vld.idx.msk [tilespmem:v18+s13+$0x0], $0xffff;
	[tilespmem:s18+$0x0] =	vst v8;
	v8 =	vadd.s32 $0x1300, v2  }
0x350: {  	s20 =	sor.u32 s0, s2;
	[tilespmem:s6+$0x0] =	vst v17;
	v17 =	vadd.s32 $0x1C80, v12;
	v6 =	vld.idx.msk [tilespmem:v6+s13+$0x0], $0xffff  }
0x351: {  	s2 =	sor.u32 s30, s2;
	s21 =	sadd.s32 $0x6B00, s26;
	v18 =	vadd.s32 $0x1300, v28;
	v14 =	vld.idx.msk [tilespmem:v14+s13+$0x0], $0xffff;
	[tilespmem:s20+$0x0] =	vst v10  }
0x352: {  	s9 =	sor.u32 s23, s21;
	s3 =	sadd.s32 $0x9880, s11;
	v7 =	vadd.s32 $0x1300, v50;
	v15 =	vld.idx.msk [tilespmem:v15+s13+$0x0], $0xffff;
	[tilespmem:s2+$0x0] =	vst v11  }
0x353: {  	s10 =	sor.u32 s1, s3;
	v10 =	vadd.s32 $0x1300, v1;
	[tilespmem:s9+$0x0] =	vst v5;
	v5 =	vld.idx.msk [tilespmem:v13+s13+$0x0], $0xffff  }
0x354: {  	s12 =	sor.u32 s25, s21;
	v13 =	vadd.s32 $0x1B00, v0;
	v8 =	vld.idx.msk [tilespmem:v8+s13+$0x0], $0xffff;
	[tilespmem:s10+$0x0] =	vst v9  }
0x355: {  	s14 =	sor.u32 s24, s21;
	v9 =	vadd.s32 $0x1B80, v4;
	[tilespmem:s12+$0x0] =	vst v16;
	v16 =	vld.idx.msk [tilespmem:v17+s13+$0x0], $0xffff  }
0x356: {  	s7 =	sor.u32 s22, s21;
	v17 =	vld.idx.msk [tilespmem:v18+s13+$0x0], $0xffff;
	[tilespmem:s14+$0x0] =	vst v6;
	v6 =	vadd.s32 $0x1380, v2  }
0x357: {  	s15 =	sor.u32 s31, s4;
	[tilespmem:s7+$0x0] =	vst v14;
	v7 =	vld.idx.msk [tilespmem:v7+s13+$0x0], $0xffff;
	v14 =	vadd.s32 $0x1D00, v12  }
0x358: {  	s17 =	sadd.s32 $0x6B80, s26;
	s9 =	sor.u32 s0, s4;
	v18 =	vadd.s32 $0x1380, v28;
	v10 =	vld.idx.msk [tilespmem:v10+s13+$0x0], $0xffff;
	[tilespmem:s15+$0x0] =	vst v15  }
0x359: {  	s18 =	sor.u32 s23, s17;
	v11 =	vadd.s32 $0x1380, v50;
	s2 =	sadd.s32 $0x9900, s11;
	v13 =	vld.idx.msk [tilespmem:v13+s13+$0x0], $0xffff;
	[tilespmem:s9+$0x0] =	vst v5  }
0x35a: {  	s19 =	sor.u32 s1, s2;
	v15 =	vadd.s32 $0x1380, v1;
	[tilespmem:s18+$0x0] =	vst v8;
	v8 =	vld.idx.msk [tilespmem:v9+s13+$0x0], $0xffff  }
0x35b: {  	s20 =	sor.u32 s25, s17;
	v9 =	vadd.s32 $0x1B80, v3;
	v6 =	vld.idx.msk [tilespmem:v6+s13+$0x0], $0xffff;
	[tilespmem:s19+$0x0] =	vst v16  }
0x35c: {  	s21 =	sor.u32 s24, s17;
	[tilespmem:s20+$0x0] =	vst v17;
	v16 =	vadd.s32 $0x1B80, v0;
	v14 =	vld.idx.msk [tilespmem:v14+s13+$0x0], $0xffff  }
0x35d: {  	s7 =	sor.u32 s22, s17;
	v17 =	vld.idx.msk [tilespmem:v18+s13+$0x0], $0xffff;
	[tilespmem:s21+$0x0] =	vst v7;
	v7 =	vadd.s32 $0x1400, v2  }
0x35e: {  	s4 =	sor.u32 s30, s4;
	[tilespmem:s7+$0x0] =	vst v10;
	v10 =	vld.idx.msk [tilespmem:v11+s13+$0x0], $0xffff;
	v11 =	vadd.s32 $0x1D80, v12  }
0x35f: {  	s10 =	sadd.s32 $0x6C00, s26;
	s18 =	sor.u32 s31, s5;
	v18 =	vadd.s32 $0x1400, v28;
	v15 =	vld.idx.msk [tilespmem:v15+s13+$0x0], $0xffff;
	[tilespmem:s4+$0x0] =	vst v13  }
0x360: {  	s12 =	sor.u32 s23, s10;
	v5 =	vadd.s32 $0x1400, v50;
	s4 =	sadd.s32 $0x9980, s11;
	v9 =	vld.idx.msk [tilespmem:v9+s13+$0x0], $0xffff;
	[tilespmem:s18+$0x0] =	vst v8  }
0x361: {  	v13 =	vadd.s32 $0x1400, v1;
	s14 =	sor.u32 s1, s4;
	[tilespmem:s12+$0x0] =	vst v6;
	v6 =	vld.idx.msk [tilespmem:v16+s13+$0x0], $0xffff  }
0x362: {  	s15 =	sor.u32 s25, s10;
	v16 =	vadd.s32 $0x1C00, v4;
	v7 =	vld.idx.msk [tilespmem:v7+s13+$0x0], $0xffff;
	[tilespmem:s14+$0x0] =	vst v14  }
0x363: {  	s17 =	sor.u32 s24, s10;
	v14 =	vadd.s32 $0x1C00, v3;
	[tilespmem:s15+$0x0] =	vst v17;
	v11 =	vld.idx.msk [tilespmem:v11+s13+$0x0], $0xffff  }
0x364: {  	s7 =	sor.u32 s22, s10;
	v17 =	vld.idx.msk [tilespmem:v18+s13+$0x0], $0xffff;
	[tilespmem:s17+$0x0] =	vst v10;
	v10 =	vadd.s32 $0x1480, v2  }
0x365: {  	s19 =	sor.u32 s0, s5;
	[tilespmem:s7+$0x0] =	vst v15;
	v5 =	vld.idx.msk [tilespmem:v5+s13+$0x0], $0xffff;
	v15 =	vadd.s32 $0x1E00, v12  }
0x366: {  	s20 =	sadd.s32 $0x7880, s26;
	s5 =	sor.u32 s30, s5;
	v18 =	vadd.s32 $0x1480, v28;
	v13 =	vld.idx.msk [tilespmem:v13+s13+$0x0], $0xffff;
	[tilespmem:s19+$0x0] =	vst v9  }
0x367: {  	s6 =	sadd.s32 $0x9A00, s11;
	s21 =	sor.u32 s23, s20;
	v8 =	vadd.s32 $0x1480, v50;
	v16 =	vld.idx.msk [tilespmem:v16+s13+$0x0], $0xffff;
	[tilespmem:s5+$0x0] =	vst v6  }
0x368: {  	s10 =	sor.u32 s1, s6;
	v9 =	vadd.s32 $0x1480, v1;
	[tilespmem:s21+$0x0] =	vst v7;
	v7 =	vld.idx.msk [tilespmem:v14+s13+$0x0], $0xffff  }
0x369: {  	s12 =	sor.u32 s25, s20;
	v14 =	vadd.s32 $0x1C00, v0;
	v10 =	vld.idx.msk [tilespmem:v10+s13+$0x0], $0xffff;
	[tilespmem:s10+$0x0] =	vst v11  }
0x36a: {  	s14 =	sor.u32 s24, s20;
	v11 =	vadd.s32 $0x1C80, v4;
	[tilespmem:s12+$0x0] =	vst v17;
	v15 =	vld.idx.msk [tilespmem:v15+s13+$0x0], $0xffff  }
0x36b: {  	s8 =	sor.u32 s22, s20;
	v17 =	vld.idx.msk [tilespmem:v18+s13+$0x0], $0xffff;
	[tilespmem:s14+$0x0] =	vst v5;
	v5 =	vadd.s32 $0x1500, v2  }
0x36c: {  	s15 =	sor.u32 s31, s3;
	[tilespmem:s8+$0x0] =	vst v13;
	v8 =	vld.idx.msk [tilespmem:v8+s13+$0x0], $0xffff;
	v13 =	vadd.s32 $0x1E80, v12  }
0x36d: {  	s17 =	sadd.s32 $0x7900, s26;
	s12 =	sor.u32 s0, s3;
	v18 =	vadd.s32 $0x1500, v28;
	v9 =	vld.idx.msk [tilespmem:v9+s13+$0x0], $0xffff;
	[tilespmem:s15+$0x0] =	vst v16  }
0x36e: {  	s18 =	sor.u32 s23, s17;
	s7 =	sadd.s32 $0x9A80, s11;
	v6 =	vadd.s32 $0x1500, v50;
	v14 =	vld.idx.msk [tilespmem:v14+s13+$0x0], $0xffff;
	[tilespmem:s12+$0x0] =	vst v7  }
0x36f: {  	s19 =	sor.u32 s1, s7;
	v16 =	vadd.s32 $0x1500, v1;
	[tilespmem:s18+$0x0] =	vst v10;
	v10 =	vld.idx.msk [tilespmem:v11+s13+$0x0], $0xffff  }
0x370: {  	s20 =	sor.u32 s25, s17;
	v11 =	vadd.s32 $0x1C80, v3;
	v20 =	vld.idx.msk [tilespmem:v5+s13+$0x0], $0xffff;
	[tilespmem:s19+$0x0] =	vst v15  }
0x371: {  	v19 =	vadd.s32 $0x1D00, v4;
	v29 =	vadd.s32 $0x1E00, v4;
	s21 =	sor.u32 s24, s17;
	[tilespmem:s20+$0x0] =	vst v17;
	v17 =	vadd.s32 $0x1C80, v0;
	v13 =	vld.idx.msk [tilespmem:v13+s13+$0x0], $0xffff  }
0x372: {  	v27 =	vadd.s32 $0x1E80, v4;
	v24 =	vadd.s32 $0x1F00, v4;
	s10 =	sor.u32 s22, s17;
	v18 =	vld.idx.msk [tilespmem:v18+s13+$0x0], $0xffff;
	[tilespmem:s21+$0x0] =	vst v8;
	v8 =	vadd.s32 $0x1580, v2  }
0x373: {  	v23 =	vadd.s32 $0x1F80, v4;
	v32 =	vadd.s32 $0x1D80, v3;
	s3 =	sor.u32 s30, s3;
	s14 =	sadd.s32 $0x7980, s26;
	[tilespmem:s10+$0x0] =	vst v9;
	v6 =	vld.idx.msk [tilespmem:v6+s13+$0x0], $0xffff;
	v9 =	vadd.s32 $0x1F00, v12  }
0x374: {  	v30 =	vadd.s32 $0x1E00, v3;
	v26 =	vadd.s32 $0x1E80, v3;
	v21 =	vadd.s32 $0x1580, v28;
	s17 =	sor.u32 s23, s14;
	s8 =	sadd.s32 $0x9B00, s11;
	v16 =	vld.idx.msk [tilespmem:v16+s13+$0x0], $0xffff;
	[tilespmem:s3+$0x0] =	vst v14  }
0x375: {  	v61 =	vadd.s32 $0x1F00, v3;
	s18 =	sor.u32 s1, s8;
	v5 =	vadd.s32 $0x1D80, v4;
	v4 =	vadd.s32 $0x1580, v50;
	v7 =	vld.idx.msk [tilespmem:v11+s13+$0x0], $0xffff;
	[tilespmem:s17+$0x0] =	vst v20  }
0x376: {  	v22 =	vadd.s32 $0x1F80, v3;
	v15 =	vadd.s32 $0x1D00, v3;
	v3 =	vadd.s32 $0x1580, v1;
	s19 =	sor.u32 s25, s14;
	v14 =	vld.idx.msk [tilespmem:v17+s13+$0x0], $0xffff;
	[tilespmem:s18+$0x0] =	vst v13  }
0x377: {  	s20 =	sor.u32 s24, s14;
	v8 =	vld.idx.msk [tilespmem:v8+s13+$0x0], $0xffff;
	[tilespmem:s19+$0x0] =	vst v18  }
0x378: {  	s21 =	sor.u32 s22, s14;
	v9 =	vld.idx.msk [tilespmem:v9+s13+$0x0], $0xffff;
	[tilespmem:s20+$0x0] =	vst v6  }
0x379: {  	v13 =	vld.idx.msk [tilespmem:v21+s13+$0x0], $0xffff;
	[tilespmem:s21+$0x0] =	vst v16;
	v16 =	vadd.s32 $0x1900, v50  }
0x37a: {  	s9 =	sor.u32 s31, s2;
	v4 =	vld.idx.msk [tilespmem:v4+s13+$0x0], $0xffff;
	[tilespmem:$0x1FDC0] =	vst v16  }
0x37b: {  	v16 =	vld.idx.msk [tilespmem:v3+s13+$0x0], $0xffff;
	[tilespmem:s9+$0x0] =	vst v10;
	v3 =	vadd.s32 $0x1980, v50  }
0x37c: {  	[tilespmem:$0x1FDD0] =	vst v3;
	v3 =	vadd.s32 $0x1A00, v28  }
0x37d: {  	v48 =	vadd.s32 $0x1680, v28;
	s15 =	sor.u32 s30, s2;
	s2 =	sor.u32 s0, s2;
	s12 =	sor.u32 s0, s4;
	[tilespmem:$0x1FDE0] =	vst v3  }
0x37e: {  	v47 =	vadd.s32 $0x1700, v28;
	v62 =	vadd.s32 $0x1780, v28;
	s10 =	sor.u32 s30, s4;
	s17 =	sor.u32 s31, s4;
	s4 =	sadd.s32 $0x7A00, s26;
	v3 =	vadd.s32 $0x1A00, v50;
	[tilespmem:s2+$0x0] =	vst v7  }
0x37f: {  	v56 =	vadd.s32 $0x1800, v28;
	v60 =	vadd.s32 $0x1880, v28;
	s14 =	sor.u32 s23, s4;
	v6 =	vadd.s32 $0x1600, v2;
	v10 =	vld.idx.msk [tilespmem:v19+s13+$0x0], $0xffff;
	[tilespmem:$0x1FDF0] =	vst v3  }
0x380: {  	v38 =	vadd.s32 $0x1900, v28;
	v55 =	vadd.s32 $0x1980, v28;
	s5 =	sor.u32 s30, s7;
	v12 =	vadd.s32 $0x1F80, v12;
	s18 =	sadd.s32 $0x9B80, s11;
	[tilespmem:s14+$0x0] =	vst v8  }
0x381: {  	v54 =	vadd.s32 $0x1A80, v28;
	v53 =	vadd.s32 $0x1B00, v28;
	s29 =	sor.u32 s31, s6;
	v11 =	vadd.s32 $0x1600, v28;
	s19 =	sor.u32 s1, s18;
	v3 =	vld.idx.msk [tilespmem:v15+s13+$0x0], $0xffff;
	[dreg:$0xe] =	wrdreg s5  }
0x382: {  	v52 =	vadd.s32 $0x1B80, v28;
	v42 =	vadd.s32 $0x1C00, v28;
	v17 =	vadd.s32 $0x1600, v50;
	s20 =	sor.u32 s0, s6;
	s9 =	sor.u32 s30, s6;
	s6 =	sor.u32 s25, s4;
	[tilespmem:s19+$0x0] =	vst v9  }
0x383: {  	v41 =	vadd.s32 $0x1E00, v28;
	v43 =	vadd.s32 $0x1E80, v28;
	v18 =	vadd.s32 $0x1600, v1;
	s21 =	sor.u32 s31, s7;
	s2 =	sor.u32 s0, s7;
	s7 =	sor.u32 s30, s8;
	[tilespmem:s6+$0x0] =	vst v13  }
0x384: {  	v31 =	vadd.s32 $0x1F80, v28;
	v49 =	vadd.s32 $0x1680, v50;
	v15 =	vadd.s32 $0x1D00, v0;
	s14 =	sor.u32 s24, s4;
	v6 =	vld.idx.msk [tilespmem:v6+s13+$0x0], $0xffff;
	[dreg:$0xd] =	wrdreg s7  }
0x385: {  	v46 =	vadd.s32 $0x1700, v50;
	v36 =	vadd.s32 $0x1780, v50;
	v57 =	vadd.s32 $0x1800, v50;
	s4 =	sor.u32 s22, s4;
	v12 =	vld.idx.msk [tilespmem:v12+s13+$0x0], $0xffff;
	[tilespmem:s14+$0x0] =	vst v4  }
0x386: {  	v34 =	vadd.s32 $0x1880, v50;
	v58 =	vadd.s32 $0x1A80, v50;
	s3 =	sadd.s32 $0x7A80, s26;
	s11 =	sadd.s32 $0x9C00, s11;
	v13 =	vadd.s32 $0x1680, v2;
	s19 =	sor.u32 s30, s18;
	v7 =	vld.idx.msk [tilespmem:v11+s13+$0x0], $0xffff;
	[tilespmem:s4+$0x0] =	vst v16  }
0x387: {  	v59 =	vadd.s32 $0x1B00, v50;
	v33 =	vadd.s32 $0x1B80, v50;
	v51 =	vadd.s32 $0x1C00, v50;
	s28 =	sor.u32 s22, s3;
	s1 =	sor.u32 s1, s11;
	v8 =	vld.idx.msk [tilespmem:v17+s13+$0x0], $0xffff;
	[dreg:$0xc] =	wrdreg s19  }
0x388: {  	v45 =	vadd.s32 $0x1D80, v50;
	v44 =	vadd.s32 $0x1E00, v50;
	v35 =	vadd.s32 $0x1E80, v50;
	s5 =	sor.u32 s30, s11;
	s6 =	sor.u32 s31, s18;
	s7 =	sor.u32 s31, s11;
	[tilespmem:s15+$0x0] =	vst v14;
	v9 =	vld.idx.msk [tilespmem:v18+s13+$0x0], $0xffff  }
0x389: {  	v20 =	vadd.s32 $0x1C80, v50;
	v21 =	vadd.s32 $0x1F80, v50;
	v19 =	vadd.s32 $0x1C80, v28;
	s14 =	sor.u32 s31, s8;
	s8 =	sor.u32 s0, s8;
	s31 =	sor.u32 s23, s3;
	[tilespmem:s17+$0x0] =	vst v10;
	v4 =	vld.idx.msk [tilespmem:v15+s13+$0x0], $0xffff  }
0x38a: {  	v16 =	vadd.s32 $0x1D00, v28;
	s4 =	sor.u32 s0, s18;
	v11 =	vadd.s32 $0x1680, v1;
	s18 =	sor.u32 s24, s3;
	v17 =	vadd.s32 $0x1D00, v50;
	s19 =	sor.u32 s25, s3;
	[tilespmem:s31+$0x0] =	vst v6;
	v5 =	vld.idx.msk [tilespmem:v5+s13+$0x0], $0xffff  }
0x38b: {  	v14 =	vadd.s32 $0x1D80, v28;
	s15 =	sor.u32 s0, s11;
	v18 =	vadd.s32 $0x1F00, v28;
	s0 =	simm.s32 $0x4;
	v15 =	vadd.s32 $0x1F00, v50;
	v10 =	vld.idx.msk [tilespmem:v13+s13+$0x0], $0xffff;
	[tilespmem:s1+$0x0] =	vst v12;
	s1 =	simm.s32 $0x480  }
.LBB2_6:
0x38c: {  	[tilespmem:$0x1FC70] =	vst v33  }
0x38d: {  	[tilespmem:$0x1FC90] =	vst v42  }
0x38e: {  	[tilespmem:$0x1FCD0] =	vst v19  }
0x38f: {  	[tilespmem:$0x1FD00] =	vst v20  }
0x390: {  	[tilespmem:$0x1FD30] =	vst v16  }
0x391: {  	[tilespmem:$0x1FDA0] =	vst v14  }
0x392: {  	v6 =	vld [tilespmem:s1+$0x0];
	[tilespmem:s28+$0x0] =	vst v9  }
0x393: {  	[tilespmem:s19+$0x0] =	vst v7  }
0x394: {  	[tilespmem:s18+$0x0] =	vst v8  }
0x395: {  	v11 =	vld.idx.msk [tilespmem:v11+s13+$0x0], $0xffff;
	v7 =	vadd.s32 $0x1D80, v0;
	[tilespmem:s10+$0x0] =	vst v4  }
0x396: {  	v12 =	vld.idx.msk [tilespmem:v48+s13+$0x0], $0xffff;
	v8 =	vadd.s32 $0x1700, v2;
	s18 =	smov.u32 s26;
	[tilespmem:s29+$0x0] =	vst v5  }
0x397: {  	s30 =	smov.u32 s23;
	s17 =	smov.u32 s25;
	v4 =	vmov v45;
	v9 =	vld.idx.msk [tilespmem:v49+s13+$0x0], $0xffff;
	s25 =	sadd.s32 $0x7B00, s18;
	[tilespmem:s12+$0x0] =	vst v3  }
0x398: {  	s11 =	smov.u32 s22;
	[tilespmem:$0x1FC00] =	vst v4;
	v4 =	vadd.s32 $0x1700, v1;
	s23 =	sor.u32 s30, s25  }
0x399: {  	s26 =	sor.u32 s11, s25;
	v3 =	vld.idx.msk [tilespmem:v32+s13+$0x0], $0xffff;
	[tilespmem:s23+$0x0] =	vst v10  }
0x39a: {  	s3 =	sor.u32 s17, s25;
	v7 =	vld.idx.msk [tilespmem:v7+s13+$0x0], $0xffff;
	[tilespmem:s26+$0x0] =	vst v11  }
0x39b: {  	s31 =	smov.u32 s24;
	v8 =	vld.idx.msk [tilespmem:v8+s13+$0x0], $0xffff;
	[tilespmem:s3+$0x0] =	vst v12;
	v12 =	vmov v41  }
0x39c: {  	s19 =	sor.u32 s31, s25;
	v10 =	vld.idx.msk [tilespmem:v29+s13+$0x0], $0xffff;
	[tilespmem:$0x1FC20] =	vst v12  }
0x39d: {  	[tilespmem:s19+$0x0] =	vst v9;
	v4 =	vld.idx.msk [tilespmem:v4+s13+$0x0], $0xffff  }
0x39e: {  	v5 =	vadd.s32 $0x1E00, v0;
	v11 =	vld.idx.msk [tilespmem:v46+s13+$0x0], $0xffff;
	[tilespmem:s20+$0x0] =	vst v3  }
0x39f: {  	s24 =	sadd.s32 $0x7B80, s18;
	v12 =	vld.idx.msk [tilespmem:v47+s13+$0x0], $0xffff;
	v9 =	vadd.s32 $0x1780, v2;
	[tilespmem:s9+$0x0] =	vst v7;
	v7 =	vmov v44  }
0x3a0: {  	s3 =	sor.u32 s30, s24;
	[tilespmem:$0x1FC10] =	vst v7  }
0x3a1: {  	[tilespmem:s3+$0x0] =	vst v8  }
0x3a2: {  	s25 =	sor.u32 s11, s24;
	v3 =	vld.idx.msk [tilespmem:v30+s13+$0x0], $0xffff;
	[tilespmem:s21+$0x0] =	vst v10  }
0x3a3: {  	s26 =	sor.u32 s17, s24;
	v7 =	vadd.s32 $0x1780, v1;
	v5 =	vld.idx.msk [tilespmem:v5+s13+$0x0], $0xffff;
	[tilespmem:s25+$0x0] =	vst v4  }
0x3a4: {  	s22 =	sor.u32 s31, s24;
	v8 =	vld.idx.msk [tilespmem:v9+s13+$0x0], $0xffff;
	[tilespmem:s26+$0x0] =	vst v12  }
0x3a5: {  	v12 =	vmov v43;
	[tilespmem:s22+$0x0] =	vst v11;
	v10 =	vld.idx.msk [tilespmem:v27+s13+$0x0], $0xffff  }
0x3a6: {  	[tilespmem:$0x1FC40] =	vst v12;
	v12 =	vld.idx.msk [tilespmem:v62+s13+$0x0], $0xffff  }
0x3a7: {  	s3 =	rddreg [dreg:$0xe];
	v9 =	vadd.s32 $0x1E80, v0;
	v4 =	vld.idx.msk [tilespmem:v36+s13+$0x0], $0xffff;
	[tilespmem:s2+$0x0] =	vst v3  }
0x3a8: {  	s23 =	sadd.s32 $0x7C00, s18;
	v11 =	vadd.s32 $0x1800, v2;
	v7 =	vld.idx.msk [tilespmem:v7+s13+$0x0], $0xffff;
	[tilespmem:s3+$0x0] =	vst v5;
	v5 =	vmov v35  }
0x3a9: {  	s26 =	sor.u32 s30, s23;
	[tilespmem:$0x1FC30] =	vst v5  }
0x3aa: {  	[tilespmem:s26+$0x0] =	vst v8  }
0x3ab: {  	s9 =	sor.u32 s31, s23;
	v3 =	vld.idx.msk [tilespmem:v26+s13+$0x0], $0xffff;
	[tilespmem:s14+$0x0] =	vst v10  }
0x3ac: {  	s25 =	sor.u32 s17, s23;
	v5 =	vadd.s32 $0x1800, v1;
	v8 =	vld.idx.msk [tilespmem:v9+s13+$0x0], $0xffff;
	[tilespmem:s9+$0x0] =	vst v4  }
0x3ad: {  	v9 =	vld.idx.msk [tilespmem:v11+s13+$0x0], $0xffff;
	v10 =	vadd.s32 $0x1F00, v0;
	[tilespmem:s25+$0x0] =	vst v12;
	v12 =	vmov v18  }
0x3ae: {  	s24 =	sor.u32 s11, s23;
	v11 =	vld.idx.msk [tilespmem:v24+s13+$0x0], $0xffff;
	[tilespmem:$0x1FC60] =	vst v12  }
0x3af: {  	v12 =	vld.idx.msk [tilespmem:v56+s13+$0x0], $0xffff;
	[tilespmem:s24+$0x0] =	vst v7  }
0x3b0: {  	s20 =	sadd.s32 $0x8880, s18;
	s26 =	rddreg [dreg:$0xd];
	v4 =	vadd.s32 $0x1880, v2;
	v7 =	vld.idx.msk [tilespmem:v57+s13+$0x0], $0xffff;
	[tilespmem:s8+$0x0] =	vst v3  }
0x3b1: {  	s25 =	sor.u32 s30, s20;
	v5 =	vld.idx.msk [tilespmem:v5+s13+$0x0], $0xffff;
	[tilespmem:s26+$0x0] =	vst v8  }
0x3b2: {  	[tilespmem:s25+$0x0] =	vst v9;
	v8 =	vld.idx.msk [tilespmem:v10+s13+$0x0], $0xffff;
	v10 =	vmov v31  }
0x3b3: {  	v3 =	vld.idx.msk [tilespmem:v61+s13+$0x0], $0xffff;
	[tilespmem:$0x1FC50] =	vst v10  }
0x3b4: {  	s16 =	sadd.s32 $0x40, s16;
	s24 =	sor.u32 s17, s20;
	[tilespmem:s6+$0x0] =	vst v11  }
0x3b5: {  	s22 =	sand.u32 $0x40, s16;
	s2 =	sor.u32 s31, s20;
	s9 =	sand.u32 $0x180, s16;
	v4 =	vld.idx.msk [tilespmem:v4+s13+$0x0], $0xffff;
	[tilespmem:s24+$0x0] =	vst v12  }
0x3b6: {  	s21 =	sor.u32 s11, s20;
	s3 =	sor.u32 $0x400, s9;
	s25 =	sor.u32 $0x10, s22;
	[tilespmem:s2+$0x0] =	vst v7;
	v9 =	vld.idx.msk [tilespmem:v23+s13+$0x0], $0xffff  }
0x3b7: {  	s12 =	sor.u32 s25, s3;
	[tilespmem:s21+$0x0] =	vst v5;
	v10 =	vld.idx.msk [tilespmem:v60+s13+$0x0], $0xffff  }
0x3b8: {  	s23 =	sor.u32 $0x30, s22;
	s26 =	rddreg [dreg:$0xc];
	[tilespmem:s4+$0x0] =	vst v3;
	v31 =	vld [tilespmem:s12+$0x0]  }
0x3b9: {  	s14 =	sadd.s32 $0x8900, s18;
	s10 =	sor.u32 s23, s3;
	[tilespmem:s26+$0x0] =	vst v8;
	v8 =	vld.idx.msk [tilespmem:v34+s13+$0x0], $0xffff  }
0x3ba: {  	[tilespmem:$0x1FD50] =	vst v17;
	v50 =	vld [tilespmem:s10+$0x0];
	v7 =	vadd.s32 $0x1900, v2;
	s24 =	sor.u32 $0x20, s22;
	s21 =	sor.u32 s30, s14  }
0x3bb: {  	s3 =	sor.u32 s24, s3;
	[tilespmem:s21+$0x0] =	vst v4;
	v4 =	vadd.s32 $0x1F80, v0  }
0x3bc: {  	s20 =	sor.u32 s17, s14;
	v5 =	vadd.s32 $0x1880, v1;
	v17 =	vld [tilespmem:s3+$0x0];
	[tilespmem:s7+$0x0] =	vst v9  }
0x3bd: {  	s2 =	sor.u32 s31, s14;
	[tilespmem:s20+$0x0] =	vst v10  }
0x3be: {  	v42 =	vmov v21;
	v39 =	vld.idx.msk [tilespmem:v22+s13+$0x0], $0xffff;
	v21 =	vadd.s32 $0x1500, v31;
	[tilespmem:s2+$0x0] =	vst v8  }
0x3bf: {  	v19 =	vadd.s32 $0x1000, v50;
	v16 =	vld.idx.msk [tilespmem:v7+s13+$0x0], $0xffff;
	v30 =	vadd.s32 $0x1D80, v31;
	[tilespmem:$0x1FCE0] =	vst v21  }
0x3c0: {  	v0 =	vmov v1;
	v1 =	vmov v6;
	v40 =	vld.idx.msk [tilespmem:v4+s13+$0x0], $0xffff;
	v4 =	vadd.s32 $0x1400, v31;
	[tilespmem:$0x1FDB0] =	vst v30  }
0x3c1: {  	v6 =	vadd.s32 $0x1000, v1;
	v20 =	vld.idx.msk [tilespmem:v5+s13+$0x0], $0xffff;
	v21 =	vadd.s32 $0x1480, v17;
	[tilespmem:$0x1FC80] =	vst v4  }
0x3c2: {  	s8 =	sadd.s32 $0x8980, s18;
	v30 =	vadd.s32 $0x1D00, v17;
	[tilespmem:$0x1FCC0] =	vst v21  }
0x3c3: {  	v56 =	vadd.s32 $0x1980, v2;
	s10 =	sor.u32 s30, s8;
	[tilespmem:$0x1FD60] =	vst v30  }
0x3c4: {  	v19 =	vld.idx.msk [tilespmem:v19+s13+$0x0], $0xffff;
	v21 =	vadd.s32 $0x1580, v31;
	[tilespmem:s10+$0x0] =	vst v16  }
0x3c5: {  	[dreg:$0x6] =	wrdreg s16;
	s16 =	sor.u32 s11, s14;
	v57 =	vadd.s32 $0x1000, v17;
	[tilespmem:$0x1FD10] =	vst v21  }
0x3c6: {  	v10 =	vadd.s32 $0x1000, v31;
	v6 =	vld.idx.msk [tilespmem:v6+s13+$0x0], $0xffff;
	v21 =	vadd.s32 $0x1500, v17;
	[tilespmem:s16+$0x0] =	vst v20  }
0x3c7: {  	v13 =	vadd.s32 $0x1900, v0;
	v47 =	vld.idx.msk [tilespmem:v38+s13+$0x0], $0xffff;
	v20 =	vadd.s32 $0x1480, v31;
	[tilespmem:$0x1FCF0] =	vst v21  }
0x3c8: {  	s12 =	rddreg [dreg:$0x8];
	v16 =	vld.idx.msk [tilespmem:v56+s13+$0x0], $0xffff;
	v21 =	vadd.s32 $0x1580, v17;
	[tilespmem:$0x1FCB0] =	vst v20  }
0x3c9: {  	v9 =	vadd.s32 $0x1080, v1;
	s2 =	sadd.s32 $0x200, s12;
	[tilespmem:$0x1FD20] =	vst v21;
	v21 =	vld [tilespmem:$0x1FDC0]  }
0x3ca: {  	s19 =	smov.u32 s5;
	s26 =	sand.u32 $0xC00, s2;
	v41 =	vld.idx.msk [tilespmem:v57+s13+$0x0], $0xffff;
	[tilespmem:s15+$0x0] =	vst v39  }
0x3cb: {  	s9 =	sor.u32 s17, s8;
	[dreg:$0x8] =	wrdreg s2;
	s2 =	sadd.s32 $0x6880, s26;
	v20 =	vadd.s32 $0x1080, v50;
	v10 =	vld.idx.msk [tilespmem:v10+s13+$0x0], $0xffff;
	[tilespmem:s19+$0x0] =	vst v40  }
0x3cc: {  	s14 =	sor.u32 s22, s2;
	[tilespmem:s9+$0x0] =	vst v47;
	v13 =	vld.idx.msk [tilespmem:v13+s13+$0x0], $0xffff  }
0x3cd: {  	s15 =	sor.u32 s23, s2;
	[tilespmem:s14+$0x0] =	vst v6  }
0x3ce: {  	v3 =	vadd.s32 $0x1980, v0;
	s16 =	sadd.s32 $0x8A00, s18;
	[tilespmem:s15+$0x0] =	vst v19;
	v6 =	vadd.s32 $0x1980, v31;
	v23 =	vld.idx.msk [tilespmem:v9+s13+$0x0], $0xffff  }
0x3cf: {  	v38 =	vadd.s32 $0x1080, v17;
	s21 =	sor.u32 s30, s16;
	[tilespmem:$0x1FD40] =	vst v6  }
0x3d0: {  	s3 =	sor.u32 s11, s8;
	v45 =	vld.idx.msk [tilespmem:v20+s13+$0x0], $0xffff;
	[tilespmem:s21+$0x0] =	vst v16  }
0x3d1: {  	v33 =	vadd.s32 $0x1A00, v2;
	s20 =	sor.u32 s24, s2;
	s14 =	sadd.s32 $0x6900, s26;
	v9 =	vld [tilespmem:$0x1FDD0];
	[tilespmem:s3+$0x0] =	vst v13  }
0x3d2: {  	s6 =	sor.u32 s31, s8;
	v37 =	vadd.s32 $0x1080, v31;
	s8 =	sor.u32 s22, s14;
	v39 =	vld.idx.msk [tilespmem:v21+s13+$0x0], $0xffff;
	[tilespmem:s20+$0x0] =	vst v41  }
0x3d3: {  	v21 =	vadd.s32 $0x1600, v31;
	v29 =	vld.idx.msk [tilespmem:v3+s13+$0x0], $0xffff;
	[tilespmem:s8+$0x0] =	vst v23  }
0x3d4: {  	[tilespmem:$0x1FD70] =	vst v21;
	v21 =	vadd.s32 $0x1600, v17;
	v38 =	vld.idx.msk [tilespmem:v38+s13+$0x0], $0xffff  }
0x3d5: {  	v22 =	vadd.s32 $0x1A80, v2;
	v44 =	vadd.s32 $0x1100, v50;
	v32 =	vadd.s32 $0x1100, v1;
	s19 =	sor.u32 s25, s2;
	[tilespmem:$0x1FD80] =	vst v21;
	v21 =	vld.idx.msk [tilespmem:v55+s13+$0x0], $0xffff  }
0x3d6: {  	v34 =	vadd.s32 $0x1100, v31;
	v28 =	vadd.s32 $0x1100, v17;
	v18 =	vadd.s32 $0x1180, v17;
	s15 =	sor.u32 s23, s14;
	[tilespmem:s19+$0x0] =	vst v10;
	v55 =	vld.idx.msk [tilespmem:v33+s13+$0x0], $0xffff  }
0x3d7: {  	v14 =	vadd.s32 $0x1200, v17;
	v12 =	vadd.s32 $0x1280, v17;
	v10 =	vadd.s32 $0x1900, v31;
	[tilespmem:s15+$0x0] =	vst v45;
	v37 =	vld.idx.msk [tilespmem:v37+s13+$0x0], $0xffff  }
0x3d8: {  	v7 =	vadd.s32 $0x1300, v17;
	v63 =	vadd.s32 $0x1400, v17;
	[tilespmem:$0x1FD90] =	vst v10;
	v10 =	vadd.s32 $0x1900, v17  }
0x3d9: {  	v49 =	vadd.s32 $0x1680, v17;
	v46 =	vadd.s32 $0x1700, v17;
	v36 =	vadd.s32 $0x1780, v17;
	[tilespmem:$0x1FDC0] =	vst v10  }
0x3da: {  	v26 =	vadd.s32 $0x1A00, v17;
	v35 =	vadd.s32 $0x1E80, v17;
	v4 =	vadd.s32 $0x1380, v17;
	s5 =	sor.u32 s17, s16;
	s4 =	sor.u32 s31, s16;
	s20 =	sor.u32 s24, s14;
	v32 =	vld.idx.msk [tilespmem:v32+s13+$0x0], $0xffff;
	[tilespmem:s6+$0x0] =	vst v39  }
0x3db: {  	s2 =	sor.u32 s11, s16;
	v57 =	vadd.s32 $0x1800, v17;
	v40 =	vadd.s32 $0x1880, v17;
	s16 =	sadd.s32 $0x8A80, s18;
	v19 =	vadd.s32 $0x1B00, v17;
	s19 =	sor.u32 s25, s14;
	v27 =	vld.idx.msk [tilespmem:v9+s13+$0x0], $0xffff;
	[tilespmem:s20+$0x0] =	vst v38  }
0x3dc: {  	v6 =	vadd.s32 $0x1980, v17;
	s21 =	sor.u32 s30, s16;
	v13 =	vadd.s32 $0x1B80, v17;
	v3 =	vadd.s32 $0x1C80, v17;
	v39 =	vmovc v53;
	v53 =	vld.idx.msk [tilespmem:v44+s13+$0x0], $0xffff;
	[tilespmem:s19+$0x0] =	vst v37  }
0x3dd: {  	v33 =	vmovc v52;
	v52 =	vadd.s32 $0x1A80, v17;
	v45 =	vadd.s32 $0x1D80, v17;
	v10 =	vadd.s32 $0x1C00, v17;
	[tilespmem:s21+$0x0] =	vst v55;
	v30 =	vld.idx.msk [tilespmem:v34+s13+$0x0], $0xffff  }
0x3de: {  	v44 =	vadd.s32 $0x1E00, v17;
	v38 =	vadd.s32 $0x1F00, v17;
	[tilespmem:s5+$0x0] =	vst v21;
	v21 =	vadd.s32 $0x1F80, v17;
	v17 =	vld [tilespmem:$0x1FDE0]  }
0x3df: {  	[tilespmem:$0x1FCA0] =	vst v51;
	v24 =	vadd.s32 $0x1A00, v31;
	v22 =	vld.idx.msk [tilespmem:v22+s13+$0x0], $0xffff;
	v37 =	vmov v54;
	v54 =	vadd.s32 $0x1180, v50  }
0x3e0: {  	s14 =	sadd.s32 $0x6980, s26;
	v23 =	vld.idx.msk [tilespmem:v28+s13+$0x0], $0xffff;
	v28 =	vadd.s32 $0x1B00, v2;
	[tilespmem:s4+$0x0] =	vst v27;
	v27 =	vmov v24  }
0x3e1: {  	s7 =	sor.u32 s17, s16;
	s3 =	sor.u32 s11, s16;
	s15 =	sor.u32 s23, s14;
	[tilespmem:$0x1FDE0] =	vst v27;
	v27 =	vld [tilespmem:$0x1FDF0]  }
0x3e2: {  	v51 =	vadd.s32 $0x1180, v31;
	s6 =	sor.u32 s31, s16;
	s16 =	sadd.s32 $0x8B00, s18;
	s5 =	sor.u32 s22, s14;
	[tilespmem:s15+$0x0] =	vst v53  }
0x3e3: {  	s21 =	sor.u32 s30, s16;
	[tilespmem:s5+$0x0] =	vst v32;
	v32 =	vld [tilespmem:$0x1FC00];
	v24 =	vadd.s32 $0x1180, v1  }
0x3e4: {  	v53 =	vmov v26;
	v26 =	vld.idx.msk [tilespmem:v54+s13+$0x0], $0xffff;
	[tilespmem:s21+$0x0] =	vst v22  }
0x3e5: {  	s19 =	sor.u32 s25, s14;
	[tilespmem:$0x1FDF0] =	vst v53;
	v53 =	vadd.s32 $0x1A00, v0;
	v22 =	vld.idx.msk [tilespmem:v28+s13+$0x0], $0xffff  }
0x3e6: {  	v17 =	vld.idx.msk [tilespmem:v17+s13+$0x0], $0xffff;
	[tilespmem:s19+$0x0] =	vst v30  }
0x3e7: {  	v28 =	vld.idx.msk [tilespmem:v51+s13+$0x0], $0xffff  }
0x3e8: {  	v61 =	vmov v15;
	v15 =	vadd.s32 $0x1200, v31;
	s20 =	sor.u32 s24, s14;
	s12 =	sor.u32 s17, s16;
	s15 =	sadd.s32 $0x6A00, s26;
	v24 =	vld.idx.msk [tilespmem:v24+s13+$0x0], $0xffff;
	[tilespmem:s2+$0x0] =	vst v29  }
0x3e9: {  	s8 =	sor.u32 s31, s16;
	s4 =	sor.u32 s11, s16;
	s16 =	sor.u32 s23, s15;
	v27 =	vld.idx.msk [tilespmem:v27+s13+$0x0], $0xffff;
	[tilespmem:s20+$0x0] =	vst v23;
	v23 =	vadd.s32 $0x1200, v50  }
0x3ea: {  	v30 =	vadd.s32 $0x1B80, v2;
	v29 =	vld.idx.msk [tilespmem:v53+s13+$0x0], $0xffff;
	[tilespmem:s16+$0x0] =	vst v26  }
0x3eb: {  	s20 =	sor.u32 s25, s15;
	v18 =	vld.idx.msk [tilespmem:v18+s13+$0x0], $0xffff;
	[tilespmem:s7+$0x0] =	vst v17  }
0x3ec: {  	s19 =	sadd.s32 $0x8B80, s18;
	v26 =	vld.idx.msk [tilespmem:v37+s13+$0x0], $0xffff;
	[tilespmem:s20+$0x0] =	vst v28  }
0x3ed: {  	s16 =	sor.u32 s30, s19;
	v17 =	vadd.s32 $0x1200, v1;
	v15 =	vld.idx.msk [tilespmem:v15+s13+$0x0], $0xffff  }
0x3ee: {  	v25 =	vadd.s32 $0x1A80, v31;
	v23 =	vld.idx.msk [tilespmem:v23+s13+$0x0], $0xffff;
	[tilespmem:s16+$0x0] =	vst v22  }
0x3ef: {  	s21 =	sor.u32 s24, s15;
	v54 =	vmov v25;
	v25 =	vld.idx.msk [tilespmem:v30+s13+$0x0], $0xffff  }
0x3f0: {  	s2 =	sor.u32 s22, s15;
	v22 =	vadd.s32 $0x1A80, v0;
	v30 =	vld [tilespmem:$0x1FC10];
	[tilespmem:s21+$0x0] =	vst v18  }
0x3f1: {  	v11 =	vadd.s32 $0x1280, v31;
	s5 =	sor.u32 s11, s19;
	[tilespmem:s2+$0x0] =	vst v24;
	v14 =	vld.idx.msk [tilespmem:v14+s13+$0x0], $0xffff  }
0x3f2: {  	s10 =	sor.u32 s31, s19;
	s7 =	sor.u32 s17, s19;
	s19 =	sadd.s32 $0x6A80, s26;
	v18 =	vadd.s32 $0x1280, v50;
	v17 =	vld.idx.msk [tilespmem:v17+s13+$0x0], $0xffff;
	[tilespmem:s6+$0x0] =	vst v27  }
0x3f3: {  	v24 =	vadd.s32 $0x1C00, v2;
	s15 =	sor.u32 s25, s19;
	[tilespmem:s3+$0x0] =	vst v29;
	v29 =	vld [tilespmem:$0x1FC20]  }
0x3f4: {  	s20 =	sor.u32 s23, s19;
	v27 =	vld.idx.msk [tilespmem:v58+s13+$0x0], $0xffff;
	[tilespmem:s15+$0x0] =	vst v15  }
0x3f5: {  	s14 =	sadd.s32 $0x8C00, s18;
	[tilespmem:s20+$0x0] =	vst v23;
	v22 =	vld.idx.msk [tilespmem:v22+s13+$0x0], $0xffff  }
0x3f6: {  	v28 =	vadd.s32 $0x1280, v1;
	s20 =	sor.u32 s30, s14;
	v11 =	vld.idx.msk [tilespmem:v11+s13+$0x0], $0xffff;
	[tilespmem:s12+$0x0] =	vst v26  }
0x3f7: {  	s21 =	sor.u32 s24, s19;
	v18 =	vld.idx.msk [tilespmem:v18+s13+$0x0], $0xffff;
	[tilespmem:s20+$0x0] =	vst v25  }
0x3f8: {  	v8 =	vadd.s32 $0x1300, v31;
	s6 =	sor.u32 s22, s19;
	v15 =	vld.idx.msk [tilespmem:v24+s13+$0x0], $0xffff;
	[tilespmem:s21+$0x0] =	vst v14  }
0x3f9: {  	v14 =	vadd.s32 $0x1300, v50;
	[tilespmem:s6+$0x0] =	vst v17;
	s21 =	sadd.s32 $0x6B00, s26;
	v24 =	vld.idx.msk [tilespmem:v39+s13+$0x0], $0xffff  }
0x3fa: {  	s9 =	sor.u32 s31, s14;
	v17 =	vadd.s32 $0x1C80, v2;
	v12 =	vld.idx.msk [tilespmem:v12+s13+$0x0], $0xffff;
	[tilespmem:s8+$0x0] =	vst v27;
	s19 =	sor.u32 s25, s21  }
0x3fb: {  	s2 =	sor.u32 s11, s14;
	s16 =	sor.u32 s17, s14;
	v23 =	vld.idx.msk [tilespmem:v28+s13+$0x0], $0xffff;
	s14 =	sor.u32 s23, s21;
	[tilespmem:s19+$0x0] =	vst v11  }
0x3fc: {  	v20 =	vadd.s32 $0x1B00, v31;
	s15 =	sadd.s32 $0x9880, s18;
	[tilespmem:s14+$0x0] =	vst v18;
	v18 =	vld.idx.msk [tilespmem:v59+s13+$0x0], $0xffff  }
0x3fd: {  	v53 =	vmov v20;
	v20 =	vadd.s32 $0x1300, v1;
	s6 =	sor.u32 s22, s21;
	s20 =	sor.u32 s24, s21;
	s21 =	sor.u32 s30, s15;
	v8 =	vld.idx.msk [tilespmem:v8+s13+$0x0], $0xffff  }
0x3fe: {  	v59 =	vmov v19;
	v19 =	vadd.s32 $0x1B00, v0;
	v14 =	vld.idx.msk [tilespmem:v14+s13+$0x0], $0xffff;
	[tilespmem:s21+$0x0] =	vst v15  }
0x3ff: {  	v11 =	vld.idx.msk [tilespmem:v17+s13+$0x0], $0xffff;
	[tilespmem:s20+$0x0] =	vst v12;
	v12 =	vadd.s32 $0x1380, v50  }
0x400: {  	[tilespmem:s7+$0x0] =	vst v24;
	v7 =	vld.idx.msk [tilespmem:v7+s13+$0x0], $0xffff  }
0x401: {  	v26 =	vld [tilespmem:$0x1FC30];
	s3 =	sor.u32 s11, s15;
	s8 =	sor.u32 s31, s15;
	v15 =	vadd.s32 $0x1D00, v2;
	[tilespmem:s6+$0x0] =	vst v23;
	s20 =	sadd.s32 $0x6B80, s26  }
0x402: {  	v5 =	vadd.s32 $0x1380, v31;
	s14 =	sor.u32 s17, s15;
	s15 =	sadd.s32 $0x9900, s18;
	v17 =	vld.idx.msk [tilespmem:v20+s13+$0x0], $0xffff;
	[tilespmem:s4+$0x0] =	vst v22;
	s21 =	sor.u32 s23, s20  }
0x403: {  	v20 =	vadd.s32 $0x1380, v1;
	v19 =	vld.idx.msk [tilespmem:v19+s13+$0x0], $0xffff;
	[tilespmem:s21+$0x0] =	vst v14;
	s21 =	sor.u32 s30, s15  }
0x404: {  	s12 =	sor.u32 s22, s20;
	s19 =	sor.u32 s25, s20;
	s20 =	sor.u32 s24, s20;
	v12 =	vld.idx.msk [tilespmem:v12+s13+$0x0], $0xffff;
	[tilespmem:s21+$0x0] =	vst v11  }
0x405: {  	v14 =	vld.idx.msk [tilespmem:v33+s13+$0x0], $0xffff;
	[tilespmem:s20+$0x0] =	vst v7;
	v7 =	vadd.s32 $0x1400, v50  }
0x406: {  	[tilespmem:s19+$0x0] =	vst v8;
	v11 =	vld.idx.msk [tilespmem:v15+s13+$0x0], $0xffff  }
0x407: {  	v16 =	vadd.s32 $0x1B80, v31;
	s7 =	sor.u32 s11, s15;
	v5 =	vld.idx.msk [tilespmem:v5+s13+$0x0], $0xffff;
	s21 =	sadd.s32 $0x6C00, s26;
	[tilespmem:s12+$0x0] =	vst v17  }
0x408: {  	v58 =	vmov v52;
	v52 =	vmov v16;
	s6 =	sor.u32 s17, s15;
	s4 =	sor.u32 s31, s15;
	s15 =	sor.u32 s23, s21;
	v16 =	vld.idx.msk [tilespmem:v20+s13+$0x0], $0xffff;
	[tilespmem:s5+$0x0] =	vst v19  }
0x409: {  	v8 =	vadd.s32 $0x1B80, v0;
	v17 =	vld [tilespmem:$0x1FC70];
	s5 =	sadd.s32 $0x9980, s18;
	[tilespmem:s15+$0x0] =	vst v12  }
0x40a: {  	v15 =	vadd.s32 $0x1D80, v2;
	s28 =	sor.u32 s30, s5;
	v7 =	vld.idx.msk [tilespmem:v7+s13+$0x0], $0xffff  }
0x40b: {  	v33 =	vmov v13;
	v13 =	vadd.s32 $0x1400, v1;
	[tilespmem:s28+$0x0] =	vst v11;
	v11 =	vld [tilespmem:$0x1FC80]  }
0x40c: {  	v4 =	vld.idx.msk [tilespmem:v4+s13+$0x0], $0xffff  }
0x40d: {  	v27 =	vld [tilespmem:$0x1FC40];
	s20 =	sor.u32 s25, s21;
	[tilespmem:s10+$0x0] =	vst v18  }
0x40e: {  	s19 =	sor.u32 s22, s21;
	v8 =	vld.idx.msk [tilespmem:v8+s13+$0x0], $0xffff;
	[tilespmem:s20+$0x0] =	vst v5  }
0x40f: {  	s21 =	sor.u32 s24, s21;
	s10 =	sor.u32 s11, s5;
	v5 =	vld.idx.msk [tilespmem:v15+s13+$0x0], $0xffff;
	[tilespmem:s19+$0x0] =	vst v16  }
0x410: {  	s12 =	sor.u32 s31, s5;
	s15 =	sor.u32 s17, s5;
	s5 =	sadd.s32 $0x7880, s26;
	v13 =	vld.idx.msk [tilespmem:v13+s13+$0x0], $0xffff  }
0x411: {  	s19 =	sor.u32 s23, s5;
	v17 =	vld.idx.msk [tilespmem:v17+s13+$0x0], $0xffff;
	[tilespmem:s21+$0x0] =	vst v4  }
0x412: {  	v9 =	vmov v6;
	v4 =	vadd.s32 $0x1480, v50;
	[tilespmem:s19+$0x0] =	vst v7;
	v7 =	vld [tilespmem:$0x1FCA0]  }
0x413: {  	[tilespmem:$0x1FDD0] =	vst v9;
	v11 =	vld.idx.msk [tilespmem:v11+s13+$0x0], $0xffff  }
0x414: {  	v9 =	vadd.s32 $0x1C00, v31;
	v15 =	vadd.s32 $0x1E00, v2;
	[tilespmem:s16+$0x0] =	vst v14;
	v14 =	vld [tilespmem:$0x1FC90]  }
0x415: {  	v24 =	vld [tilespmem:$0x1FC60];
	v22 =	vmov v42;
	v42 =	vmov v9;
	v9 =	vadd.s32 $0x1480, v1;
	s20 =	sadd.s32 $0x9A00, s18  }
0x416: {  	v12 =	vld.idx.msk [tilespmem:v63+s13+$0x0], $0xffff;
	s19 =	sor.u32 s30, s20  }
0x417: {  	s16 =	sor.u32 s22, s5;
	v4 =	vld.idx.msk [tilespmem:v4+s13+$0x0], $0xffff;
	[tilespmem:s19+$0x0] =	vst v5  }
0x418: {  	[tilespmem:s16+$0x0] =	vst v13;
	v13 =	vld [tilespmem:$0x1FCC0]  }
0x419: {  	v51 =	vmov v10;
	v10 =	vadd.s32 $0x1C00, v0;
	v5 =	vld.idx.msk [tilespmem:v15+s13+$0x0], $0xffff  }
0x41a: {  	[tilespmem:s9+$0x0] =	vst v17;
	v9 =	vld.idx.msk [tilespmem:v9+s13+$0x0], $0xffff  }
0x41b: {  	s21 =	sor.u32 s25, s5;
	s5 =	sor.u32 s24, s5;
	[tilespmem:s2+$0x0] =	vst v8;
	v7 =	vld.idx.msk [tilespmem:v7+s13+$0x0], $0xffff  }
0x41c: {  	[tilespmem:s5+$0x0] =	vst v12;
	v14 =	vld.idx.msk [tilespmem:v14+s13+$0x0], $0xffff  }
0x41d: {  	v12 =	vadd.s32 $0x1500, v50;
	s5 =	sadd.s32 $0x7900, s26;
	[tilespmem:s21+$0x0] =	vst v11;
	v11 =	vld [tilespmem:$0x1FCB0]  }
0x41e: {  	v8 =	vld.idx.msk [tilespmem:v10+s13+$0x0], $0xffff;
	s16 =	sor.u32 s22, s5  }
0x41f: {  	[tilespmem:s16+$0x0] =	vst v9;
	v9 =	vld [tilespmem:$0x1FCF0]  }
0x420: {  	s21 =	sor.u32 s23, s5;
	v13 =	vld.idx.msk [tilespmem:v13+s13+$0x0], $0xffff  }
0x421: {  	v6 =	vadd.s32 $0x1C80, v31;
	v10 =	vadd.s32 $0x1500, v1;
	[tilespmem:s21+$0x0] =	vst v4;
	v4 =	vld [tilespmem:$0x1FCD0]  }
0x422: {  	v19 =	vmov v6;
	v6 =	vld.idx.msk [tilespmem:v12+s13+$0x0], $0xffff  }
0x423: {  	v12 =	vld [tilespmem:$0x1FCE0]  }
0x424: {  	v23 =	vld [tilespmem:$0x1FC50];
	s28 =	sor.u32 s24, s5  }
0x425: {  	s19 =	sadd.s32 $0x9A80, s18;
	v15 =	vadd.s32 $0x1E80, v2;
	[tilespmem:s28+$0x0] =	vst v13;
	v11 =	vld.idx.msk [tilespmem:v11+s13+$0x0], $0xffff  }
0x426: {  	v10 =	vld.idx.msk [tilespmem:v10+s13+$0x0], $0xffff;
	[tilespmem:s14+$0x0] =	vst v14;
	s14 =	sor.u32 s25, s5;
	s5 =	sor.u32 s30, s19  }
0x427: {  	v9 =	vld.idx.msk [tilespmem:v9+s13+$0x0], $0xffff;
	[tilespmem:s5+$0x0] =	vst v5;
	v5 =	vadd.s32 $0x1C80, v0  }
0x428: {  	[tilespmem:s8+$0x0] =	vst v7;
	v7 =	vld [tilespmem:$0x1FD00]  }
0x429: {  	v13 =	vadd.s32 $0x1580, v50;
	v4 =	vld.idx.msk [tilespmem:v4+s13+$0x0], $0xffff  }
0x42a: {  	v20 =	vmov v3;
	v3 =	vadd.s32 $0x1580, v1;
	s5 =	sadd.s32 $0x7980, s26;
	[tilespmem:s14+$0x0] =	vst v11;
	v11 =	vld.idx.msk [tilespmem:v15+s13+$0x0], $0xffff  }
0x42b: {  	[tilespmem:s3+$0x0] =	vst v8;
	s14 =	sor.u32 s23, s5;
	v12 =	vld.idx.msk [tilespmem:v12+s13+$0x0], $0xffff  }
0x42c: {  	s16 =	sor.u32 s22, s5;
	[tilespmem:s14+$0x0] =	vst v6;
	v5 =	vld.idx.msk [tilespmem:v5+s13+$0x0], $0xffff  }
0x42d: {  	s2 =	sor.u32 s31, s19;
	s21 =	sor.u32 s11, s19;
	[tilespmem:s16+$0x0] =	vst v10;
	v10 =	vld [tilespmem:$0x1FD20]  }
0x42e: {  	[dreg:$0xe] =	wrdreg s21;
	s21 =	sor.u32 s17, s19;
	s19 =	sadd.s32 $0x9B00, s18;
	v6 =	vld.idx.msk [tilespmem:v13+s13+$0x0], $0xffff  }
0x42f: {  	v14 =	vadd.s32 $0x1F00, v2;
	s3 =	sor.u32 s30, s19;
	v13 =	vld.idx.msk [tilespmem:v3+s13+$0x0], $0xffff  }
0x430: {  	[tilespmem:s3+$0x0] =	vst v11;
	v11 =	vld [tilespmem:$0x1FD10]  }
0x431: {  	v3 =	vld [tilespmem:$0x1FD30]  }
0x432: {  	v55 =	vadd.s32 $0x1D00, v31;
	v7 =	vld.idx.msk [tilespmem:v7+s13+$0x0], $0xffff  }
0x433: {  	v16 =	vmov v55;
	v55 =	vld [tilespmem:$0x1FD40];
	s28 =	sor.u32 s25, s5;
	s5 =	sor.u32 s24, s5;
	s3 =	sadd.s32 $0x7A00, s26  }
0x434: {  	[tilespmem:s5+$0x0] =	vst v9;
	v8 =	vld.idx.msk [tilespmem:v14+s13+$0x0], $0xffff;
	s16 =	sor.u32 s23, s3  }
0x435: {  	[tilespmem:s16+$0x0] =	vst v6;
	v6 =	vld [tilespmem:$0x1FD60]  }
0x436: {  	v9 =	vadd.s32 $0x1600, v50;
	[tilespmem:s28+$0x0] =	vst v12;
	v10 =	vld.idx.msk [tilespmem:v10+s13+$0x0], $0xffff  }
0x437: {  	[tilespmem:s4+$0x0] =	vst v7;
	v7 =	vld [tilespmem:$0x1FD70]  }
0x438: {  	s14 =	sor.u32 s11, s19;
	v11 =	vld.idx.msk [tilespmem:v11+s13+$0x0], $0xffff;
	[tilespmem:s6+$0x0] =	vst v4;
	v4 =	vadd.s32 $0x1600, v1  }
0x439: {  	s8 =	sor.u32 s31, s19;
	[dreg:$0xd] =	wrdreg s14;
	v14 =	vld.idx.msk [tilespmem:v3+s13+$0x0], $0xffff  }
0x43a: {  	s14 =	sor.u32 s17, s19;
	s19 =	sadd.s32 $0x9B80, s18;
	v12 =	vadd.s32 $0x1F80, v2;
	s5 =	sor.u32 s22, s3;
	v3 =	vld [tilespmem:$0x1FD50]  }
0x43b: {  	s16 =	sor.u32 s30, s19;
	[tilespmem:s5+$0x0] =	vst v13;
	v17 =	vmov v6;
	v6 =	vld.idx.msk [tilespmem:v9+s13+$0x0], $0xffff  }
0x43c: {  	[tilespmem:s16+$0x0] =	vst v8;
	v8 =	vld [tilespmem:$0x1FD80]  }
0x43d: {  	v9 =	vld.idx.msk [tilespmem:v4+s13+$0x0], $0xffff  }
0x43e: {  	v15 =	vadd.s32 $0x1D00, v0;
	s28 =	sor.u32 s25, s3;
	[tilespmem:s7+$0x0] =	vst v5;
	v5 =	vld [tilespmem:$0x1FDA0]  }
0x43f: {  	s5 =	sadd.s32 $0x7A80, s26;
	v12 =	vld.idx.msk [tilespmem:v12+s13+$0x0], $0xffff;
	[tilespmem:s28+$0x0] =	vst v11  }
0x440: {  	s7 =	sor.u32 s23, s5;
	v7 =	vld.idx.msk [tilespmem:v7+s13+$0x0], $0xffff  }
0x441: {  	s0 =	sadd.s32 $0x4, s0;
	s1 =	sadd.s32 $0x40, s1;
	v2 =	vmov v50;
	s3 =	sor.u32 s24, s3;
	[tilespmem:s7+$0x0] =	vst v6;
	v6 =	vld [tilespmem:$0x1FDB0]  }
0x442: {  	p0 =	slt.u32 s0, $0x1C;
	s29 =	sor.u32 s17, s20;
	s9 =	sor.u32 s11, s20;
	v3 =	vld.idx.msk [tilespmem:v3+s13+$0x0], $0xffff;
	[tilespmem:s3+$0x0] =	vst v10;
	v10 =	vadd.s32 $0x1680, v2  }
.Ltmp2:
0x443: {  	s20 =	sor.u32 s31, s20;
	s4 =	sor.u32 s31, s19;
	v4 =	vld.idx.msk [tilespmem:v15+s13+$0x0], $0xffff;
	(pc) =	sbr.rel @p0 .LBB2_6-.Ltmp2, $4  }
0x444: {  	v48 =	vadd.s32 $0x1680, v31;
	v34 =	vadd.s32 $0x1F00, v31;
	s16 =	sadd.s32 $0x9C00, s18;
	s18 =	sor.u32 s24, s5;
	s6 =	sor.u32 s11, s19;
	v15 =	vmov v38;
	v38 =	vld [tilespmem:$0x1FD90]  }
0x445: {  	v62 =	vadd.s32 $0x1780, v31;
	v60 =	vadd.s32 $0x1880, v31;
	v43 =	vadd.s32 $0x1E80, v31;
	s30 =	sor.u32 s30, s16;
	[dreg:$0xc] =	wrdreg s6;
	s6 =	sor.u32 s17, s19;
	[tilespmem:s15+$0x0] =	vst v14;
	v8 =	vld.idx.msk [tilespmem:v8+s13+$0x0], $0xffff  }
0x446: {  	v56 =	vadd.s32 $0x1800, v31;
	v47 =	vadd.s32 $0x1700, v31;
	v41 =	vadd.s32 $0x1E00, v31;
	s19 =	sor.u32 s25, s5;
	s28 =	sor.u32 s22, s5;
	s5 =	sor.u32 s11, s16;
	v5 =	vld.idx.msk [tilespmem:v5+s13+$0x0], $0xffff  }
0x447: {  	v31 =	vadd.s32 $0x1F80, v31;
	v18 =	vmovc v34;
	v34 =	vmovc v40;
	v11 =	vadd.s32 $0x1680, v1;
	s7 =	sor.u32 s17, s16;
	s15 =	sor.u32 s31, s16;
	s16 =	rddreg [dreg:$0x6];
	v14 =	vmov v6;
	v10 =	vld.idx.msk [tilespmem:v10+s13+$0x0], $0xffff;
	[tilespmem:s30+$0x0] =	vst v12  }
0x448: {  	_ =	sdelay $0x2  }
0x449: {  	[tilespmem:s19+$0x0] =	vst v7  }
0x44a: {  	v25 =	vadd.s32 $0x1700, v2;
	[tilespmem:s28+$0x0] =	vst v9;
	v6 =	vld.idx.msk [tilespmem:v48+s13+$0x0], $0xffff  }
0x44b: {  	v9 =	vld.idx.msk [tilespmem:v11+s13+$0x0], $0xffff;
	[tilespmem:s18+$0x0] =	vst v8  }
0x44c: {  	s0 =	sadd.s32 $0x7B00, s26;
	v28 =	vadd.s32 $0x1700, v1;
	v8 =	vld.idx.msk [tilespmem:v49+s13+$0x0], $0xffff  }
0x44d: {  	s1 =	sor.u32 s23, s0  }
0x44e: {  	s11 =	sor.u32 s25, s0;
	[tilespmem:s1+$0x0] =	vst v10  }
0x44f: {  	s16 =	sor.u32 s24, s0;
	s0 =	sor.u32 s22, s0;
	v37 =	vld.idx.msk [tilespmem:v25+s13+$0x0], $0xffff;
	[tilespmem:s11+$0x0] =	vst v6  }
0x450: {  	v40 =	vadd.s32 $0x1780, v2;
	[tilespmem:s0+$0x0] =	vst v9;
	v39 =	vld.idx.msk [tilespmem:v47+s13+$0x0], $0xffff  }
0x451: {  	v48 =	vld.idx.msk [tilespmem:v28+s13+$0x0], $0xffff;
	[tilespmem:s16+$0x0] =	vst v8  }
0x452: {  	s17 =	sadd.s32 $0x7B80, s26;
	v49 =	vadd.s32 $0x1780, v1;
	v47 =	vld.idx.msk [tilespmem:v46+s13+$0x0], $0xffff  }
0x453: {  	s18 =	sor.u32 s23, s17  }
0x454: {  	s19 =	sor.u32 s25, s17;
	[tilespmem:s18+$0x0] =	vst v37  }
0x455: {  	s0 =	sor.u32 s22, s17;
	v6 =	vld.idx.msk [tilespmem:v40+s13+$0x0], $0xffff;
	[tilespmem:s19+$0x0] =	vst v39  }
0x456: {  	v50 =	vadd.s32 $0x1800, v2;
	s28 =	sor.u32 s24, s17;
	[tilespmem:s0+$0x0] =	vst v48;
	v7 =	vld.idx.msk [tilespmem:v62+s13+$0x0], $0xffff  }
0x457: {  	v10 =	vld.idx.msk [tilespmem:v49+s13+$0x0], $0xffff;
	[tilespmem:s28+$0x0] =	vst v47  }
0x458: {  	s30 =	sadd.s32 $0x7C00, s26;
	v62 =	vadd.s32 $0x1800, v1;
	v9 =	vld.idx.msk [tilespmem:v36+s13+$0x0], $0xffff  }
0x459: {  	s31 =	sor.u32 s23, s30  }
0x45a: {  	s3 =	sor.u32 s25, s30;
	[tilespmem:s31+$0x0] =	vst v6  }
0x45b: {  	s0 =	sor.u32 s22, s30;
	v6 =	vld.idx.msk [tilespmem:v50+s13+$0x0], $0xffff;
	[tilespmem:s3+$0x0] =	vst v7  }
0x45c: {  	v63 =	vadd.s32 $0x1880, v2;
	s11 =	sor.u32 s24, s30;
	[tilespmem:s0+$0x0] =	vst v10;
	v7 =	vld.idx.msk [tilespmem:v56+s13+$0x0], $0xffff  }
0x45d: {  	v10 =	vld.idx.msk [tilespmem:v62+s13+$0x0], $0xffff;
	[tilespmem:s11+$0x0] =	vst v9  }
0x45e: {  	v12 =	vadd.s32 $0x1880, v1;
	s16 =	sadd.s32 $0x8880, s26;
	v9 =	vld.idx.msk [tilespmem:v57+s13+$0x0], $0xffff  }
0x45f: {  	s17 =	sor.u32 s23, s16  }
0x460: {  	s18 =	sor.u32 s25, s16;
	[tilespmem:s17+$0x0] =	vst v6  }
0x461: {  	s0 =	sor.u32 s22, s16;
	v6 =	vld.idx.msk [tilespmem:v63+s13+$0x0], $0xffff;
	[tilespmem:s18+$0x0] =	vst v7  }
0x462: {  	s19 =	sor.u32 s24, s16;
	[tilespmem:s0+$0x0] =	vst v10;
	v7 =	vld.idx.msk [tilespmem:v60+s13+$0x0], $0xffff  }
0x463: {  	v10 =	vld.idx.msk [tilespmem:v12+s13+$0x0], $0xffff;
	[tilespmem:s19+$0x0] =	vst v9  }
0x464: {  	s28 =	sadd.s32 $0x8900, s26;
	v9 =	vld.idx.msk [tilespmem:v34+s13+$0x0], $0xffff  }
0x465: {  	s30 =	sor.u32 s23, s28  }
0x466: {  	s31 =	sor.u32 s25, s28;
	[tilespmem:s30+$0x0] =	vst v6  }
0x467: {  	s0 =	sor.u32 s22, s28;
	[tilespmem:s31+$0x0] =	vst v7  }
0x468: {  	s3 =	sor.u32 s24, s28;
	[tilespmem:s0+$0x0] =	vst v10  }
0x469: {  	[tilespmem:s3+$0x0] =	vst v9  }
0x46a: {  	v13 =	vadd.s32 $0x1900, v2;
	v9 =	vld [tilespmem:$0x1FDC0];
	_ =	sdelay $0x1  }
0x46b: {  	v25 =	vadd.s32 $0x1900, v1;
	_ =	sdelay $0x2  }
0x46c: {  	v6 =	vld.idx.msk [tilespmem:v13+s13+$0x0], $0xffff  }
0x46d: {  	v7 =	vld.idx.msk [tilespmem:v38+s13+$0x0], $0xffff  }
0x46e: {  	v10 =	vld.idx.msk [tilespmem:v25+s13+$0x0], $0xffff  }
0x46f: {  	s11 =	sadd.s32 $0x8980, s26;
	v9 =	vld.idx.msk [tilespmem:v9+s13+$0x0], $0xffff  }
0x470: {  	s16 =	sor.u32 s23, s11  }
0x471: {  	s17 =	sor.u32 s25, s11;
	[tilespmem:s16+$0x0] =	vst v6  }
0x472: {  	s0 =	sor.u32 s22, s11;
	[tilespmem:s17+$0x0] =	vst v7  }
0x473: {  	s18 =	sor.u32 s24, s11;
	[tilespmem:s0+$0x0] =	vst v10  }
0x474: {  	v28 =	vadd.s32 $0x1980, v2;
	[tilespmem:s18+$0x0] =	vst v9  }
0x475: {  	v9 =	vld [tilespmem:$0x1FDD0];
	_ =	sdelay $0x3  }
0x476: {  	v6 =	vld.idx.msk [tilespmem:v28+s13+$0x0], $0xffff  }
0x477: {  	v37 =	vld.idx.msk [tilespmem:v55+s13+$0x0], $0xffff;
	_ =	sdelay $0x1  }
0x478: {  	s19 =	sadd.s32 $0x8A00, s26  }
0x479: {  	s28 =	sor.u32 s23, s19;
	v9 =	vld.idx.msk [tilespmem:v9+s13+$0x0], $0xffff  }
0x47a: {  	s30 =	sor.u32 s25, s19;
	[tilespmem:s28+$0x0] =	vst v6  }
0x47b: {  	v34 =	vadd.s32 $0x1980, v1;
	[tilespmem:s30+$0x0] =	vst v37  }
0x47c: {  	v8 =	vld [tilespmem:$0x1FDE0]  }
0x47d: {  	s31 =	sor.u32 s24, s19  }
0x47e: {  	v36 =	vadd.s32 $0x1A00, v2;
	[tilespmem:s31+$0x0] =	vst v9  }
0x47f: {  	v9 =	vld [tilespmem:$0x1FDF0]  }
0x480: {  	v10 =	vld.idx.msk [tilespmem:v34+s13+$0x0], $0xffff  }
0x481: {  	v38 =	vadd.s32 $0x1A00, v1;
	_ =	sdelay $0x1  }
0x482: {  	v6 =	vld.idx.msk [tilespmem:v36+s13+$0x0], $0xffff  }
0x483: {  	v39 =	vadd.s32 $0x1A80, v2;
	s0 =	sor.u32 s22, s19;
	v8 =	vld.idx.msk [tilespmem:v8+s13+$0x0], $0xffff  }
0x484: {  	[tilespmem:s0+$0x0] =	vst v10  }
0x485: {  	s3 =	sadd.s32 $0x8A80, s26;
	v10 =	vld.idx.msk [tilespmem:v38+s13+$0x0], $0xffff  }
0x486: {  	v40 =	vadd.s32 $0x1A80, v1;
	s11 =	sor.u32 s23, s3;
	v9 =	vld.idx.msk [tilespmem:v9+s13+$0x0], $0xffff  }
0x487: {  	s16 =	sor.u32 s25, s3;
	[tilespmem:s11+$0x0] =	vst v6  }
0x488: {  	[tilespmem:s16+$0x0] =	vst v8;
	v6 =	vld.idx.msk [tilespmem:v39+s13+$0x0], $0xffff  }
0x489: {  	v46 =	vadd.s32 $0x1B00, v2;
	s0 =	sor.u32 s22, s3;
	v8 =	vld.idx.msk [tilespmem:v54+s13+$0x0], $0xffff  }
0x48a: {  	s17 =	sor.u32 s24, s3;
	[tilespmem:s0+$0x0] =	vst v10  }
0x48b: {  	s18 =	sadd.s32 $0x8B00, s26;
	v10 =	vld.idx.msk [tilespmem:v40+s13+$0x0], $0xffff;
	[tilespmem:s17+$0x0] =	vst v9  }
0x48c: {  	v47 =	vadd.s32 $0x1B00, v1;
	s19 =	sor.u32 s23, s18;
	v9 =	vld.idx.msk [tilespmem:v58+s13+$0x0], $0xffff  }
0x48d: {  	s28 =	sor.u32 s25, s18;
	[tilespmem:s19+$0x0] =	vst v6  }
0x48e: {  	[tilespmem:s28+$0x0] =	vst v8;
	v6 =	vld.idx.msk [tilespmem:v46+s13+$0x0], $0xffff  }
0x48f: {  	v48 =	vadd.s32 $0x1B80, v2;
	s0 =	sor.u32 s22, s18;
	v8 =	vld.idx.msk [tilespmem:v53+s13+$0x0], $0xffff  }
0x490: {  	s30 =	sor.u32 s24, s18;
	[tilespmem:s0+$0x0] =	vst v10  }
0x491: {  	s31 =	sadd.s32 $0x8B80, s26;
	v10 =	vld.idx.msk [tilespmem:v47+s13+$0x0], $0xffff;
	[tilespmem:s30+$0x0] =	vst v9  }
0x492: {  	v49 =	vadd.s32 $0x1B80, v1;
	s3 =	sor.u32 s23, s31;
	v9 =	vld.idx.msk [tilespmem:v59+s13+$0x0], $0xffff  }
0x493: {  	s11 =	sor.u32 s25, s31;
	[tilespmem:s3+$0x0] =	vst v6  }
0x494: {  	[tilespmem:s11+$0x0] =	vst v8;
	v6 =	vld.idx.msk [tilespmem:v48+s13+$0x0], $0xffff  }
0x495: {  	v50 =	vadd.s32 $0x1C00, v2;
	s0 =	sor.u32 s22, s31;
	v8 =	vld.idx.msk [tilespmem:v52+s13+$0x0], $0xffff  }
0x496: {  	s16 =	sor.u32 s24, s31;
	[tilespmem:s0+$0x0] =	vst v10  }
0x497: {  	s17 =	sadd.s32 $0x8C00, s26;
	v10 =	vld.idx.msk [tilespmem:v49+s13+$0x0], $0xffff;
	[tilespmem:s16+$0x0] =	vst v9  }
0x498: {  	v52 =	vadd.s32 $0x1C00, v1;
	s18 =	sor.u32 s23, s17;
	v9 =	vld.idx.msk [tilespmem:v33+s13+$0x0], $0xffff  }
0x499: {  	s19 =	sor.u32 s25, s17;
	[tilespmem:s18+$0x0] =	vst v6  }
0x49a: {  	[tilespmem:s19+$0x0] =	vst v8;
	v7 =	vld.idx.msk [tilespmem:v50+s13+$0x0], $0xffff  }
0x49b: {  	[tilespmem:s12+$0x0] =	vst v3;
	v54 =	vadd.s32 $0x1C80, v2;
	s0 =	sor.u32 s22, s17;
	v55 =	vld.idx.msk [tilespmem:v42+s13+$0x0], $0xffff  }
0x49c: {  	s28 =	sor.u32 s24, s17;
	[tilespmem:s0+$0x0] =	vst v10  }
0x49d: {  	s30 =	sadd.s32 $0x9880, s26;
	v3 =	vld.idx.msk [tilespmem:v52+s13+$0x0], $0xffff;
	[tilespmem:s28+$0x0] =	vst v9  }
0x49e: {  	[tilespmem:s10+$0x0] =	vst v4;
	v58 =	vadd.s32 $0x1C80, v1;
	s31 =	sor.u32 s23, s30;
	v56 =	vld.idx.msk [tilespmem:v51+s13+$0x0], $0xffff  }
0x49f: {  	v57 =	vld.idx.msk [tilespmem:v32+s13+$0x0], $0xffff;
	s3 =	sor.u32 s25, s30;
	[tilespmem:s31+$0x0] =	vst v7  }
0x4a0: {  	v53 =	vadd.s32 $0x1D80, v0;
	[tilespmem:s3+$0x0] =	vst v55;
	v7 =	vld.idx.msk [tilespmem:v54+s13+$0x0], $0xffff  }
0x4a1: {  	[tilespmem:s29+$0x0] =	vst v5;
	v59 =	vadd.s32 $0x1D00, v2;
	s0 =	sor.u32 s22, s30;
	v9 =	vld.idx.msk [tilespmem:v19+s13+$0x0], $0xffff  }
0x4a2: {  	v63 =	vld.idx.msk [tilespmem:v29+s13+$0x0], $0xffff;
	s10 =	sor.u32 s24, s30;
	[tilespmem:s0+$0x0] =	vst v3  }
0x4a3: {  	s11 =	sadd.s32 $0x9900, s26;
	v62 =	vld.idx.msk [tilespmem:v58+s13+$0x0], $0xffff;
	[tilespmem:s10+$0x0] =	vst v56  }
0x4a4: {  	v12 =	vadd.s32 $0x1D00, v1;
	[tilespmem:s20+$0x0] =	vst v57;
	s12 =	sor.u32 s23, s11;
	v60 =	vld.idx.msk [tilespmem:v20+s13+$0x0], $0xffff  }
0x4a5: {  	v6 =	vld.idx.msk [tilespmem:v53+s13+$0x0], $0xffff;
	s16 =	sor.u32 s25, s11;
	[tilespmem:s12+$0x0] =	vst v7  }
0x4a6: {  	v7 =	vld.idx.msk [tilespmem:v59+s13+$0x0], $0xffff;
	[tilespmem:s16+$0x0] =	vst v9  }
0x4a7: {  	[tilespmem:s21+$0x0] =	vst v63;
	s0 =	sor.u32 s22, s11;
	v25 =	vld.idx.msk [tilespmem:v16+s13+$0x0], $0xffff;
	v20 =	vadd.s32 $0x1D80, v2  }
0x4a8: {  	s17 =	sor.u32 s24, s11;
	v19 =	vld.idx.msk [tilespmem:v30+s13+$0x0], $0xffff;
	[tilespmem:s0+$0x0] =	vst v62  }
0x4a9: {  	v13 =	vadd.s32 $0x1E00, v0;
	s18 =	sadd.s32 $0x9980, s26;
	v29 =	vld.idx.msk [tilespmem:v12+s13+$0x0], $0xffff;
	[tilespmem:s17+$0x0] =	vst v60  }
0x4aa: {  	v32 =	vadd.s32 $0x1D80, v1;
	s19 =	sor.u32 s23, s18;
	[tilespmem:s9+$0x0] =	vst v6;
	v28 =	vld.idx.msk [tilespmem:v17+s13+$0x0], $0xffff  }
0x4ab: {  	s20 =	sor.u32 s25, s18;
	v33 =	vld.idx.msk [tilespmem:v27+s13+$0x0], $0xffff;
	[tilespmem:s19+$0x0] =	vst v7  }
0x4ac: {  	[tilespmem:s20+$0x0] =	vst v25;
	v3 =	vld.idx.msk [tilespmem:v20+s13+$0x0], $0xffff  }
0x4ad: {  	v36 =	vadd.s32 $0x1E00, v2;
	[tilespmem:s2+$0x0] =	vst v19;
	s0 =	sor.u32 s22, s18;
	v8 =	vld.idx.msk [tilespmem:v14+s13+$0x0], $0xffff  }
0x4ae: {  	s21 =	sor.u32 s24, s18;
	v30 =	vld.idx.msk [tilespmem:v13+s13+$0x0], $0xffff;
	[tilespmem:s0+$0x0] =	vst v29  }
0x4af: {  	v34 =	vadd.s32 $0x1E80, v0;
	s28 =	sadd.s32 $0x9A00, s26;
	v38 =	vld.idx.msk [tilespmem:v32+s13+$0x0], $0xffff;
	[tilespmem:s21+$0x0] =	vst v28  }
0x4b0: {  	v40 =	vadd.s32 $0x1E00, v1;
	s29 =	sor.u32 s23, s28;
	v37 =	vld.idx.msk [tilespmem:v45+s13+$0x0], $0xffff;
	s0 =	rddreg [dreg:$0xe];
	[tilespmem:s14+$0x0] =	vst v33  }
0x4b1: {  	s30 =	sor.u32 s25, s28;
	v39 =	vld.idx.msk [tilespmem:v26+s13+$0x0], $0xffff;
	[tilespmem:s29+$0x0] =	vst v3  }
0x4b2: {  	[tilespmem:s30+$0x0] =	vst v8;
	v3 =	vld.idx.msk [tilespmem:v36+s13+$0x0], $0xffff  }
0x4b3: {  	v42 =	vadd.s32 $0x1E80, v2;
	[tilespmem:s0+$0x0] =	vst v30;
	s0 =	sor.u32 s22, s28;
	v45 =	vld.idx.msk [tilespmem:v41+s13+$0x0], $0xffff  }
0x4b4: {  	s31 =	sor.u32 s24, s28;
	v7 =	vld.idx.msk [tilespmem:v34+s13+$0x0], $0xffff;
	[tilespmem:s0+$0x0] =	vst v38  }
0x4b5: {  	s2 =	sadd.s32 $0x9A80, s26;
	v47 =	vld.idx.msk [tilespmem:v40+s13+$0x0], $0xffff;
	[tilespmem:s31+$0x0] =	vst v37  }
0x4b6: {  	v49 =	vadd.s32 $0x1E80, v1;
	s3 =	sor.u32 s23, s2;
	[tilespmem:s8+$0x0] =	vst v39;
	v46 =	vld.idx.msk [tilespmem:v44+s13+$0x0], $0xffff  }
0x4b7: {  	s8 =	sor.u32 s25, s2;
	v48 =	vld.idx.msk [tilespmem:v24+s13+$0x0], $0xffff;
	s1 =	rddreg [dreg:$0xd];
	[tilespmem:s3+$0x0] =	vst v3  }
0x4b8: {  	[tilespmem:s8+$0x0] =	vst v45;
	v3 =	vld.idx.msk [tilespmem:v42+s13+$0x0], $0xffff  }
0x4b9: {  	v51 =	vadd.s32 $0x1F00, v2;
	s0 =	sor.u32 s22, s2;
	[tilespmem:s1+$0x0] =	vst v7;
	v5 =	vld.idx.msk [tilespmem:v43+s13+$0x0], $0xffff  }
0x4ba: {  	s9 =	sor.u32 s24, s2;
	v11 =	vld.idx.msk [tilespmem:v61+s13+$0x0], $0xffff;
	[tilespmem:s0+$0x0] =	vst v47  }
0x4bb: {  	v50 =	vadd.s32 $0x1F00, v0;
	s10 =	sadd.s32 $0x9B00, s26;
	v7 =	vld.idx.msk [tilespmem:v49+s13+$0x0], $0xffff;
	[tilespmem:s9+$0x0] =	vst v46  }
0x4bc: {  	v53 =	vadd.s32 $0x1F00, v1;
	s11 =	sor.u32 s23, s10;
	[tilespmem:s6+$0x0] =	vst v48;
	v6 =	vld.idx.msk [tilespmem:v35+s13+$0x0], $0xffff  }
0x4bd: {  	s12 =	sor.u32 s25, s10;
	v54 =	vld.idx.msk [tilespmem:v23+s13+$0x0], $0xffff;
	[tilespmem:s11+$0x0] =	vst v3  }
0x4be: {  	[tilespmem:s12+$0x0] =	vst v5;
	v3 =	vld.idx.msk [tilespmem:v51+s13+$0x0], $0xffff  }
0x4bf: {  	v56 =	vadd.s32 $0x1F80, v2;
	[tilespmem:s4+$0x0] =	vst v11;
	s0 =	sor.u32 s22, s10;
	v57 =	vld.idx.msk [tilespmem:v18+s13+$0x0], $0xffff  }
0x4c0: {  	s14 =	sor.u32 s24, s10;
	v52 =	vld.idx.msk [tilespmem:v50+s13+$0x0], $0xffff;
	[tilespmem:s0+$0x0] =	vst v7  }
0x4c1: {  	v55 =	vadd.s32 $0x1F80, v0;
	s16 =	sadd.s32 $0x9B80, s26;
	v59 =	vld.idx.msk [tilespmem:v53+s13+$0x0], $0xffff;
	[tilespmem:s14+$0x0] =	vst v6  }
0x4c2: {  	s17 =	sor.u32 s23, s16;
	v61 =	vadd.s32 $0x1F80, v1;
	v58 =	vld.idx.msk [tilespmem:v15+s13+$0x0], $0xffff;
	s0 =	rddreg [dreg:$0xc];
	[tilespmem:s7+$0x0] =	vst v54  }
0x4c3: {  	s18 =	sor.u32 s25, s16;
	v60 =	vld.idx.msk [tilespmem:v22+s13+$0x0], $0xffff;
	[tilespmem:s17+$0x0] =	vst v3  }
0x4c4: {  	[tilespmem:s18+$0x0] =	vst v57;
	v2 =	vld.idx.msk [tilespmem:v56+s13+$0x0], $0xffff  }
0x4c5: {  	[tilespmem:s0+$0x0] =	vst v52;
	s0 =	sor.u32 s22, s16;
	v62 =	vld.idx.msk [tilespmem:v31+s13+$0x0], $0xffff  }
0x4c6: {  	s19 =	sor.u32 s24, s16;
	v0 =	vld.idx.msk [tilespmem:v55+s13+$0x0], $0xffff;
	[tilespmem:s0+$0x0] =	vst v59  }
0x4c7: {  	s20 =	sadd.s32 $0x9C00, s26;
	v1 =	vld.idx.msk [tilespmem:v61+s13+$0x0], $0xffff;
	[tilespmem:s19+$0x0] =	vst v58  }
0x4c8: {  	s21 =	sor.u32 s23, s20;
	[tilespmem:s15+$0x0] =	vst v60;
	v63 =	vld.idx.msk [tilespmem:v21+s13+$0x0], $0xffff  }
0x4c9: {  	s23 =	sor.u32 s25, s20;
	[tilespmem:s21+$0x0] =	vst v2  }
0x4ca: {  	[tilespmem:s23+$0x0] =	vst v62  }
0x4cb: {  	s0 =	sor.u32 s22, s20;
	[tilespmem:s5+$0x0] =	vst v0  }
0x4cc: {  	s25 =	sor.u32 s24, s20;
	[tilespmem:s0+$0x0] =	vst v1  }
0x4cd: {  	s26 =	simm.s32 $0x1000;
	s29 =	simm.s32 $0x2;
	[tilespmem:s25+$0x0] =	vst v63  }
0x4ce: {  	s28 =	simm.s32 $0x20000;
	s3 =	simm.s32 $0x6880;
	s0 =	rddreg [dreg:$0x15]  }
0x4cf: {  	[hbm4b:s0+s26] =	stream.strided.scatter [tilespmem:s3], [sflag:$0x2], $0x4000, s28, s26, $0x38;
	[tilespmem:$0xA880] =	vst v63  }
0x4d0: {  	_ =	swait.ge [sflag:s29], $0x4000  }
0x4d1: {  	[sflag:s29] =	ssyncset.done $0x0  }
0x4d2: {  	[sflag:s29] =	ssyncadd.s32 $0xFFFFC000  }
0x4d3: {  	_ =	swait.ge [sflag:s29], $0x200  }
0x4d4: {  	[sflag:s29] =	ssyncset.done $0x0  }
0x4d5: {  	[sflag:s29] =	ssyncadd.s32 $0xFFFFFE00  }
0x4d6: {  	_ =	swait.ge [sflag:s29], $0x4000  }
0x4d7: {  	s30 =	rddreg [dreg:$0x17]  }
0x4d8: {  	s31 =	rddreg [dreg:$0x16];
	s2 =	sadd.s32 $0x1, s30  }
0x4d9: {  	p0 =	sne.s32 s2, s31  }
.Ltmp3:
0x4da: {  	_ = 	snop;
	(pc) =	sbr.rel @p0 .LBB2_1-.Ltmp3, $3  }
0x4db: {  	_ =	sdelay $0x1  }
0x4dc: {  	[sflag:s29] =	ssyncset.done $0x0  }
0x4dd: {  	s8 =	simm.s32 $0x600;
	[sflag:s29] =	ssyncadd.s32 $0xFFFFC000  }
0x4de: {  	_ =	sfence.sel $0x180000  }
0x4df: {  	[bflag:$0x0] =	sbarrier.arrive $0xFFFF  }
0x4e0: {  	_ =	strace $0x90000047  }
0x4e1: {  	s0 =	stileid.u32;
	[bflag:$0x2] =	sbarrier.arrive $0xFFFF  }
0x4e2: {  	p0 =	sne.s32 s0, $0x0;
	s0 =	rddreg [dreg:$0x5]  }
0x4e3: {  	s0 =	sadd.s32 @!p0 $0x100000, s0  }
0x4e4: {  	[sflag:s0] =	ssyncadd.tile.s32 @!p0 $0x1;
	_ =	shalt  }
.Lfunc_end2:
_tile_overlayer_lowered:
.L_overlay_start_2:
0x4e5: {  	(tag) =	ssettag $0x2  }
0x4e6: {  	s0 =	rddreg [dreg:$0x0];
	s2 =	stileid.u32  }
0x4e7: {  	s1 =	rddreg [dreg:$0x1];
	p0 =	sne.s32 s2, $0x0  }
0x4e8: {  	s3 =	rddreg [dreg:$0x2];
	[bflag:$0x3] =	sbarrier.arrive $0xFFFF;
	s2 =	simm.s32 @!p0 $0x1C03  }
0x4e9: {  	[timem:s3], [sflag:s2] =	dma.local @!p0 [hbm:s0], s1  }
0x4ea: {  	s0 =	simm.s32 @!p0 $0x3  }
0x4eb: {  	_ =	swait.ge @!p0 [sflag:s0], s1  }
0x4ec: {  	s1 =	ssub.s32 @!p0 $0x0, s1;
	[sflag:s0] =	ssyncset.done @!p0 $0x0  }
0x4ed: {  	[sflag:s0] =	ssyncadd.s32 @!p0 s1  }
0x4ee: {  	[bflag:$0x3] =	sbarrier.arrive $0xFFFF  }
0x4ef: {  	_ =	shalt  }

</sc_bundles>
